<compile_context>
chip_gen: v7x
topology: tpu7x:2x2x1
jax: 0.10.2.dev20260603
libtpu: 0.0.44.dev20260713+nightly
codegen_flags: <defaults>
</compile_context>

<pallas_src>
import jax
import jax.numpy as jnp
from jax import lax
from jax.experimental import pallas as pl
from jax.experimental.pallas import tpu as pltpu
from jax.experimental.pallas import tpu_sc as plsc

N_U = 5000
N = 10000
D = 128
NNZ = 160000

NC = 2
NS = 16
L = 16

EDGES_PER_TILE = NNZ // NS
CHUNK = 80
NCHUNKS = EDGES_PER_TILE // CHUNK
ACC_ROWS = 5120
ROWS_PER_TILE = ACC_ROWS // NS


def _sc_spmm_kernel(ebs, cols_u, rows_u, vals_u, cols_i, rows_i, vals_i,
                    acc_out,
                    cols_v, rows_v, vals_v, gbufs, sbufs, acc_sh,
                    gsems, ssems):
    c = lax.axis_index("c")
    s = lax.axis_index("s")

    zero = jnp.zeros((L,), jnp.float32)

    @pl.when(c == 0)
    def _load_u():
        pltpu.sync_copy(cols_u.at[s], cols_v)
        pltpu.sync_copy(rows_u.at[s], rows_v)
        pltpu.sync_copy(vals_u.at[s], vals_v)

    @pl.when(c == 1)
    def _load_i():
        pltpu.sync_copy(cols_i.at[s], cols_v)
        pltpu.sync_copy(rows_i.at[s], rows_v)
        pltpu.sync_copy(vals_i.at[s], vals_v)

    def g_start(k, b):
        pltpu.async_copy(ebs.at[cols_v.at[k]], gbufs[b], gsems[b])

    def g_wait(b):
        pltpu.make_async_copy(ebs.at[cols_v.at[0]], gbufs[b],
                              gsems[b]).wait()

    def s_start(k, b):
        pltpu.async_copy(sbufs[b], acc_sh.at[rows_v.at[k]], ssems[b],
                         add=True)

    def s_wait(b):
        pltpu.make_async_copy(sbufs[b], acc_sh.at[rows_v.at[0]],
                              ssems[b]).wait()

    def scale(k, b):
        kidx = jnp.full((L,), k, jnp.int32)
        gbuf = gbufs[b]
        sbuf = sbufs[b]

        @plsc.parallel_loop(0, CHUNK, unroll=4)
        def _scale(e):
            eidx = jnp.full((L,), e, jnp.int32)
            val = plsc.load_gather(vals_v, [kidx, eidx])
            for q in range(D // L):
                sl = pl.ds(q * L, L)
                sbuf[e, sl] = gbuf[e, sl] * val

    g_start(0, 0)
    g_start(1, 1)

    def _zero_row(e, _):
        for q in range(D // L):
            sbufs[0][e, pl.ds(q * L, L)] = zero
        return 0
    lax.fori_loop(0, CHUNK, _zero_row, 0)
    for k in range(ROWS_PER_TILE // CHUNK):
        pltpu.sync_copy(sbufs[0],
                        acc_sh.at[pl.ds(s * ROWS_PER_TILE + k * CHUNK,
                                        CHUNK)])
    plsc.subcore_barrier()

    g_wait(0)
    scale(0, 0)
    g_start(2, 0)
    s_start(0, 0)
    g_wait(1)
    scale(1, 1)
    g_start(3, 1)
    s_start(1, 1)

    def _pair(j, _):
        k0 = 2 * j
        for b in range(2):
            k = k0 + b
            s_wait(b)
            g_wait(b)
            scale(k, b)
            g_start(k + 2, b)
            s_start(k, b)
        return 0

    lax.fori_loop(1, (NCHUNKS - 3) // 2, _pair, 0)

    s_wait(0)
    g_wait(0)
    scale(NCHUNKS - 3, 0)
    g_start(NCHUNKS - 1, 0)
    s_start(NCHUNKS - 3, 0)
    s_wait(1)
    g_wait(1)
    scale(NCHUNKS - 2, 1)
    s_start(NCHUNKS - 2, 1)
    s_wait(0)
    g_wait(0)
    scale(NCHUNKS - 1, 0)
    s_start(NCHUNKS - 1, 0)
    s_wait(1)
    s_wait(0)
    plsc.subcore_barrier()

    pltpu.sync_copy(acc_sh.at[pl.ds(s * ROWS_PER_TILE, ROWS_PER_TILE)],
                    acc_out.at[pl.ds(c * ACC_ROWS + s * ROWS_PER_TILE,
                                     ROWS_PER_TILE)])


def _sc_spmm(ebs, cols_u, rows_u, vals_u, cols_i, rows_i, vals_i):
    mesh = plsc.VectorSubcoreMesh(core_axis_name="c", subcore_axis_name="s")
    return pl.kernel(
        _sc_spmm_kernel,
        out_type=jax.ShapeDtypeStruct((2 * ACC_ROWS, D), jnp.float32),
        mesh=mesh,
        compiler_params=pltpu.CompilerParams(needs_layout_passes=False),
        scratch_types=[
            pltpu.VMEM((NCHUNKS, CHUNK), jnp.int32),
            pltpu.VMEM((NCHUNKS, CHUNK), jnp.int32),
            pltpu.VMEM((NCHUNKS, CHUNK), jnp.float32),
            [pltpu.VMEM((CHUNK, D), jnp.float32) for _ in range(2)],
            [pltpu.VMEM((CHUNK, D), jnp.float32) for _ in range(2)],
            pltpu.VMEM_SHARED((ACC_ROWS, D), jnp.float32),
            [pltpu.SemaphoreType.DMA for _ in range(2)],
            [pltpu.SemaphoreType.DMA for _ in range(2)],
        ],
    )(ebs, cols_u, rows_u, vals_u, cols_i, rows_i, vals_i)


ROW_BLK = 1000


def _mm_relu_kernel(a_ref, w_ref, o_ref):
    o_ref[...] = jnp.maximum(
        jnp.dot(a_ref[0], w_ref[0], preferred_element_type=jnp.float32), 0.0)


def _mm_relu(acc, w_all):
    return pl.pallas_call(
        _mm_relu_kernel,
        out_shape=jax.ShapeDtypeStruct((N, D), jnp.float32),
        grid=(2, N_U // ROW_BLK),
        in_specs=[
            pl.BlockSpec((1, ROW_BLK, D), lambda e, b: (e, b, 0)),
            pl.BlockSpec((1, D, D), lambda e, b: (e, 0, 0)),
        ],
        out_specs=pl.BlockSpec((ROW_BLK, D),
                               lambda e, b: (e * (N_U // ROW_BLK) + b, 0)),
    )(acc, w_all)


def kernel(ebs, li_rows_u, li_cols_u, li_vals_u, l_rows_u, l_cols_u, l_vals_u,
           li_rows_i, li_cols_i, li_vals_i, l_rows_i, l_cols_i, l_vals_i,
           W_side_u, W_dot_u, W_side_i, W_dot_i):
    shp = (NS, NCHUNKS, CHUNK)
    acc = _sc_spmm(ebs,
                   li_cols_u.reshape(shp), li_rows_u.reshape(shp),
                   li_vals_u.reshape(shp),
                   li_cols_i.reshape(shp), li_rows_i.reshape(shp),
                   li_vals_i.reshape(shp))
    w_all = jnp.stack([W_side_u, W_side_i])
    return _mm_relu(acc.reshape(2, ACC_ROWS, D), w_all)

# --- scband reference (transcript-rebuilt; emitter-appended) ---
"""Pipeline reference for scband-pure-gnn-27659589386259 (READ-ONLY COPY).

The authoritative reference and input builder live on the scoring server;
editing this copy changes nothing except your own understanding.
"""

import jax, jax.numpy as jnp
import numpy as np

N_U = 5000
N_I = 5000
N = N_U + N_I
D = 128
NNZ = 160000


def _spmm(rows, cols, vals, dense, n_rows):
    # sparse(n_rows, N) @ dense(N, D) via gather + segment-sum
    gathered = jnp.take(dense, cols, axis=0)  # [NNZ, D]
    return jax.ops.segment_sum(vals[:, None] * gathered, rows, num_segments=n_rows)


def setup_inputs(seed: int = 0) -> dict:
    key = jax.random.key(seed)
    ks = jax.random.split(key, 20)
    inp = {}
    inp['ebs'] = jax.random.normal(ks[0], (N, D), dtype=jnp.float32) * 0.1
    inp['li_rows_u'] = jax.random.randint(ks[1], (NNZ,), 0, N_U, dtype=jnp.int32)
    inp['li_cols_u'] = jax.random.randint(ks[2], (NNZ,), 0, N, dtype=jnp.int32)
    inp['li_vals_u'] = jax.random.uniform(ks[3], (NNZ,), dtype=jnp.float32)
    inp['l_rows_u'] = jax.random.randint(ks[4], (NNZ,), 0, N_U, dtype=jnp.int32)
    inp['l_cols_u'] = jax.random.randint(ks[5], (NNZ,), 0, N, dtype=jnp.int32)
    inp['l_vals_u'] = jax.random.uniform(ks[6], (NNZ,), dtype=jnp.float32)
    inp['li_rows_i'] = jax.random.randint(ks[7], (NNZ,), 0, N_I, dtype=jnp.int32)
    inp['li_cols_i'] = jax.random.randint(ks[8], (NNZ,), 0, N, dtype=jnp.int32)
    inp['li_vals_i'] = jax.random.uniform(ks[9], (NNZ,), dtype=jnp.float32)
    inp['l_rows_i'] = jax.random.randint(ks[10], (NNZ,), 0, N_I, dtype=jnp.int32)
    inp['l_cols_i'] = jax.random.randint(ks[11], (NNZ,), 0, N, dtype=jnp.int32)
    inp['l_vals_i'] = jax.random.uniform(ks[12], (NNZ,), dtype=jnp.float32)
    s = 1.0 / np.sqrt(D)
    inp['W_side_u'] = jax.random.normal(ks[13], (D, D), dtype=jnp.float32) * s
    inp['W_dot_u'] = jax.random.normal(ks[14], (D, D), dtype=jnp.float32) * s
    inp['W_side_i'] = jax.random.normal(ks[15], (D, D), dtype=jnp.float32) * s
    inp['W_dot_i'] = jax.random.normal(ks[16], (D, D), dtype=jnp.float32) * s
    return inp


def reference(ebs, li_rows_u, li_cols_u, li_vals_u, l_rows_u, l_cols_u, l_vals_u,
              li_rows_i, li_cols_i, li_vals_i, l_rows_i, l_cols_i, l_vals_i,
              W_side_u, W_dot_u, W_side_i, W_dot_i):
    # bounds: user -> (0, N_U), item -> (N_U, N); dot=True; train_flag irrelevant (dropout_flag=False)
    entities = [
        (0, N_U, li_rows_u, li_cols_u, li_vals_u, l_rows_u, l_cols_u, l_vals_u, W_side_u, W_dot_u),
        (N_U, N, li_rows_i, li_cols_i, li_vals_i, l_rows_i, l_cols_i, l_vals_i, W_side_i, W_dot_i),
    ]
    folds = []
    for (start, end, li_r, li_c, li_v, l_r, l_c, l_v, W_side, W_dot) in entities:
        n_e = end - start
        LI_side_embed = _spmm(li_r, li_c, li_v, ebs, n_e)
        sum_embed = LI_side_embed @ W_side
        # dot branch (computed as in source, then overwritten, faithful to original bug)
        entity_emb = ebs[start:end]
        L_side_embed = _spmm(l_r, l_c, l_v, ebs, n_e)
        dot_embed = (L_side_embed * entity_emb) @ W_dot
        fold = jax.nn.relu(sum_embed + dot_embed)
        fold = jax.nn.relu(sum_embed)  # overwrite, as in original code
        folds.append(fold)
    agg = jnp.concatenate(folds, axis=0)
    return agg

if __name__ == "__main__":
    import jax
    _d = setup_inputs()
    print(jax.jit(kernel)(*tuple(_d.values())))

</pallas_src>

<mosaic_0001>
#map = affine_map<(d0, d1) -> (0, 0)>
#map1 = affine_map<(d0, d1) -> (0, 0, 0)>
module attributes {stable_mosaic.version = 14 : i64} {
  func.func @_sc_spmm_kernel(%arg0: i32, %arg1: i32, %arg2: memref<10000x128xf32, #tpu.memory_space<hbm>>, %arg3: memref<16x125x80xi32, #tpu.memory_space<hbm>>, %arg4: memref<16x125x80xi32, #tpu.memory_space<hbm>>, %arg5: memref<16x125x80xf32, #tpu.memory_space<hbm>>, %arg6: memref<16x125x80xi32, #tpu.memory_space<hbm>>, %arg7: memref<16x125x80xi32, #tpu.memory_space<hbm>>, %arg8: memref<16x125x80xf32, #tpu.memory_space<hbm>>, %arg9: memref<10240x128xf32, #tpu.memory_space<hbm>>, %arg10: memref<125x80xi32, #tpu.memory_space<vmem>>, %arg11: memref<125x80xi32, #tpu.memory_space<vmem>>, %arg12: memref<125x80xf32, #tpu.memory_space<vmem>>, %arg13: memref<80x128xf32, #tpu.memory_space<vmem>>, %arg14: memref<80x128xf32, #tpu.memory_space<vmem>>, %arg15: memref<80x128xf32, #tpu.memory_space<vmem>>, %arg16: memref<80x128xf32, #tpu.memory_space<vmem>>, %arg17: memref<5120x128xf32, #tpu.memory_space<vmem_shared>>, %arg18: memref<!tpu.dma_semaphore, #tpu.memory_space<semaphore_mem>>, %arg19: memref<!tpu.dma_semaphore, #tpu.memory_space<semaphore_mem>>, %arg20: memref<!tpu.dma_semaphore, #tpu.memory_space<semaphore_mem>>, %arg21: memref<!tpu.dma_semaphore, #tpu.memory_space<semaphore_mem>>) attributes {dimension_semantics = [#tpu.dimension_semantics<core_parallel>, #tpu.dimension_semantics<subcore_parallel>], iteration_bounds = array<i64: 2, 16>, scalar_prefetch = 0 : i64, scratch_operands = 12 : i64, tpu.core_type = #tpu.core_type<sc_vector_subcore>, window_params = [{transform_indices = #map}, {transform_indices = #map1}, {transform_indices = #map1}, {transform_indices = #map1}, {transform_indices = #map1}, {transform_indices = #map1}, {transform_indices = #map1}, {transform_indices = #map}]} {
    %broadcast_in_dim3A = arith.constant 0.000000e+00 : f32
    %broadcast_in_dim3A_0 = vector.broadcast %broadcast_in_dim3A : f32 to vector<16xf32>
    %eq3A = arith.constant 0 : i32
    %eq3A_1 = arith.cmpi eq, %arg0, %eq3A : i32
    %convert_element_type3A = arith.extui %eq3A_1 : i1 to i32
    %cond3A = arith.constant 0 : i32
    %cond3A_2 = arith.cmpi ne, %convert_element_type3A, %cond3A : i32
    scf.if %cond3A_2 {
      "tpu.region"() ({
        %run_scoped3A = tpu.sem_alloc : memref<!tpu.dma_semaphore, #tpu.memory_space<semaphore_mem>>
        %dma_start3A_205 = arith.constant 0 : i32
        %dma_start3A_206 = arith.constant 0 : i32
        %dma_start3A_207 = tpu.memref_slice %arg3[%arg1, %dma_start3A_205, %dma_start3A_206] : memref<16x125x80xi32, #tpu.memory_space<hbm>> -> memref<1x125x80xi32, #tpu.memory_space<hbm>>
        %dma_start3A_208 = tpu.memref_squeeze %dma_start3A_207 : memref<1x125x80xi32, #tpu.memory_space<hbm>> -> memref<125x80xi32, #tpu.memory_space<hbm>>
        %dma_start3A_209 = arith.constant 0 : i32
        %dma_start3A_210 = arith.constant 0 : i32
        %dma_start3A_211 = tpu.memref_slice %arg3[%arg1, %dma_start3A_209, %dma_start3A_210] : memref<16x125x80xi32, #tpu.memory_space<hbm>> -> memref<1x125x80xi32, #tpu.memory_space<hbm>>
        %dma_start3A_212 = tpu.memref_squeeze %dma_start3A_211 : memref<1x125x80xi32, #tpu.memory_space<hbm>> -> memref<125x80xi32, #tpu.memory_space<hbm>>
        tpu.enqueue_dma source(%dma_start3A_212 : memref<125x80xi32, #tpu.memory_space<hbm>>) target(%arg10 : memref<125x80xi32, #tpu.memory_space<vmem>>) target_semaphore(%run_scoped3A : memref<!tpu.dma_semaphore, #tpu.memory_space<semaphore_mem>>)
        %dma_wait3A_213 = arith.constant 0 : i32
        %dma_wait3A_214 = arith.constant 0 : i32
        %dma_wait3A_215 = tpu.memref_slice %arg3[%arg1, %dma_wait3A_213, %dma_wait3A_214] : memref<16x125x80xi32, #tpu.memory_space<hbm>> -> memref<1x125x80xi32, #tpu.memory_space<hbm>>
        %dma_wait3A_216 = tpu.memref_squeeze %dma_wait3A_215 : memref<1x125x80xi32, #tpu.memory_space<hbm>> -> memref<125x80xi32, #tpu.memory_space<hbm>>
        %dma_wait3A_217 = arith.constant 0 : i32
        %dma_wait3A_218 = arith.constant 0 : i32
        %dma_wait3A_219 = tpu.memref_slice %arg3[%arg1, %dma_wait3A_217, %dma_wait3A_218] : memref<16x125x80xi32, #tpu.memory_space<hbm>> -> memref<1x125x80xi32, #tpu.memory_space<hbm>>
        %dma_wait3A_220 = tpu.memref_squeeze %dma_wait3A_219 : memref<1x125x80xi32, #tpu.memory_space<hbm>> -> memref<125x80xi32, #tpu.memory_space<hbm>>
        tpu.wait_dma2 semaphore(%run_scoped3A : memref<!tpu.dma_semaphore, #tpu.memory_space<semaphore_mem>>) src(%dma_wait3A_220 : memref<125x80xi32, #tpu.memory_space<hbm>>) dst(%arg10 : memref<125x80xi32, #tpu.memory_space<vmem>>)
        tpu.yield
      }) : () -> ()
      "tpu.region"() ({
        %run_scoped3A = tpu.sem_alloc : memref<!tpu.dma_semaphore, #tpu.memory_space<semaphore_mem>>
        %dma_start3A_205 = arith.constant 0 : i32
        %dma_start3A_206 = arith.constant 0 : i32
        %dma_start3A_207 = tpu.memref_slice %arg4[%arg1, %dma_start3A_205, %dma_start3A_206] : memref<16x125x80xi32, #tpu.memory_space<hbm>> -> memref<1x125x80xi32, #tpu.memory_space<hbm>>
        %dma_start3A_208 = tpu.memref_squeeze %dma_start3A_207 : memref<1x125x80xi32, #tpu.memory_space<hbm>> -> memref<125x80xi32, #tpu.memory_space<hbm>>
        %dma_start3A_209 = arith.constant 0 : i32
        %dma_start3A_210 = arith.constant 0 : i32
        %dma_start3A_211 = tpu.memref_slice %arg4[%arg1, %dma_start3A_209, %dma_start3A_210] : memref<16x125x80xi32, #tpu.memory_space<hbm>> -> memref<1x125x80xi32, #tpu.memory_space<hbm>>
        %dma_start3A_212 = tpu.memref_squeeze %dma_start3A_211 : memref<1x125x80xi32, #tpu.memory_space<hbm>> -> memref<125x80xi32, #tpu.memory_space<hbm>>
        tpu.enqueue_dma source(%dma_start3A_212 : memref<125x80xi32, #tpu.memory_space<hbm>>) target(%arg11 : memref<125x80xi32, #tpu.memory_space<vmem>>) target_semaphore(%run_scoped3A : memref<!tpu.dma_semaphore, #tpu.memory_space<semaphore_mem>>)
        %dma_wait3A_213 = arith.constant 0 : i32
        %dma_wait3A_214 = arith.constant 0 : i32
        %dma_wait3A_215 = tpu.memref_slice %arg4[%arg1, %dma_wait3A_213, %dma_wait3A_214] : memref<16x125x80xi32, #tpu.memory_space<hbm>> -> memref<1x125x80xi32, #tpu.memory_space<hbm>>
        %dma_wait3A_216 = tpu.memref_squeeze %dma_wait3A_215 : memref<1x125x80xi32, #tpu.memory_space<hbm>> -> memref<125x80xi32, #tpu.memory_space<hbm>>
        %dma_wait3A_217 = arith.constant 0 : i32
        %dma_wait3A_218 = arith.constant 0 : i32
        %dma_wait3A_219 = tpu.memref_slice %arg4[%arg1, %dma_wait3A_217, %dma_wait3A_218] : memref<16x125x80xi32, #tpu.memory_space<hbm>> -> memref<1x125x80xi32, #tpu.memory_space<hbm>>
        %dma_wait3A_220 = tpu.memref_squeeze %dma_wait3A_219 : memref<1x125x80xi32, #tpu.memory_space<hbm>> -> memref<125x80xi32, #tpu.memory_space<hbm>>
        tpu.wait_dma2 semaphore(%run_scoped3A : memref<!tpu.dma_semaphore, #tpu.memory_space<semaphore_mem>>) src(%dma_wait3A_220 : memref<125x80xi32, #tpu.memory_space<hbm>>) dst(%arg11 : memref<125x80xi32, #tpu.memory_space<vmem>>)
        tpu.yield
      }) : () -> ()
      "tpu.region"() ({
        %run_scoped3A = tpu.sem_alloc : memref<!tpu.dma_semaphore, #tpu.memory_space<semaphore_mem>>
        %dma_start3A_205 = arith.constant 0 : i32
        %dma_start3A_206 = arith.constant 0 : i32
        %dma_start3A_207 = tpu.memref_slice %arg5[%arg1, %dma_start3A_205, %dma_start3A_206] : memref<16x125x80xf32, #tpu.memory_space<hbm>> -> memref<1x125x80xf32, #tpu.memory_space<hbm>>
        %dma_start3A_208 = tpu.memref_squeeze %dma_start3A_207 : memref<1x125x80xf32, #tpu.memory_space<hbm>> -> memref<125x80xf32, #tpu.memory_space<hbm>>
        %dma_start3A_209 = arith.constant 0 : i32
        %dma_start3A_210 = arith.constant 0 : i32
        %dma_start3A_211 = tpu.memref_slice %arg5[%arg1, %dma_start3A_209, %dma_start3A_210] : memref<16x125x80xf32, #tpu.memory_space<hbm>> -> memref<1x125x80xf32, #tpu.memory_space<hbm>>
        %dma_start3A_212 = tpu.memref_squeeze %dma_start3A_211 : memref<1x125x80xf32, #tpu.memory_space<hbm>> -> memref<125x80xf32, #tpu.memory_space<hbm>>
        tpu.enqueue_dma source(%dma_start3A_212 : memref<125x80xf32, #tpu.memory_space<hbm>>) target(%arg12 : memref<125x80xf32, #tpu.memory_space<vmem>>) target_semaphore(%run_scoped3A : memref<!tpu.dma_semaphore, #tpu.memory_space<semaphore_mem>>)
        %dma_wait3A_213 = arith.constant 0 : i32
        %dma_wait3A_214 = arith.constant 0 : i32
        %dma_wait3A_215 = tpu.memref_slice %arg5[%arg1, %dma_wait3A_213, %dma_wait3A_214] : memref<16x125x80xf32, #tpu.memory_space<hbm>> -> memref<1x125x80xf32, #tpu.memory_space<hbm>>
        %dma_wait3A_216 = tpu.memref_squeeze %dma_wait3A_215 : memref<1x125x80xf32, #tpu.memory_space<hbm>> -> memref<125x80xf32, #tpu.memory_space<hbm>>
        %dma_wait3A_217 = arith.constant 0 : i32
        %dma_wait3A_218 = arith.constant 0 : i32
        %dma_wait3A_219 = tpu.memref_slice %arg5[%arg1, %dma_wait3A_217, %dma_wait3A_218] : memref<16x125x80xf32, #tpu.memory_space<hbm>> -> memref<1x125x80xf32, #tpu.memory_space<hbm>>
        %dma_wait3A_220 = tpu.memref_squeeze %dma_wait3A_219 : memref<1x125x80xf32, #tpu.memory_space<hbm>> -> memref<125x80xf32, #tpu.memory_space<hbm>>
        tpu.wait_dma2 semaphore(%run_scoped3A : memref<!tpu.dma_semaphore, #tpu.memory_space<semaphore_mem>>) src(%dma_wait3A_220 : memref<125x80xf32, #tpu.memory_space<hbm>>) dst(%arg12 : memref<125x80xf32, #tpu.memory_space<vmem>>)
        tpu.yield
      }) : () -> ()
    } else {
    }
    %eq3A_3 = arith.constant 1 : i32
    %eq3A_4 = arith.cmpi eq, %arg0, %eq3A_3 : i32
    %convert_element_type3A_5 = arith.extui %eq3A_4 : i1 to i32
    %cond3A_6 = arith.constant 0 : i32
    %cond3A_7 = arith.cmpi ne, %convert_element_type3A_5, %cond3A_6 : i32
    scf.if %cond3A_7 {
      "tpu.region"() ({
        %run_scoped3A = tpu.sem_alloc : memref<!tpu.dma_semaphore, #tpu.memory_space<semaphore_mem>>
        %dma_start3A_205 = arith.constant 0 : i32
        %dma_start3A_206 = arith.constant 0 : i32
        %dma_start3A_207 = tpu.memref_slice %arg6[%arg1, %dma_start3A_205, %dma_start3A_206] : memref<16x125x80xi32, #tpu.memory_space<hbm>> -> memref<1x125x80xi32, #tpu.memory_space<hbm>>
        %dma_start3A_208 = tpu.memref_squeeze %dma_start3A_207 : memref<1x125x80xi32, #tpu.memory_space<hbm>> -> memref<125x80xi32, #tpu.memory_space<hbm>>
        %dma_start3A_209 = arith.constant 0 : i32
        %dma_start3A_210 = arith.constant 0 : i32
        %dma_start3A_211 = tpu.memref_slice %arg6[%arg1, %dma_start3A_209, %dma_start3A_210] : memref<16x125x80xi32, #tpu.memory_space<hbm>> -> memref<1x125x80xi32, #tpu.memory_space<hbm>>
        %dma_start3A_212 = tpu.memref_squeeze %dma_start3A_211 : memref<1x125x80xi32, #tpu.memory_space<hbm>> -> memref<125x80xi32, #tpu.memory_space<hbm>>
        tpu.enqueue_dma source(%dma_start3A_212 : memref<125x80xi32, #tpu.memory_space<hbm>>) target(%arg10 : memref<125x80xi32, #tpu.memory_space<vmem>>) target_semaphore(%run_scoped3A : memref<!tpu.dma_semaphore, #tpu.memory_space<semaphore_mem>>)
        %dma_wait3A_213 = arith.constant 0 : i32
        %dma_wait3A_214 = arith.constant 0 : i32
        %dma_wait3A_215 = tpu.memref_slice %arg6[%arg1, %dma_wait3A_213, %dma_wait3A_214] : memref<16x125x80xi32, #tpu.memory_space<hbm>> -> memref<1x125x80xi32, #tpu.memory_space<hbm>>
        %dma_wait3A_216 = tpu.memref_squeeze %dma_wait3A_215 : memref<1x125x80xi32, #tpu.memory_space<hbm>> -> memref<125x80xi32, #tpu.memory_space<hbm>>
        %dma_wait3A_217 = arith.constant 0 : i32
        %dma_wait3A_218 = arith.constant 0 : i32
        %dma_wait3A_219 = tpu.memref_slice %arg6[%arg1, %dma_wait3A_217, %dma_wait3A_218] : memref<16x125x80xi32, #tpu.memory_space<hbm>> -> memref<1x125x80xi32, #tpu.memory_space<hbm>>
        %dma_wait3A_220 = tpu.memref_squeeze %dma_wait3A_219 : memref<1x125x80xi32, #tpu.memory_space<hbm>> -> memref<125x80xi32, #tpu.memory_space<hbm>>
        tpu.wait_dma2 semaphore(%run_scoped3A : memref<!tpu.dma_semaphore, #tpu.memory_space<semaphore_mem>>) src(%dma_wait3A_220 : memref<125x80xi32, #tpu.memory_space<hbm>>) dst(%arg10 : memref<125x80xi32, #tpu.memory_space<vmem>>)
        tpu.yield
      }) : () -> ()
      "tpu.region"() ({
        %run_scoped3A = tpu.sem_alloc : memref<!tpu.dma_semaphore, #tpu.memory_space<semaphore_mem>>
        %dma_start3A_205 = arith.constant 0 : i32
        %dma_start3A_206 = arith.constant 0 : i32
        %dma_start3A_207 = tpu.memref_slice %arg7[%arg1, %dma_start3A_205, %dma_start3A_206] : memref<16x125x80xi32, #tpu.memory_space<hbm>> -> memref<1x125x80xi32, #tpu.memory_space<hbm>>
        %dma_start3A_208 = tpu.memref_squeeze %dma_start3A_207 : memref<1x125x80xi32, #tpu.memory_space<hbm>> -> memref<125x80xi32, #tpu.memory_space<hbm>>
        %dma_start3A_209 = arith.constant 0 : i32
        %dma_start3A_210 = arith.constant 0 : i32
        %dma_start3A_211 = tpu.memref_slice %arg7[%arg1, %dma_start3A_209, %dma_start3A_210] : memref<16x125x80xi32, #tpu.memory_space<hbm>> -> memref<1x125x80xi32, #tpu.memory_space<hbm>>
        %dma_start3A_212 = tpu.memref_squeeze %dma_start3A_211 : memref<1x125x80xi32, #tpu.memory_space<hbm>> -> memref<125x80xi32, #tpu.memory_space<hbm>>
        tpu.enqueue_dma source(%dma_start3A_212 : memref<125x80xi32, #tpu.memory_space<hbm>>) target(%arg11 : memref<125x80xi32, #tpu.memory_space<vmem>>) target_semaphore(%run_scoped3A : memref<!tpu.dma_semaphore, #tpu.memory_space<semaphore_mem>>)
        %dma_wait3A_213 = arith.constant 0 : i32
        %dma_wait3A_214 = arith.constant 0 : i32
        %dma_wait3A_215 = tpu.memref_slice %arg7[%arg1, %dma_wait3A_213, %dma_wait3A_214] : memref<16x125x80xi32, #tpu.memory_space<hbm>> -> memref<1x125x80xi32, #tpu.memory_space<hbm>>
        %dma_wait3A_216 = tpu.memref_squeeze %dma_wait3A_215 : memref<1x125x80xi32, #tpu.memory_space<hbm>> -> memref<125x80xi32, #tpu.memory_space<hbm>>
        %dma_wait3A_217 = arith.constant 0 : i32
        %dma_wait3A_218 = arith.constant 0 : i32
        %dma_wait3A_219 = tpu.memref_slice %arg7[%arg1, %dma_wait3A_217, %dma_wait3A_218] : memref<16x125x80xi32, #tpu.memory_space<hbm>> -> memref<1x125x80xi32, #tpu.memory_space<hbm>>
        %dma_wait3A_220 = tpu.memref_squeeze %dma_wait3A_219 : memref<1x125x80xi32, #tpu.memory_space<hbm>> -> memref<125x80xi32, #tpu.memory_space<hbm>>
        tpu.wait_dma2 semaphore(%run_scoped3A : memref<!tpu.dma_semaphore, #tpu.memory_space<semaphore_mem>>) src(%dma_wait3A_220 : memref<125x80xi32, #tpu.memory_space<hbm>>) dst(%arg11 : memref<125x80xi32, #tpu.memory_space<vmem>>)
        tpu.yield
      }) : () -> ()
      "tpu.region"() ({
        %run_scoped3A = tpu.sem_alloc : memref<!tpu.dma_semaphore, #tpu.memory_space<semaphore_mem>>
        %dma_start3A_205 = arith.constant 0 : i32
        %dma_start3A_206 = arith.constant 0 : i32
        %dma_start3A_207 = tpu.memref_slice %arg8[%arg1, %dma_start3A_205, %dma_start3A_206] : memref<16x125x80xf32, #tpu.memory_space<hbm>> -> memref<1x125x80xf32, #tpu.memory_space<hbm>>
        %dma_start3A_208 = tpu.memref_squeeze %dma_start3A_207 : memref<1x125x80xf32, #tpu.memory_space<hbm>> -> memref<125x80xf32, #tpu.memory_space<hbm>>
        %dma_start3A_209 = arith.constant 0 : i32
        %dma_start3A_210 = arith.constant 0 : i32
        %dma_start3A_211 = tpu.memref_slice %arg8[%arg1, %dma_start3A_209, %dma_start3A_210] : memref<16x125x80xf32, #tpu.memory_space<hbm>> -> memref<1x125x80xf32, #tpu.memory_space<hbm>>
        %dma_start3A_212 = tpu.memref_squeeze %dma_start3A_211 : memref<1x125x80xf32, #tpu.memory_space<hbm>> -> memref<125x80xf32, #tpu.memory_space<hbm>>
        tpu.enqueue_dma source(%dma_start3A_212 : memref<125x80xf32, #tpu.memory_space<hbm>>) target(%arg12 : memref<125x80xf32, #tpu.memory_space<vmem>>) target_semaphore(%run_scoped3A : memref<!tpu.dma_semaphore, #tpu.memory_space<semaphore_mem>>)
        %dma_wait3A_213 = arith.constant 0 : i32
        %dma_wait3A_214 = arith.constant 0 : i32
        %dma_wait3A_215 = tpu.memref_slice %arg8[%arg1, %dma_wait3A_213, %dma_wait3A_214] : memref<16x125x80xf32, #tpu.memory_space<hbm>> -> memref<1x125x80xf32, #tpu.memory_space<hbm>>
        %dma_wait3A_216 = tpu.memref_squeeze %dma_wait3A_215 : memref<1x125x80xf32, #tpu.memory_space<hbm>> -> memref<125x80xf32, #tpu.memory_space<hbm>>
        %dma_wait3A_217 = arith.constant 0 : i32
        %dma_wait3A_218 = arith.constant 0 : i32
        %dma_wait3A_219 = tpu.memref_slice %arg8[%arg1, %dma_wait3A_217, %dma_wait3A_218] : memref<16x125x80xf32, #tpu.memory_space<hbm>> -> memref<1x125x80xf32, #tpu.memory_space<hbm>>
        %dma_wait3A_220 = tpu.memref_squeeze %dma_wait3A_219 : memref<1x125x80xf32, #tpu.memory_space<hbm>> -> memref<125x80xf32, #tpu.memory_space<hbm>>
        tpu.wait_dma2 semaphore(%run_scoped3A : memref<!tpu.dma_semaphore, #tpu.memory_space<semaphore_mem>>) src(%dma_wait3A_220 : memref<125x80xf32, #tpu.memory_space<hbm>>) dst(%arg12 : memref<125x80xf32, #tpu.memory_space<vmem>>)
        tpu.yield
      }) : () -> ()
    } else {
    }
    %dma_start3A = arith.constant 0 : i32
    %dma_start3A_8 = arith.constant 0 : i32
    %dma_start3A_9 = tpu.memref_slice %arg10[%dma_start3A, %dma_start3A_8] : memref<125x80xi32, #tpu.memory_space<vmem>> -> memref<1x80xi32, #tpu.memory_space<vmem>>
    %dma_start3A_10 = tpu.memref_squeeze %dma_start3A_9 : memref<1x80xi32, #tpu.memory_space<vmem>> -> memref<80xi32, #tpu.memory_space<vmem>>
    %dma_start3A_11 = arith.constant 0 : i32
    %dma_start3A_12 = arith.constant 0 : i32
    %dma_start3A_13 = tpu.memref_slice %arg2[%dma_start3A_11, %dma_start3A_12] : memref<10000x128xf32, #tpu.memory_space<hbm>> -> memref<10000x128xf32, #tpu.memory_space<hbm>>
    tpu.enqueue_indirect_dma source(%dma_start3A_13 : memref<10000x128xf32, #tpu.memory_space<hbm>>) target(%arg13 : memref<80x128xf32, #tpu.memory_space<vmem>>) offsets(%dma_start3A_10 : memref<80xi32, #tpu.memory_space<vmem>>) semaphore(%arg18 : memref<!tpu.dma_semaphore, #tpu.memory_space<semaphore_mem>>)
    %dma_start3A_14 = arith.constant 1 : i32
    %dma_start3A_15 = arith.constant 0 : i32
    %dma_start3A_16 = tpu.memref_slice %arg10[%dma_start3A_14, %dma_start3A_15] : memref<125x80xi32, #tpu.memory_space<vmem>> -> memref<1x80xi32, #tpu.memory_space<vmem>>
    %dma_start3A_17 = tpu.memref_squeeze %dma_start3A_16 : memref<1x80xi32, #tpu.memory_space<vmem>> -> memref<80xi32, #tpu.memory_space<vmem>>
    %dma_start3A_18 = arith.constant 0 : i32
    %dma_start3A_19 = arith.constant 0 : i32
    %dma_start3A_20 = tpu.memref_slice %arg2[%dma_start3A_18, %dma_start3A_19] : memref<10000x128xf32, #tpu.memory_space<hbm>> -> memref<10000x128xf32, #tpu.memory_space<hbm>>
    tpu.enqueue_indirect_dma source(%dma_start3A_20 : memref<10000x128xf32, #tpu.memory_space<hbm>>) target(%arg14 : memref<80x128xf32, #tpu.memory_space<vmem>>) offsets(%dma_start3A_17 : memref<80xi32, #tpu.memory_space<vmem>>) semaphore(%arg19 : memref<!tpu.dma_semaphore, #tpu.memory_space<semaphore_mem>>)
    %scan3A = arith.constant 0 : i32
    %scan3A_21 = arith.constant 0 : i32
    %scan3A_22 = arith.constant 80 : i32
    %scan3A_23 = arith.addi %scan3A_21, %scan3A_22 : i32
    %scan3A_24 = arith.constant 1 : i32
    %scan3A_25 = scf.for %scan3A_205 = %scan3A_21 to %scan3A_23 step %scan3A_24 iter_args(%scan3A_206 = %scan3A) -> (i32)  : i32 {
      %swap3A = arith.index_cast %scan3A_205 : i32 to index
      %swap3A_207 = arith.constant 0 : index
      %swap3A_208 = tpu.vector_load %arg15[%swap3A, %swap3A_207] {strides = array<i32>} : memref<80x128xf32, #tpu.memory_space<vmem>>, vector<16xf32>,
      tpu.vector_store %arg15[%swap3A, %swap3A_207], %broadcast_in_dim3A_0 {strides = array<i32>} : memref<80x128xf32, #tpu.memory_space<vmem>>, vector<16xf32>,
      %swap3A_209 = arith.index_cast %scan3A_205 : i32 to index
      %swap3A_210 = arith.constant 16 : index
      %swap3A_211 = tpu.vector_load %arg15[%swap3A_209, %swap3A_210] {strides = array<i32>} : memref<80x128xf32, #tpu.memory_space<vmem>>, vector<16xf32>,
      tpu.vector_store %arg15[%swap3A_209, %swap3A_210], %broadcast_in_dim3A_0 {strides = array<i32>} : memref<80x128xf32, #tpu.memory_space<vmem>>, vector<16xf32>,
      %swap3A_212 = arith.index_cast %scan3A_205 : i32 to index
      %swap3A_213 = arith.constant 32 : index
      %swap3A_214 = tpu.vector_load %arg15[%swap3A_212, %swap3A_213] {strides = array<i32>} : memref<80x128xf32, #tpu.memory_space<vmem>>, vector<16xf32>,
      tpu.vector_store %arg15[%swap3A_212, %swap3A_213], %broadcast_in_dim3A_0 {strides = array<i32>} : memref<80x128xf32, #tpu.memory_space<vmem>>, vector<16xf32>,
      %swap3A_215 = arith.index_cast %scan3A_205 : i32 to index
      %swap3A_216 = arith.constant 48 : index
      %swap3A_217 = tpu.vector_load %arg15[%swap3A_215, %swap3A_216] {strides = array<i32>} : memref<80x128xf32, #tpu.memory_space<vmem>>, vector<16xf32>,
      tpu.vector_store %arg15[%swap3A_215, %swap3A_216], %broadcast_in_dim3A_0 {strides = array<i32>} : memref<80x128xf32, #tpu.memory_space<vmem>>, vector<16xf32>,
      %swap3A_218 = arith.index_cast %scan3A_205 : i32 to index
      %swap3A_219 = arith.constant 64 : index
      %swap3A_220 = tpu.vector_load %arg15[%swap3A_218, %swap3A_219] {strides = array<i32>} : memref<80x128xf32, #tpu.memory_space<vmem>>, vector<16xf32>,
      tpu.vector_store %arg15[%swap3A_218, %swap3A_219], %broadcast_in_dim3A_0 {strides = array<i32>} : memref<80x128xf32, #tpu.memory_space<vmem>>, vector<16xf32>,
      %swap3A_221 = arith.index_cast %scan3A_205 : i32 to index
      %swap3A_222 = arith.constant 80 : index
      %swap3A_223 = tpu.vector_load %arg15[%swap3A_221, %swap3A_222] {strides = array<i32>} : memref<80x128xf32, #tpu.memory_space<vmem>>, vector<16xf32>,
      tpu.vector_store %arg15[%swap3A_221, %swap3A_222], %broadcast_in_dim3A_0 {strides = array<i32>} : memref<80x128xf32, #tpu.memory_space<vmem>>, vector<16xf32>,
      %swap3A_224 = arith.index_cast %scan3A_205 : i32 to index
      %swap3A_225 = arith.constant 96 : index
      %swap3A_226 = tpu.vector_load %arg15[%swap3A_224, %swap3A_225] {strides = array<i32>} : memref<80x128xf32, #tpu.memory_space<vmem>>, vector<16xf32>,
      tpu.vector_store %arg15[%swap3A_224, %swap3A_225], %broadcast_in_dim3A_0 {strides = array<i32>} : memref<80x128xf32, #tpu.memory_space<vmem>>, vector<16xf32>,
      %swap3A_227 = arith.index_cast %scan3A_205 : i32 to index
      %swap3A_228 = arith.constant 112 : index
      %swap3A_229 = tpu.vector_load %arg15[%swap3A_227, %swap3A_228] {strides = array<i32>} : memref<80x128xf32, #tpu.memory_space<vmem>>, vector<16xf32>,
      tpu.vector_store %arg15[%swap3A_227, %swap3A_228], %broadcast_in_dim3A_0 {strides = array<i32>} : memref<80x128xf32, #tpu.memory_space<vmem>>, vector<16xf32>,
      %scan3A_230 = arith.constant 0 : i32
      scf.yield %scan3A_230 : i32
    }
    %scan3A_26 = arith.constant 80 : i32
    %mul3A = arith.constant 320 : i32
    %mul3A_27 = arith.muli %arg1, %mul3A : i32
    %add3A = arith.constant 0 : i32
    %add3A_28 = arith.addi %mul3A_27, %add3A : i32
    "tpu.region"() ({
      %run_scoped3A = tpu.sem_alloc : memref<!tpu.dma_semaphore, #tpu.memory_space<semaphore_mem>>
      %dma_start3A_205 = arith.constant 0 : i32
      %dma_start3A_206 = tpu.memref_slice %arg17[%add3A_28, %dma_start3A_205] : memref<5120x128xf32, #tpu.memory_space<vmem_shared>> -> memref<80x128xf32, #tpu.memory_space<vmem_shared>>
      %dma_start3A_207 = arith.constant 0 : i32
      %dma_start3A_208 = tpu.memref_slice %arg17[%add3A_28, %dma_start3A_207] : memref<5120x128xf32, #tpu.memory_space<vmem_shared>> -> memref<80x128xf32, #tpu.memory_space<vmem_shared>>
      tpu.enqueue_dma source(%arg15 : memref<80x128xf32, #tpu.memory_space<vmem>>) target(%dma_start3A_208 : memref<80x128xf32, #tpu.memory_space<vmem_shared>>) target_semaphore(%run_scoped3A : memref<!tpu.dma_semaphore, #tpu.memory_space<semaphore_mem>>)
      %dma_wait3A_209 = arith.constant 0 : i32
      %dma_wait3A_210 = tpu.memref_slice %arg17[%add3A_28, %dma_wait3A_209] : memref<5120x128xf32, #tpu.memory_space<vmem_shared>> -> memref<80x128xf32, #tpu.memory_space<vmem_shared>>
      %dma_wait3A_211 = arith.constant 0 : i32
      %dma_wait3A_212 = tpu.memref_slice %arg17[%add3A_28, %dma_wait3A_211] : memref<5120x128xf32, #tpu.memory_space<vmem_shared>> -> memref<80x128xf32, #tpu.memory_space<vmem_shared>>
      tpu.wait_dma2 semaphore(%run_scoped3A : memref<!tpu.dma_semaphore, #tpu.memory_space<semaphore_mem>>) src(%arg15 : memref<80x128xf32, #tpu.memory_space<vmem>>) dst(%dma_wait3A_212 : memref<80x128xf32, #tpu.memory_space<vmem_shared>>)
      tpu.yield
    }) : () -> ()
    %mul3A_29 = arith.constant 320 : i32
    %mul3A_30 = arith.muli %arg1, %mul3A_29 : i32
    %add3A_31 = arith.constant 80 : i32
    %add3A_32 = arith.addi %mul3A_30, %add3A_31 : i32
    "tpu.region"() ({
      %run_scoped3A = tpu.sem_alloc : memref<!tpu.dma_semaphore, #tpu.memory_space<semaphore_mem>>
      %dma_start3A_205 = arith.constant 0 : i32
      %dma_start3A_206 = tpu.memref_slice %arg17[%add3A_32, %dma_start3A_205] : memref<5120x128xf32, #tpu.memory_space<vmem_shared>> -> memref<80x128xf32, #tpu.memory_space<vmem_shared>>
      %dma_start3A_207 = arith.constant 0 : i32
      %dma_start3A_208 = tpu.memref_slice %arg17[%add3A_32, %dma_start3A_207] : memref<5120x128xf32, #tpu.memory_space<vmem_shared>> -> memref<80x128xf32, #tpu.memory_space<vmem_shared>>
      tpu.enqueue_dma source(%arg15 : memref<80x128xf32, #tpu.memory_space<vmem>>) target(%dma_start3A_208 : memref<80x128xf32, #tpu.memory_space<vmem_shared>>) target_semaphore(%run_scoped3A : memref<!tpu.dma_semaphore, #tpu.memory_space<semaphore_mem>>)
      %dma_wait3A_209 = arith.constant 0 : i32
      %dma_wait3A_210 = tpu.memref_slice %arg17[%add3A_32, %dma_wait3A_209] : memref<5120x128xf32, #tpu.memory_space<vmem_shared>> -> memref<80x128xf32, #tpu.memory_space<vmem_shared>>
      %dma_wait3A_211 = arith.constant 0 : i32
      %dma_wait3A_212 = tpu.memref_slice %arg17[%add3A_32, %dma_wait3A_211] : memref<5120x128xf32, #tpu.memory_space<vmem_shared>> -> memref<80x128xf32, #tpu.memory_space<vmem_shared>>
      tpu.wait_dma2 semaphore(%run_scoped3A : memref<!tpu.dma_semaphore, #tpu.memory_space<semaphore_mem>>) src(%arg15 : memref<80x128xf32, #tpu.memory_space<vmem>>) dst(%dma_wait3A_212 : memref<80x128xf32, #tpu.memory_space<vmem_shared>>)
      tpu.yield
    }) : () -> ()
    %mul3A_33 = arith.constant 320 : i32
    %mul3A_34 = arith.muli %arg1, %mul3A_33 : i32
    %add3A_35 = arith.constant 160 : i32
    %add3A_36 = arith.addi %mul3A_34, %add3A_35 : i32
    "tpu.region"() ({
      %run_scoped3A = tpu.sem_alloc : memref<!tpu.dma_semaphore, #tpu.memory_space<semaphore_mem>>
      %dma_start3A_205 = arith.constant 0 : i32
      %dma_start3A_206 = tpu.memref_slice %arg17[%add3A_36, %dma_start3A_205] : memref<5120x128xf32, #tpu.memory_space<vmem_shared>> -> memref<80x128xf32, #tpu.memory_space<vmem_shared>>
      %dma_start3A_207 = arith.constant 0 : i32
      %dma_start3A_208 = tpu.memref_slice %arg17[%add3A_36, %dma_start3A_207] : memref<5120x128xf32, #tpu.memory_space<vmem_shared>> -> memref<80x128xf32, #tpu.memory_space<vmem_shared>>
      tpu.enqueue_dma source(%arg15 : memref<80x128xf32, #tpu.memory_space<vmem>>) target(%dma_start3A_208 : memref<80x128xf32, #tpu.memory_space<vmem_shared>>) target_semaphore(%run_scoped3A : memref<!tpu.dma_semaphore, #tpu.memory_space<semaphore_mem>>)
      %dma_wait3A_209 = arith.constant 0 : i32
      %dma_wait3A_210 = tpu.memref_slice %arg17[%add3A_36, %dma_wait3A_209] : memref<5120x128xf32, #tpu.memory_space<vmem_shared>> -> memref<80x128xf32, #tpu.memory_space<vmem_shared>>
      %dma_wait3A_211 = arith.constant 0 : i32
      %dma_wait3A_212 = tpu.memref_slice %arg17[%add3A_36, %dma_wait3A_211] : memref<5120x128xf32, #tpu.memory_space<vmem_shared>> -> memref<80x128xf32, #tpu.memory_space<vmem_shared>>
      tpu.wait_dma2 semaphore(%run_scoped3A : memref<!tpu.dma_semaphore, #tpu.memory_space<semaphore_mem>>) src(%arg15 : memref<80x128xf32, #tpu.memory_space<vmem>>) dst(%dma_wait3A_212 : memref<80x128xf32, #tpu.memory_space<vmem_shared>>)
      tpu.yield
    }) : () -> ()
    %mul3A_37 = arith.constant 320 : i32
    %mul3A_38 = arith.muli %arg1, %mul3A_37 : i32
    %add3A_39 = arith.constant 240 : i32
    %add3A_40 = arith.addi %mul3A_38, %add3A_39 : i32
    "tpu.region"() ({
      %run_scoped3A = tpu.sem_alloc : memref<!tpu.dma_semaphore, #tpu.memory_space<semaphore_mem>>
      %dma_start3A_205 = arith.constant 0 : i32
      %dma_start3A_206 = tpu.memref_slice %arg17[%add3A_40, %dma_start3A_205] : memref<5120x128xf32, #tpu.memory_space<vmem_shared>> -> memref<80x128xf32, #tpu.memory_space<vmem_shared>>
      %dma_start3A_207 = arith.constant 0 : i32
      %dma_start3A_208 = tpu.memref_slice %arg17[%add3A_40, %dma_start3A_207] : memref<5120x128xf32, #tpu.memory_space<vmem_shared>> -> memref<80x128xf32, #tpu.memory_space<vmem_shared>>
      tpu.enqueue_dma source(%arg15 : memref<80x128xf32, #tpu.memory_space<vmem>>) target(%dma_start3A_208 : memref<80x128xf32, #tpu.memory_space<vmem_shared>>) target_semaphore(%run_scoped3A : memref<!tpu.dma_semaphore, #tpu.memory_space<semaphore_mem>>)
      %dma_wait3A_209 = arith.constant 0 : i32
      %dma_wait3A_210 = tpu.memref_slice %arg17[%add3A_40, %dma_wait3A_209] : memref<5120x128xf32, #tpu.memory_space<vmem_shared>> -> memref<80x128xf32, #tpu.memory_space<vmem_shared>>
      %dma_wait3A_211 = arith.constant 0 : i32
      %dma_wait3A_212 = tpu.memref_slice %arg17[%add3A_40, %dma_wait3A_211] : memref<5120x128xf32, #tpu.memory_space<vmem_shared>> -> memref<80x128xf32, #tpu.memory_space<vmem_shared>>
      tpu.wait_dma2 semaphore(%run_scoped3A : memref<!tpu.dma_semaphore, #tpu.memory_space<semaphore_mem>>) src(%arg15 : memref<80x128xf32, #tpu.memory_space<vmem>>) dst(%dma_wait3A_212 : memref<80x128xf32, #tpu.memory_space<vmem_shared>>)
      tpu.yield
    }) : () -> ()
    %barrier3A = arith.constant 0 : index
    tpu.barrier barrier_id(%barrier3A)
    %dma_wait3A = arith.constant 0 : i32
    %dma_wait3A_41 = arith.constant 0 : i32
    %dma_wait3A_42 = tpu.memref_slice %arg10[%dma_wait3A, %dma_wait3A_41] : memref<125x80xi32, #tpu.memory_space<vmem>> -> memref<1x80xi32, #tpu.memory_space<vmem>>
    %dma_wait3A_43 = tpu.memref_squeeze %dma_wait3A_42 : memref<1x80xi32, #tpu.memory_space<vmem>> -> memref<80xi32, #tpu.memory_space<vmem>>
    %dma_wait3A_44 = arith.constant 0 : i32
    %dma_wait3A_45 = arith.constant 0 : i32
    %dma_wait3A_46 = tpu.memref_slice %arg2[%dma_wait3A_44, %dma_wait3A_45] : memref<10000x128xf32, #tpu.memory_space<hbm>> -> memref<10000x128xf32, #tpu.memory_space<hbm>>
    tpu.wait_indirect_dma semaphore(%arg18 : memref<!tpu.dma_semaphore, #tpu.memory_space<semaphore_mem>>) src(%dma_wait3A_46 : memref<10000x128xf32, #tpu.memory_space<hbm>>) dst(%arg13 : memref<80x128xf32, #tpu.memory_space<vmem>>)
    %broadcast_in_dim3A_47 = arith.constant 0 : i32
    %broadcast_in_dim3A_48 = vector.broadcast %broadcast_in_dim3A_47 : i32 to vector<16xi32>
    %parallel_loop3A = arith.constant 0 : i32
    %parallel_loop3A_49 = arith.constant 80 : i32
    %parallel_loop3A_50 = arith.constant 1 : i32
    scf.for %parallel_loop3A_205 = %parallel_loop3A to %parallel_loop3A_49 step %parallel_loop3A_50  : i32 {
      %parallel_loop3A_206 = vector.broadcast %parallel_loop3A_205 : i32 to vector<16xi32>
      %parallel_loop3A_207 = tpu.vector_load_idx %arg12[%broadcast_in_dim3A_48, %parallel_loop3A_206] : memref<125x80xf32, #tpu.memory_space<vmem>>[vector<16xi32>, vector<16xi32>], vector<16xf32>,
      %parallel_loop3A_208 = arith.index_cast %parallel_loop3A_205 : i32 to index
      %parallel_loop3A_209 = arith.constant 0 : index
      %parallel_loop3A_210 = tpu.vector_load %arg13[%parallel_loop3A_208, %parallel_loop3A_209] {strides = array<i32>} : memref<80x128xf32, #tpu.memory_space<vmem>>, vector<16xf32>,
      %parallel_loop3A_211 = arith.mulf %parallel_loop3A_210, %parallel_loop3A_207 : vector<16xf32>
      %parallel_loop3A_212 = arith.index_cast %parallel_loop3A_205 : i32 to index
      %parallel_loop3A_213 = arith.constant 0 : index
      %parallel_loop3A_214 = tpu.vector_load %arg15[%parallel_loop3A_212, %parallel_loop3A_213] {strides = array<i32>} : memref<80x128xf32, #tpu.memory_space<vmem>>, vector<16xf32>,
      tpu.vector_store %arg15[%parallel_loop3A_212, %parallel_loop3A_213], %parallel_loop3A_211 {strides = array<i32>} : memref<80x128xf32, #tpu.memory_space<vmem>>, vector<16xf32>,
      %parallel_loop3A_215 = arith.index_cast %parallel_loop3A_205 : i32 to index
      %parallel_loop3A_216 = arith.constant 16 : index
      %parallel_loop3A_217 = tpu.vector_load %arg13[%parallel_loop3A_215, %parallel_loop3A_216] {strides = array<i32>} : memref<80x128xf32, #tpu.memory_space<vmem>>, vector<16xf32>,
      %parallel_loop3A_218 = arith.mulf %parallel_loop3A_217, %parallel_loop3A_207 : vector<16xf32>
      %parallel_loop3A_219 = arith.index_cast %parallel_loop3A_205 : i32 to index
      %parallel_loop3A_220 = arith.constant 16 : index
      %parallel_loop3A_221 = tpu.vector_load %arg15[%parallel_loop3A_219, %parallel_loop3A_220] {strides = array<i32>} : memref<80x128xf32, #tpu.memory_space<vmem>>, vector<16xf32>,
      tpu.vector_store %arg15[%parallel_loop3A_219, %parallel_loop3A_220], %parallel_loop3A_218 {strides = array<i32>} : memref<80x128xf32, #tpu.memory_space<vmem>>, vector<16xf32>,
      %parallel_loop3A_222 = arith.index_cast %parallel_loop3A_205 : i32 to index
      %parallel_loop3A_223 = arith.constant 32 : index
      %parallel_loop3A_224 = tpu.vector_load %arg13[%parallel_loop3A_222, %parallel_loop3A_223] {strides = array<i32>} : memref<80x128xf32, #tpu.memory_space<vmem>>, vector<16xf32>,
      %parallel_loop3A_225 = arith.mulf %parallel_loop3A_224, %parallel_loop3A_207 : vector<16xf32>
      %parallel_loop3A_226 = arith.index_cast %parallel_loop3A_205 : i32 to index
      %parallel_loop3A_227 = arith.constant 32 : index
      %parallel_loop3A_228 = tpu.vector_load %arg15[%parallel_loop3A_226, %parallel_loop3A_227] {strides = array<i32>} : memref<80x128xf32, #tpu.memory_space<vmem>>, vector<16xf32>,
      tpu.vector_store %arg15[%parallel_loop3A_226, %parallel_loop3A_227], %parallel_loop3A_225 {strides = array<i32>} : memref<80x128xf32, #tpu.memory_space<vmem>>, vector<16xf32>,
      %parallel_loop3A_229 = arith.index_cast %parallel_loop3A_205 : i32 to index
      %parallel_loop3A_230 = arith.constant 48 : index
      %parallel_loop3A_231 = tpu.vector_load %arg13[%parallel_loop3A_229, %parallel_loop3A_230] {strides = array<i32>} : memref<80x128xf32, #tpu.memory_space<vmem>>, vector<16xf32>,
      %parallel_loop3A_232 = arith.mulf %parallel_loop3A_231, %parallel_loop3A_207 : vector<16xf32>
      %parallel_loop3A_233 = arith.index_cast %parallel_loop3A_205 : i32 to index
      %parallel_loop3A_234 = arith.constant 48 : index
      %parallel_loop3A_235 = tpu.vector_load %arg15[%parallel_loop3A_233, %parallel_loop3A_234] {strides = array<i32>} : memref<80x128xf32, #tpu.memory_space<vmem>>, vector<16xf32>,
      tpu.vector_store %arg15[%parallel_loop3A_233, %parallel_loop3A_234], %parallel_loop3A_232 {strides = array<i32>} : memref<80x128xf32, #tpu.memory_space<vmem>>, vector<16xf32>,
      %parallel_loop3A_236 = arith.index_cast %parallel_loop3A_205 : i32 to index
      %parallel_loop3A_237 = arith.constant 64 : index
      %parallel_loop3A_238 = tpu.vector_load %arg13[%parallel_loop3A_236, %parallel_loop3A_237] {strides = array<i32>} : memref<80x128xf32, #tpu.memory_space<vmem>>, vector<16xf32>,
      %parallel_loop3A_239 = arith.mulf %parallel_loop3A_238, %parallel_loop3A_207 : vector<16xf32>
      %parallel_loop3A_240 = arith.index_cast %parallel_loop3A_205 : i32 to index
      %parallel_loop3A_241 = arith.constant 64 : index
      %parallel_loop3A_242 = tpu.vector_load %arg15[%parallel_loop3A_240, %parallel_loop3A_241] {strides = array<i32>} : memref<80x128xf32, #tpu.memory_space<vmem>>, vector<16xf32>,
      tpu.vector_store %arg15[%parallel_loop3A_240, %parallel_loop3A_241], %parallel_loop3A_239 {strides = array<i32>} : memref<80x128xf32, #tpu.memory_space<vmem>>, vector<16xf32>,
      %parallel_loop3A_243 = arith.index_cast %parallel_loop3A_205 : i32 to index
      %parallel_loop3A_244 = arith.constant 80 : index
      %parallel_loop3A_245 = tpu.vector_load %arg13[%parallel_loop3A_243, %parallel_loop3A_244] {strides = array<i32>} : memref<80x128xf32, #tpu.memory_space<vmem>>, vector<16xf32>,
      %parallel_loop3A_246 = arith.mulf %parallel_loop3A_245, %parallel_loop3A_207 : vector<16xf32>
      %parallel_loop3A_247 = arith.index_cast %parallel_loop3A_205 : i32 to index
      %parallel_loop3A_248 = arith.constant 80 : index
      %parallel_loop3A_249 = tpu.vector_load %arg15[%parallel_loop3A_247, %parallel_loop3A_248] {strides = array<i32>} : memref<80x128xf32, #tpu.memory_space<vmem>>, vector<16xf32>,
      tpu.vector_store %arg15[%parallel_loop3A_247, %parallel_loop3A_248], %parallel_loop3A_246 {strides = array<i32>} : memref<80x128xf32, #tpu.memory_space<vmem>>, vector<16xf32>,
      %parallel_loop3A_250 = arith.index_cast %parallel_loop3A_205 : i32 to index
      %parallel_loop3A_251 = arith.constant 96 : index
      %parallel_loop3A_252 = tpu.vector_load %arg13[%parallel_loop3A_250, %parallel_loop3A_251] {strides = array<i32>} : memref<80x128xf32, #tpu.memory_space<vmem>>, vector<16xf32>,
      %parallel_loop3A_253 = arith.mulf %parallel_loop3A_252, %parallel_loop3A_207 : vector<16xf32>
      %parallel_loop3A_254 = arith.index_cast %parallel_loop3A_205 : i32 to index
      %parallel_loop3A_255 = arith.constant 96 : index
      %parallel_loop3A_256 = tpu.vector_load %arg15[%parallel_loop3A_254, %parallel_loop3A_255] {strides = array<i32>} : memref<80x128xf32, #tpu.memory_space<vmem>>, vector<16xf32>,
      tpu.vector_store %arg15[%parallel_loop3A_254, %parallel_loop3A_255], %parallel_loop3A_253 {strides = array<i32>} : memref<80x128xf32, #tpu.memory_space<vmem>>, vector<16xf32>,
      %parallel_loop3A_257 = arith.index_cast %parallel_loop3A_205 : i32 to index
      %parallel_loop3A_258 = arith.constant 112 : index
      %parallel_loop3A_259 = tpu.vector_load %arg13[%parallel_loop3A_257, %parallel_loop3A_258] {strides = array<i32>} : memref<80x128xf32, #tpu.memory_space<vmem>>, vector<16xf32>,
      %parallel_loop3A_260 = arith.mulf %parallel_loop3A_259, %parallel_loop3A_207 : vector<16xf32>
      %parallel_loop3A_261 = arith.index_cast %parallel_loop3A_205 : i32 to index
      %parallel_loop3A_262 = arith.constant 112 : index
      %parallel_loop3A_263 = tpu.vector_load %arg15[%parallel_loop3A_261, %parallel_loop3A_262] {strides = array<i32>} : memref<80x128xf32, #tpu.memory_space<vmem>>, vector<16xf32>,
      tpu.vector_store %arg15[%parallel_loop3A_261, %parallel_loop3A_262], %parallel_loop3A_260 {strides = array<i32>} : memref<80x128xf32, #tpu.memory_space<vmem>>, vector<16xf32>,
    } {sc.loop_unroll_factor = 4 : i64, sc.parallel_access}
    %dma_start3A_51 = arith.constant 2 : i32
    %dma_start3A_52 = arith.constant 0 : i32
    %dma_start3A_53 = tpu.memref_slice %arg10[%dma_start3A_51, %dma_start3A_52] : memref<125x80xi32, #tpu.memory_space<vmem>> -> memref<1x80xi32, #tpu.memory_space<vmem>>
    %dma_start3A_54 = tpu.memref_squeeze %dma_start3A_53 : memref<1x80xi32, #tpu.memory_space<vmem>> -> memref<80xi32, #tpu.memory_space<vmem>>
    %dma_start3A_55 = arith.constant 0 : i32
    %dma_start3A_56 = arith.constant 0 : i32
    %dma_start3A_57 = tpu.memref_slice %arg2[%dma_start3A_55, %dma_start3A_56] : memref<10000x128xf32, #tpu.memory_space<hbm>> -> memref<10000x128xf32, #tpu.memory_space<hbm>>
    tpu.enqueue_indirect_dma source(%dma_start3A_57 : memref<10000x128xf32, #tpu.memory_space<hbm>>) target(%arg13 : memref<80x128xf32, #tpu.memory_space<vmem>>) offsets(%dma_start3A_54 : memref<80xi32, #tpu.memory_space<vmem>>) semaphore(%arg18 : memref<!tpu.dma_semaphore, #tpu.memory_space<semaphore_mem>>)
    %dma_start3A_58 = arith.constant 0 : i32
    %dma_start3A_59 = arith.constant 0 : i32
    %dma_start3A_60 = tpu.memref_slice %arg11[%dma_start3A_58, %dma_start3A_59] : memref<125x80xi32, #tpu.memory_space<vmem>> -> memref<1x80xi32, #tpu.memory_space<vmem>>
    %dma_start3A_61 = tpu.memref_squeeze %dma_start3A_60 : memref<1x80xi32, #tpu.memory_space<vmem>> -> memref<80xi32, #tpu.memory_space<vmem>>
    %dma_start3A_62 = arith.constant 0 : i32
    %dma_start3A_63 = arith.constant 0 : i32
    %dma_start3A_64 = tpu.memref_slice %arg17[%dma_start3A_62, %dma_start3A_63] : memref<5120x128xf32, #tpu.memory_space<vmem_shared>> -> memref<5120x128xf32, #tpu.memory_space<vmem_shared>>
    tpu.enqueue_indirect_dma source(%arg15 : memref<80x128xf32, #tpu.memory_space<vmem>>) target(%dma_start3A_64 : memref<5120x128xf32, #tpu.memory_space<vmem_shared>>) offsets(%dma_start3A_61 : memref<80xi32, #tpu.memory_space<vmem>>) semaphore(%arg20 : memref<!tpu.dma_semaphore, #tpu.memory_space<semaphore_mem>>) {add = true}
    %dma_wait3A_65 = arith.constant 0 : i32
    %dma_wait3A_66 = arith.constant 0 : i32
    %dma_wait3A_67 = tpu.memref_slice %arg10[%dma_wait3A_65, %dma_wait3A_66] : memref<125x80xi32, #tpu.memory_space<vmem>> -> memref<1x80xi32, #tpu.memory_space<vmem>>
    %dma_wait3A_68 = tpu.memref_squeeze %dma_wait3A_67 : memref<1x80xi32, #tpu.memory_space<vmem>> -> memref<80xi32, #tpu.memory_space<vmem>>
    %dma_wait3A_69 = arith.constant 0 : i32
    %dma_wait3A_70 = arith.constant 0 : i32
    %dma_wait3A_71 = tpu.memref_slice %arg2[%dma_wait3A_69, %dma_wait3A_70] : memref<10000x128xf32, #tpu.memory_space<hbm>> -> memref<10000x128xf32, #tpu.memory_space<hbm>>
    tpu.wait_indirect_dma semaphore(%arg19 : memref<!tpu.dma_semaphore, #tpu.memory_space<semaphore_mem>>) src(%dma_wait3A_71 : memref<10000x128xf32, #tpu.memory_space<hbm>>) dst(%arg14 : memref<80x128xf32, #tpu.memory_space<vmem>>)
    %broadcast_in_dim3A_72 = arith.constant 1 : i32
    %broadcast_in_dim3A_73 = vector.broadcast %broadcast_in_dim3A_72 : i32 to vector<16xi32>
    %parallel_loop3A_74 = arith.constant 0 : i32
    %parallel_loop3A_75 = arith.constant 80 : i32
    %parallel_loop3A_76 = arith.constant 1 : i32
    scf.for %parallel_loop3A_205 = %parallel_loop3A_74 to %parallel_loop3A_75 step %parallel_loop3A_76  : i32 {
      %parallel_loop3A_206 = vector.broadcast %parallel_loop3A_205 : i32 to vector<16xi32>
      %parallel_loop3A_207 = tpu.vector_load_idx %arg12[%broadcast_in_dim3A_73, %parallel_loop3A_206] : memref<125x80xf32, #tpu.memory_space<vmem>>[vector<16xi32>, vector<16xi32>], vector<16xf32>,
      %parallel_loop3A_208 = arith.index_cast %parallel_loop3A_205 : i32 to index
      %parallel_loop3A_209 = arith.constant 0 : index
      %parallel_loop3A_210 = tpu.vector_load %arg14[%parallel_loop3A_208, %parallel_loop3A_209] {strides = array<i32>} : memref<80x128xf32, #tpu.memory_space<vmem>>, vector<16xf32>,
      %parallel_loop3A_211 = arith.mulf %parallel_loop3A_210, %parallel_loop3A_207 : vector<16xf32>
      %parallel_loop3A_212 = arith.index_cast %parallel_loop3A_205 : i32 to index
      %parallel_loop3A_213 = arith.constant 0 : index
      %parallel_loop3A_214 = tpu.vector_load %arg16[%parallel_loop3A_212, %parallel_loop3A_213] {strides = array<i32>} : memref<80x128xf32, #tpu.memory_space<vmem>>, vector<16xf32>,
      tpu.vector_store %arg16[%parallel_loop3A_212, %parallel_loop3A_213], %parallel_loop3A_211 {strides = array<i32>} : memref<80x128xf32, #tpu.memory_space<vmem>>, vector<16xf32>,
      %parallel_loop3A_215 = arith.index_cast %parallel_loop3A_205 : i32 to index
      %parallel_loop3A_216 = arith.constant 16 : index
      %parallel_loop3A_217 = tpu.vector_load %arg14[%parallel_loop3A_215, %parallel_loop3A_216] {strides = array<i32>} : memref<80x128xf32, #tpu.memory_space<vmem>>, vector<16xf32>,
      %parallel_loop3A_218 = arith.mulf %parallel_loop3A_217, %parallel_loop3A_207 : vector<16xf32>
      %parallel_loop3A_219 = arith.index_cast %parallel_loop3A_205 : i32 to index
      %parallel_loop3A_220 = arith.constant 16 : index
      %parallel_loop3A_221 = tpu.vector_load %arg16[%parallel_loop3A_219, %parallel_loop3A_220] {strides = array<i32>} : memref<80x128xf32, #tpu.memory_space<vmem>>, vector<16xf32>,
      tpu.vector_store %arg16[%parallel_loop3A_219, %parallel_loop3A_220], %parallel_loop3A_218 {strides = array<i32>} : memref<80x128xf32, #tpu.memory_space<vmem>>, vector<16xf32>,
      %parallel_loop3A_222 = arith.index_cast %parallel_loop3A_205 : i32 to index
      %parallel_loop3A_223 = arith.constant 32 : index
      %parallel_loop3A_224 = tpu.vector_load %arg14[%parallel_loop3A_222, %parallel_loop3A_223] {strides = array<i32>} : memref<80x128xf32, #tpu.memory_space<vmem>>, vector<16xf32>,
      %parallel_loop3A_225 = arith.mulf %parallel_loop3A_224, %parallel_loop3A_207 : vector<16xf32>
      %parallel_loop3A_226 = arith.index_cast %parallel_loop3A_205 : i32 to index
      %parallel_loop3A_227 = arith.constant 32 : index
      %parallel_loop3A_228 = tpu.vector_load %arg16[%parallel_loop3A_226, %parallel_loop3A_227] {strides = array<i32>} : memref<80x128xf32, #tpu.memory_space<vmem>>, vector<16xf32>,
      tpu.vector_store %arg16[%parallel_loop3A_226, %parallel_loop3A_227], %parallel_loop3A_225 {strides = array<i32>} : memref<80x128xf32, #tpu.memory_space<vmem>>, vector<16xf32>,
      %parallel_loop3A_229 = arith.index_cast %parallel_loop3A_205 : i32 to index
      %parallel_loop3A_230 = arith.constant 48 : index
      %parallel_loop3A_231 = tpu.vector_load %arg14[%parallel_loop3A_229, %parallel_loop3A_230] {strides = array<i32>} : memref<80x128xf32, #tpu.memory_space<vmem>>, vector<16xf32>,
      %parallel_loop3A_232 = arith.mulf %parallel_loop3A_231, %parallel_loop3A_207 : vector<16xf32>
      %parallel_loop3A_233 = arith.index_cast %parallel_loop3A_205 : i32 to index
      %parallel_loop3A_234 = arith.constant 48 : index
      %parallel_loop3A_235 = tpu.vector_load %arg16[%parallel_loop3A_233, %parallel_loop3A_234] {strides = array<i32>} : memref<80x128xf32, #tpu.memory_space<vmem>>, vector<16xf32>,
      tpu.vector_store %arg16[%parallel_loop3A_233, %parallel_loop3A_234], %parallel_loop3A_232 {strides = array<i32>} : memref<80x128xf32, #tpu.memory_space<vmem>>, vector<16xf32>,
      %parallel_loop3A_236 = arith.index_cast %parallel_loop3A_205 : i32 to index
      %parallel_loop3A_237 = arith.constant 64 : index
      %parallel_loop3A_238 = tpu.vector_load %arg14[%parallel_loop3A_236, %parallel_loop3A_237] {strides = array<i32>} : memref<80x128xf32, #tpu.memory_space<vmem>>, vector<16xf32>,
      %parallel_loop3A_239 = arith.mulf %parallel_loop3A_238, %parallel_loop3A_207 : vector<16xf32>
      %parallel_loop3A_240 = arith.index_cast %parallel_loop3A_205 : i32 to index
      %parallel_loop3A_241 = arith.constant 64 : index
      %parallel_loop3A_242 = tpu.vector_load %arg16[%parallel_loop3A_240, %parallel_loop3A_241] {strides = array<i32>} : memref<80x128xf32, #tpu.memory_space<vmem>>, vector<16xf32>,
      tpu.vector_store %arg16[%parallel_loop3A_240, %parallel_loop3A_241], %parallel_loop3A_239 {strides = array<i32>} : memref<80x128xf32, #tpu.memory_space<vmem>>, vector<16xf32>,
      %parallel_loop3A_243 = arith.index_cast %parallel_loop3A_205 : i32 to index
      %parallel_loop3A_244 = arith.constant 80 : index
      %parallel_loop3A_245 = tpu.vector_load %arg14[%parallel_loop3A_243, %parallel_loop3A_244] {strides = array<i32>} : memref<80x128xf32, #tpu.memory_space<vmem>>, vector<16xf32>,
      %parallel_loop3A_246 = arith.mulf %parallel_loop3A_245, %parallel_loop3A_207 : vector<16xf32>
      %parallel_loop3A_247 = arith.index_cast %parallel_loop3A_205 : i32 to index
      %parallel_loop3A_248 = arith.constant 80 : index
      %parallel_loop3A_249 = tpu.vector_load %arg16[%parallel_loop3A_247, %parallel_loop3A_248] {strides = array<i32>} : memref<80x128xf32, #tpu.memory_space<vmem>>, vector<16xf32>,
      tpu.vector_store %arg16[%parallel_loop3A_247, %parallel_loop3A_248], %parallel_loop3A_246 {strides = array<i32>} : memref<80x128xf32, #tpu.memory_space<vmem>>, vector<16xf32>,
      %parallel_loop3A_250 = arith.index_cast %parallel_loop3A_205 : i32 to index
      %parallel_loop3A_251 = arith.constant 96 : index
      %parallel_loop3A_252 = tpu.vector_load %arg14[%parallel_loop3A_250, %parallel_loop3A_251] {strides = array<i32>} : memref<80x128xf32, #tpu.memory_space<vmem>>, vector<16xf32>,
      %parallel_loop3A_253 = arith.mulf %parallel_loop3A_252, %parallel_loop3A_207 : vector<16xf32>
      %parallel_loop3A_254 = arith.index_cast %parallel_loop3A_205 : i32 to index
      %parallel_loop3A_255 = arith.constant 96 : index
      %parallel_loop3A_256 = tpu.vector_load %arg16[%parallel_loop3A_254, %parallel_loop3A_255] {strides = array<i32>} : memref<80x128xf32, #tpu.memory_space<vmem>>, vector<16xf32>,
      tpu.vector_store %arg16[%parallel_loop3A_254, %parallel_loop3A_255], %parallel_loop3A_253 {strides = array<i32>} : memref<80x128xf32, #tpu.memory_space<vmem>>, vector<16xf32>,
      %parallel_loop3A_257 = arith.index_cast %parallel_loop3A_205 : i32 to index
      %parallel_loop3A_258 = arith.constant 112 : index
      %parallel_loop3A_259 = tpu.vector_load %arg14[%parallel_loop3A_257, %parallel_loop3A_258] {strides = array<i32>} : memref<80x128xf32, #tpu.memory_space<vmem>>, vector<16xf32>,
      %parallel_loop3A_260 = arith.mulf %parallel_loop3A_259, %parallel_loop3A_207 : vector<16xf32>
      %parallel_loop3A_261 = arith.index_cast %parallel_loop3A_205 : i32 to index
      %parallel_loop3A_262 = arith.constant 112 : index
      %parallel_loop3A_263 = tpu.vector_load %arg16[%parallel_loop3A_261, %parallel_loop3A_262] {strides = array<i32>} : memref<80x128xf32, #tpu.memory_space<vmem>>, vector<16xf32>,
      tpu.vector_store %arg16[%parallel_loop3A_261, %parallel_loop3A_262], %parallel_loop3A_260 {strides = array<i32>} : memref<80x128xf32, #tpu.memory_space<vmem>>, vector<16xf32>,
    } {sc.loop_unroll_factor = 4 : i64, sc.parallel_access}
    %dma_start3A_77 = arith.constant 3 : i32
    %dma_start3A_78 = arith.constant 0 : i32
    %dma_start3A_79 = tpu.memref_slice %arg10[%dma_start3A_77, %dma_start3A_78] : memref<125x80xi32, #tpu.memory_space<vmem>> -> memref<1x80xi32, #tpu.memory_space<vmem>>
    %dma_start3A_80 = tpu.memref_squeeze %dma_start3A_79 : memref<1x80xi32, #tpu.memory_space<vmem>> -> memref<80xi32, #tpu.memory_space<vmem>>
    %dma_start3A_81 = arith.constant 0 : i32
    %dma_start3A_82 = arith.constant 0 : i32
    %dma_start3A_83 = tpu.memref_slice %arg2[%dma_start3A_81, %dma_start3A_82] : memref<10000x128xf32, #tpu.memory_space<hbm>> -> memref<10000x128xf32, #tpu.memory_space<hbm>>
    tpu.enqueue_indirect_dma source(%dma_start3A_83 : memref<10000x128xf32, #tpu.memory_space<hbm>>) target(%arg14 : memref<80x128xf32, #tpu.memory_space<vmem>>) offsets(%dma_start3A_80 : memref<80xi32, #tpu.memory_space<vmem>>) semaphore(%arg19 : memref<!tpu.dma_semaphore, #tpu.memory_space<semaphore_mem>>)
    %dma_start3A_84 = arith.constant 1 : i32
    %dma_start3A_85 = arith.constant 0 : i32
    %dma_start3A_86 = tpu.memref_slice %arg11[%dma_start3A_84, %dma_start3A_85] : memref<125x80xi32, #tpu.memory_space<vmem>> -> memref<1x80xi32, #tpu.memory_space<vmem>>
    %dma_start3A_87 = tpu.memref_squeeze %dma_start3A_86 : memref<1x80xi32, #tpu.memory_space<vmem>> -> memref<80xi32, #tpu.memory_space<vmem>>
    %dma_start3A_88 = arith.constant 0 : i32
    %dma_start3A_89 = arith.constant 0 : i32
    %dma_start3A_90 = tpu.memref_slice %arg17[%dma_start3A_88, %dma_start3A_89] : memref<5120x128xf32, #tpu.memory_space<vmem_shared>> -> memref<5120x128xf32, #tpu.memory_space<vmem_shared>>
    tpu.enqueue_indirect_dma source(%arg16 : memref<80x128xf32, #tpu.memory_space<vmem>>) target(%dma_start3A_90 : memref<5120x128xf32, #tpu.memory_space<vmem_shared>>) offsets(%dma_start3A_87 : memref<80xi32, #tpu.memory_space<vmem>>) semaphore(%arg21 : memref<!tpu.dma_semaphore, #tpu.memory_space<semaphore_mem>>) {add = true}
    %scan3A_91 = arith.constant 0 : i32
    %scan3A_92 = arith.constant 1 : i32
    %scan3A_93 = arith.constant 60 : i32
    %scan3A_94 = arith.addi %scan3A_92, %scan3A_93 : i32
    %scan3A_95 = arith.constant 1 : i32
    %scan3A_96 = scf.for %scan3A_205 = %scan3A_92 to %scan3A_94 step %scan3A_95 iter_args(%scan3A_206 = %scan3A_91) -> (i32)  : i32 {
      %mul3A_207 = arith.constant 2 : i32
      %mul3A_208 = arith.muli %mul3A_207, %scan3A_205 : i32
      %add3A_209 = arith.constant 0 : i32
      %add3A_210 = arith.addi %mul3A_208, %add3A_209 : i32
      %dma_wait3A_211 = arith.constant 0 : i32
      %dma_wait3A_212 = arith.constant 0 : i32
      %dma_wait3A_213 = tpu.memref_slice %arg11[%dma_wait3A_211, %dma_wait3A_212] : memref<125x80xi32, #tpu.memory_space<vmem>> -> memref<1x80xi32, #tpu.memory_space<vmem>>
      %dma_wait3A_214 = tpu.memref_squeeze %dma_wait3A_213 : memref<1x80xi32, #tpu.memory_space<vmem>> -> memref<80xi32, #tpu.memory_space<vmem>>
      %dma_wait3A_215 = arith.constant 0 : i32
      %dma_wait3A_216 = arith.constant 0 : i32
      %dma_wait3A_217 = tpu.memref_slice %arg17[%dma_wait3A_215, %dma_wait3A_216] : memref<5120x128xf32, #tpu.memory_space<vmem_shared>> -> memref<5120x128xf32, #tpu.memory_space<vmem_shared>>
      tpu.wait_indirect_dma semaphore(%arg20 : memref<!tpu.dma_semaphore, #tpu.memory_space<semaphore_mem>>) src(%arg15 : memref<80x128xf32, #tpu.memory_space<vmem>>) dst(%dma_wait3A_217 : memref<5120x128xf32, #tpu.memory_space<vmem_shared>>)
      %dma_wait3A_218 = arith.constant 0 : i32
      %dma_wait3A_219 = arith.constant 0 : i32
      %dma_wait3A_220 = tpu.memref_slice %arg10[%dma_wait3A_218, %dma_wait3A_219] : memref<125x80xi32, #tpu.memory_space<vmem>> -> memref<1x80xi32, #tpu.memory_space<vmem>>
      %dma_wait3A_221 = tpu.memref_squeeze %dma_wait3A_220 : memref<1x80xi32, #tpu.memory_space<vmem>> -> memref<80xi32, #tpu.memory_space<vmem>>
      %dma_wait3A_222 = arith.constant 0 : i32
      %dma_wait3A_223 = arith.constant 0 : i32
      %dma_wait3A_224 = tpu.memref_slice %arg2[%dma_wait3A_222, %dma_wait3A_223] : memref<10000x128xf32, #tpu.memory_space<hbm>> -> memref<10000x128xf32, #tpu.memory_space<hbm>>
      tpu.wait_indirect_dma semaphore(%arg18 : memref<!tpu.dma_semaphore, #tpu.memory_space<semaphore_mem>>) src(%dma_wait3A_224 : memref<10000x128xf32, #tpu.memory_space<hbm>>) dst(%arg13 : memref<80x128xf32, #tpu.memory_space<vmem>>)
      %broadcast_in_dim3A_225 = vector.broadcast %add3A_210 : i32 to vector<16xi32>
      %parallel_loop3A_226 = arith.constant 0 : i32
      %parallel_loop3A_227 = arith.constant 80 : i32
      %parallel_loop3A_228 = arith.constant 1 : i32
      scf.for %parallel_loop3A_278 = %parallel_loop3A_226 to %parallel_loop3A_227 step %parallel_loop3A_228  : i32 {
        %parallel_loop3A_279 = vector.broadcast %parallel_loop3A_278 : i32 to vector<16xi32>
        %parallel_loop3A_280 = tpu.vector_load_idx %arg12[%broadcast_in_dim3A_225, %parallel_loop3A_279] : memref<125x80xf32, #tpu.memory_space<vmem>>[vector<16xi32>, vector<16xi32>], vector<16xf32>,
        %parallel_loop3A_281 = arith.index_cast %parallel_loop3A_278 : i32 to index
        %parallel_loop3A_282 = arith.constant 0 : index
        %parallel_loop3A_283 = tpu.vector_load %arg13[%parallel_loop3A_281, %parallel_loop3A_282] {strides = array<i32>} : memref<80x128xf32, #tpu.memory_space<vmem>>, vector<16xf32>,
        %parallel_loop3A_284 = arith.mulf %parallel_loop3A_283, %parallel_loop3A_280 : vector<16xf32>
        %parallel_loop3A_285 = arith.index_cast %parallel_loop3A_278 : i32 to index
        %parallel_loop3A_286 = arith.constant 0 : index
        %parallel_loop3A_287 = tpu.vector_load %arg15[%parallel_loop3A_285, %parallel_loop3A_286] {strides = array<i32>} : memref<80x128xf32, #tpu.memory_space<vmem>>, vector<16xf32>,
        tpu.vector_store %arg15[%parallel_loop3A_285, %parallel_loop3A_286], %parallel_loop3A_284 {strides = array<i32>} : memref<80x128xf32, #tpu.memory_space<vmem>>, vector<16xf32>,
        %parallel_loop3A_288 = arith.index_cast %parallel_loop3A_278 : i32 to index
        %parallel_loop3A_289 = arith.constant 16 : index
        %parallel_loop3A_290 = tpu.vector_load %arg13[%parallel_loop3A_288, %parallel_loop3A_289] {strides = array<i32>} : memref<80x128xf32, #tpu.memory_space<vmem>>, vector<16xf32>,
        %parallel_loop3A_291 = arith.mulf %parallel_loop3A_290, %parallel_loop3A_280 : vector<16xf32>
        %parallel_loop3A_292 = arith.index_cast %parallel_loop3A_278 : i32 to index
        %parallel_loop3A_293 = arith.constant 16 : index
        %parallel_loop3A_294 = tpu.vector_load %arg15[%parallel_loop3A_292, %parallel_loop3A_293] {strides = array<i32>} : memref<80x128xf32, #tpu.memory_space<vmem>>, vector<16xf32>,
        tpu.vector_store %arg15[%parallel_loop3A_292, %parallel_loop3A_293], %parallel_loop3A_291 {strides = array<i32>} : memref<80x128xf32, #tpu.memory_space<vmem>>, vector<16xf32>,
        %parallel_loop3A_295 = arith.index_cast %parallel_loop3A_278 : i32 to index
        %parallel_loop3A_296 = arith.constant 32 : index
        %parallel_loop3A_297 = tpu.vector_load %arg13[%parallel_loop3A_295, %parallel_loop3A_296] {strides = array<i32>} : memref<80x128xf32, #tpu.memory_space<vmem>>, vector<16xf32>,
        %parallel_loop3A_298 = arith.mulf %parallel_loop3A_297, %parallel_loop3A_280 : vector<16xf32>
        %parallel_loop3A_299 = arith.index_cast %parallel_loop3A_278 : i32 to index
        %parallel_loop3A_300 = arith.constant 32 : index
        %parallel_loop3A_301 = tpu.vector_load %arg15[%parallel_loop3A_299, %parallel_loop3A_300] {strides = array<i32>} : memref<80x128xf32, #tpu.memory_space<vmem>>, vector<16xf32>,
        tpu.vector_store %arg15[%parallel_loop3A_299, %parallel_loop3A_300], %parallel_loop3A_298 {strides = array<i32>} : memref<80x128xf32, #tpu.memory_space<vmem>>, vector<16xf32>,
        %parallel_loop3A_302 = arith.index_cast %parallel_loop3A_278 : i32 to index
        %parallel_loop3A_303 = arith.constant 48 : index
        %parallel_loop3A_304 = tpu.vector_load %arg13[%parallel_loop3A_302, %parallel_loop3A_303] {strides = array<i32>} : memref<80x128xf32, #tpu.memory_space<vmem>>, vector<16xf32>,
        %parallel_loop3A_305 = arith.mulf %parallel_loop3A_304, %parallel_loop3A_280 : vector<16xf32>
        %parallel_loop3A_306 = arith.index_cast %parallel_loop3A_278 : i32 to index
        %parallel_loop3A_307 = arith.constant 48 : index
        %parallel_loop3A_308 = tpu.vector_load %arg15[%parallel_loop3A_306, %parallel_loop3A_307] {strides = array<i32>} : memref<80x128xf32, #tpu.memory_space<vmem>>, vector<16xf32>,
        tpu.vector_store %arg15[%parallel_loop3A_306, %parallel_loop3A_307], %parallel_loop3A_305 {strides = array<i32>} : memref<80x128xf32, #tpu.memory_space<vmem>>, vector<16xf32>,
        %parallel_loop3A_309 = arith.index_cast %parallel_loop3A_278 : i32 to index
        %parallel_loop3A_310 = arith.constant 64 : index
        %parallel_loop3A_311 = tpu.vector_load %arg13[%parallel_loop3A_309, %parallel_loop3A_310] {strides = array<i32>} : memref<80x128xf32, #tpu.memory_space<vmem>>, vector<16xf32>,
        %parallel_loop3A_312 = arith.mulf %parallel_loop3A_311, %parallel_loop3A_280 : vector<16xf32>
        %parallel_loop3A_313 = arith.index_cast %parallel_loop3A_278 : i32 to index
        %parallel_loop3A_314 = arith.constant 64 : index
        %parallel_loop3A_315 = tpu.vector_load %arg15[%parallel_loop3A_313, %parallel_loop3A_314] {strides = array<i32>} : memref<80x128xf32, #tpu.memory_space<vmem>>, vector<16xf32>,
        tpu.vector_store %arg15[%parallel_loop3A_313, %parallel_loop3A_314], %parallel_loop3A_312 {strides = array<i32>} : memref<80x128xf32, #tpu.memory_space<vmem>>, vector<16xf32>,
        %parallel_loop3A_316 = arith.index_cast %parallel_loop3A_278 : i32 to index
        %parallel_loop3A_317 = arith.constant 80 : index
        %parallel_loop3A_318 = tpu.vector_load %arg13[%parallel_loop3A_316, %parallel_loop3A_317] {strides = array<i32>} : memref<80x128xf32, #tpu.memory_space<vmem>>, vector<16xf32>,
        %parallel_loop3A_319 = arith.mulf %parallel_loop3A_318, %parallel_loop3A_280 : vector<16xf32>
        %parallel_loop3A_320 = arith.index_cast %parallel_loop3A_278 : i32 to index
        %parallel_loop3A_321 = arith.constant 80 : index
        %parallel_loop3A_322 = tpu.vector_load %arg15[%parallel_loop3A_320, %parallel_loop3A_321] {strides = array<i32>} : memref<80x128xf32, #tpu.memory_space<vmem>>, vector<16xf32>,
        tpu.vector_store %arg15[%parallel_loop3A_320, %parallel_loop3A_321], %parallel_loop3A_319 {strides = array<i32>} : memref<80x128xf32, #tpu.memory_space<vmem>>, vector<16xf32>,
        %parallel_loop3A_323 = arith.index_cast %parallel_loop3A_278 : i32 to index
        %parallel_loop3A_324 = arith.constant 96 : index
        %parallel_loop3A_325 = tpu.vector_load %arg13[%parallel_loop3A_323, %parallel_loop3A_324] {strides = array<i32>} : memref<80x128xf32, #tpu.memory_space<vmem>>, vector<16xf32>,
        %parallel_loop3A_326 = arith.mulf %parallel_loop3A_325, %parallel_loop3A_280 : vector<16xf32>
        %parallel_loop3A_327 = arith.index_cast %parallel_loop3A_278 : i32 to index
        %parallel_loop3A_328 = arith.constant 96 : index
        %parallel_loop3A_329 = tpu.vector_load %arg15[%parallel_loop3A_327, %parallel_loop3A_328] {strides = array<i32>} : memref<80x128xf32, #tpu.memory_space<vmem>>, vector<16xf32>,
        tpu.vector_store %arg15[%parallel_loop3A_327, %parallel_loop3A_328], %parallel_loop3A_326 {strides = array<i32>} : memref<80x128xf32, #tpu.memory_space<vmem>>, vector<16xf32>,
        %parallel_loop3A_330 = arith.index_cast %parallel_loop3A_278 : i32 to index
        %parallel_loop3A_331 = arith.constant 112 : index
        %parallel_loop3A_332 = tpu.vector_load %arg13[%parallel_loop3A_330, %parallel_loop3A_331] {strides = array<i32>} : memref<80x128xf32, #tpu.memory_space<vmem>>, vector<16xf32>,
        %parallel_loop3A_333 = arith.mulf %parallel_loop3A_332, %parallel_loop3A_280 : vector<16xf32>
        %parallel_loop3A_334 = arith.index_cast %parallel_loop3A_278 : i32 to index
        %parallel_loop3A_335 = arith.constant 112 : index
        %parallel_loop3A_336 = tpu.vector_load %arg15[%parallel_loop3A_334, %parallel_loop3A_335] {strides = array<i32>} : memref<80x128xf32, #tpu.memory_space<vmem>>, vector<16xf32>,
        tpu.vector_store %arg15[%parallel_loop3A_334, %parallel_loop3A_335], %parallel_loop3A_333 {strides = array<i32>} : memref<80x128xf32, #tpu.memory_space<vmem>>, vector<16xf32>,
      } {sc.loop_unroll_factor = 4 : i64, sc.parallel_access}
      %add3A_229 = arith.constant 2 : i32
      %add3A_230 = arith.addi %add3A_210, %add3A_229 : i32
      %dma_start3A_231 = arith.constant 0 : i32
      %dma_start3A_232 = tpu.memref_slice %arg10[%add3A_230, %dma_start3A_231] : memref<125x80xi32, #tpu.memory_space<vmem>> -> memref<1x80xi32, #tpu.memory_space<vmem>>
      %dma_start3A_233 = tpu.memref_squeeze %dma_start3A_232 : memref<1x80xi32, #tpu.memory_space<vmem>> -> memref<80xi32, #tpu.memory_space<vmem>>
      %dma_start3A_234 = arith.constant 0 : i32
      %dma_start3A_235 = arith.constant 0 : i32
      %dma_start3A_236 = tpu.memref_slice %arg2[%dma_start3A_234, %dma_start3A_235] : memref<10000x128xf32, #tpu.memory_space<hbm>> -> memref<10000x128xf32, #tpu.memory_space<hbm>>
      tpu.enqueue_indirect_dma source(%dma_start3A_236 : memref<10000x128xf32, #tpu.memory_space<hbm>>) target(%arg13 : memref<80x128xf32, #tpu.memory_space<vmem>>) offsets(%dma_start3A_233 : memref<80xi32, #tpu.memory_space<vmem>>) semaphore(%arg18 : memref<!tpu.dma_semaphore, #tpu.memory_space<semaphore_mem>>)
      %dma_start3A_237 = arith.constant 0 : i32
      %dma_start3A_238 = tpu.memref_slice %arg11[%add3A_210, %dma_start3A_237] : memref<125x80xi32, #tpu.memory_space<vmem>> -> memref<1x80xi32, #tpu.memory_space<vmem>>
      %dma_start3A_239 = tpu.memref_squeeze %dma_start3A_238 : memref<1x80xi32, #tpu.memory_space<vmem>> -> memref<80xi32, #tpu.memory_space<vmem>>
      %dma_start3A_240 = arith.constant 0 : i32
      %dma_start3A_241 = arith.constant 0 : i32
      %dma_start3A_242 = tpu.memref_slice %arg17[%dma_start3A_240, %dma_start3A_241] : memref<5120x128xf32, #tpu.memory_space<vmem_shared>> -> memref<5120x128xf32, #tpu.memory_space<vmem_shared>>
      tpu.enqueue_indirect_dma source(%arg15 : memref<80x128xf32, #tpu.memory_space<vmem>>) target(%dma_start3A_242 : memref<5120x128xf32, #tpu.memory_space<vmem_shared>>) offsets(%dma_start3A_239 : memref<80xi32, #tpu.memory_space<vmem>>) semaphore(%arg20 : memref<!tpu.dma_semaphore, #tpu.memory_space<semaphore_mem>>) {add = true}
      %add3A_243 = arith.constant 1 : i32
      %add3A_244 = arith.addi %mul3A_208, %add3A_243 : i32
      %dma_wait3A_245 = arith.constant 0 : i32
      %dma_wait3A_246 = arith.constant 0 : i32
      %dma_wait3A_247 = tpu.memref_slice %arg11[%dma_wait3A_245, %dma_wait3A_246] : memref<125x80xi32, #tpu.memory_space<vmem>> -> memref<1x80xi32, #tpu.memory_space<vmem>>
      %dma_wait3A_248 = tpu.memref_squeeze %dma_wait3A_247 : memref<1x80xi32, #tpu.memory_space<vmem>> -> memref<80xi32, #tpu.memory_space<vmem>>
      %dma_wait3A_249 = arith.constant 0 : i32
      %dma_wait3A_250 = arith.constant 0 : i32
      %dma_wait3A_251 = tpu.memref_slice %arg17[%dma_wait3A_249, %dma_wait3A_250] : memref<5120x128xf32, #tpu.memory_space<vmem_shared>> -> memref<5120x128xf32, #tpu.memory_space<vmem_shared>>
      tpu.wait_indirect_dma semaphore(%arg21 : memref<!tpu.dma_semaphore, #tpu.memory_space<semaphore_mem>>) src(%arg16 : memref<80x128xf32, #tpu.memory_space<vmem>>) dst(%dma_wait3A_251 : memref<5120x128xf32, #tpu.memory_space<vmem_shared>>)
      %dma_wait3A_252 = arith.constant 0 : i32
      %dma_wait3A_253 = arith.constant 0 : i32
      %dma_wait3A_254 = tpu.memref_slice %arg10[%dma_wait3A_252, %dma_wait3A_253] : memref<125x80xi32, #tpu.memory_space<vmem>> -> memref<1x80xi32, #tpu.memory_space<vmem>>
      %dma_wait3A_255 = tpu.memref_squeeze %dma_wait3A_254 : memref<1x80xi32, #tpu.memory_space<vmem>> -> memref<80xi32, #tpu.memory_space<vmem>>
      %dma_wait3A_256 = arith.constant 0 : i32
      %dma_wait3A_257 = arith.constant 0 : i32
      %dma_wait3A_258 = tpu.memref_slice %arg2[%dma_wait3A_256, %dma_wait3A_257] : memref<10000x128xf32, #tpu.memory_space<hbm>> -> memref<10000x128xf32, #tpu.memory_space<hbm>>
      tpu.wait_indirect_dma semaphore(%arg19 : memref<!tpu.dma_semaphore, #tpu.memory_space<semaphore_mem>>) src(%dma_wait3A_258 : memref<10000x128xf32, #tpu.memory_space<hbm>>) dst(%arg14 : memref<80x128xf32, #tpu.memory_space<vmem>>)
      %broadcast_in_dim3A_259 = vector.broadcast %add3A_244 : i32 to vector<16xi32>
      %parallel_loop3A_260 = arith.constant 0 : i32
      %parallel_loop3A_261 = arith.constant 80 : i32
      %parallel_loop3A_262 = arith.constant 1 : i32
      scf.for %parallel_loop3A_278 = %parallel_loop3A_260 to %parallel_loop3A_261 step %parallel_loop3A_262  : i32 {
        %parallel_loop3A_279 = vector.broadcast %parallel_loop3A_278 : i32 to vector<16xi32>
        %parallel_loop3A_280 = tpu.vector_load_idx %arg12[%broadcast_in_dim3A_259, %parallel_loop3A_279] : memref<125x80xf32, #tpu.memory_space<vmem>>[vector<16xi32>, vector<16xi32>], vector<16xf32>,
        %parallel_loop3A_281 = arith.index_cast %parallel_loop3A_278 : i32 to index
        %parallel_loop3A_282 = arith.constant 0 : index
        %parallel_loop3A_283 = tpu.vector_load %arg14[%parallel_loop3A_281, %parallel_loop3A_282] {strides = array<i32>} : memref<80x128xf32, #tpu.memory_space<vmem>>, vector<16xf32>,
        %parallel_loop3A_284 = arith.mulf %parallel_loop3A_283, %parallel_loop3A_280 : vector<16xf32>
        %parallel_loop3A_285 = arith.index_cast %parallel_loop3A_278 : i32 to index
        %parallel_loop3A_286 = arith.constant 0 : index
        %parallel_loop3A_287 = tpu.vector_load %arg16[%parallel_loop3A_285, %parallel_loop3A_286] {strides = array<i32>} : memref<80x128xf32, #tpu.memory_space<vmem>>, vector<16xf32>,
        tpu.vector_store %arg16[%parallel_loop3A_285, %parallel_loop3A_286], %parallel_loop3A_284 {strides = array<i32>} : memref<80x128xf32, #tpu.memory_space<vmem>>, vector<16xf32>,
        %parallel_loop3A_288 = arith.index_cast %parallel_loop3A_278 : i32 to index
        %parallel_loop3A_289 = arith.constant 16 : index
        %parallel_loop3A_290 = tpu.vector_load %arg14[%parallel_loop3A_288, %parallel_loop3A_289] {strides = array<i32>} : memref<80x128xf32, #tpu.memory_space<vmem>>, vector<16xf32>,
        %parallel_loop3A_291 = arith.mulf %parallel_loop3A_290, %parallel_loop3A_280 : vector<16xf32>
        %parallel_loop3A_292 = arith.index_cast %parallel_loop3A_278 : i32 to index
        %parallel_loop3A_293 = arith.constant 16 : index
        %parallel_loop3A_294 = tpu.vector_load %arg16[%parallel_loop3A_292, %parallel_loop3A_293] {strides = array<i32>} : memref<80x128xf32, #tpu.memory_space<vmem>>, vector<16xf32>,
        tpu.vector_store %arg16[%parallel_loop3A_292, %parallel_loop3A_293], %parallel_loop3A_291 {strides = array<i32>} : memref<80x128xf32, #tpu.memory_space<vmem>>, vector<16xf32>,
        %parallel_loop3A_295 = arith.index_cast %parallel_loop3A_278 : i32 to index
        %parallel_loop3A_296 = arith.constant 32 : index
        %parallel_loop3A_297 = tpu.vector_load %arg14[%parallel_loop3A_295, %parallel_loop3A_296] {strides = array<i32>} : memref<80x128xf32, #tpu.memory_space<vmem>>, vector<16xf32>,
        %parallel_loop3A_298 = arith.mulf %parallel_loop3A_297, %parallel_loop3A_280 : vector<16xf32>
        %parallel_loop3A_299 = arith.index_cast %parallel_loop3A_278 : i32 to index
        %parallel_loop3A_300 = arith.constant 32 : index
        %parallel_loop3A_301 = tpu.vector_load %arg16[%parallel_loop3A_299, %parallel_loop3A_300] {strides = array<i32>} : memref<80x128xf32, #tpu.memory_space<vmem>>, vector<16xf32>,
        tpu.vector_store %arg16[%parallel_loop3A_299, %parallel_loop3A_300], %parallel_loop3A_298 {strides = array<i32>} : memref<80x128xf32, #tpu.memory_space<vmem>>, vector<16xf32>,
        %parallel_loop3A_302 = arith.index_cast %parallel_loop3A_278 : i32 to index
        %parallel_loop3A_303 = arith.constant 48 : index
        %parallel_loop3A_304 = tpu.vector_load %arg14[%parallel_loop3A_302, %parallel_loop3A_303] {strides = array<i32>} : memref<80x128xf32, #tpu.memory_space<vmem>>, vector<16xf32>,
        %parallel_loop3A_305 = arith.mulf %parallel_loop3A_304, %parallel_loop3A_280 : vector<16xf32>
        %parallel_loop3A_306 = arith.index_cast %parallel_loop3A_278 : i32 to index
        %parallel_loop3A_307 = arith.constant 48 : index
        %parallel_loop3A_308 = tpu.vector_load %arg16[%parallel_loop3A_306, %parallel_loop3A_307] {strides = array<i32>} : memref<80x128xf32, #tpu.memory_space<vmem>>, vector<16xf32>,
        tpu.vector_store %arg16[%parallel_loop3A_306, %parallel_loop3A_307], %parallel_loop3A_305 {strides = array<i32>} : memref<80x128xf32, #tpu.memory_space<vmem>>, vector<16xf32>,
        %parallel_loop3A_309 = arith.index_cast %parallel_loop3A_278 : i32 to index
        %parallel_loop3A_310 = arith.constant 64 : index
        %parallel_loop3A_311 = tpu.vector_load %arg14[%parallel_loop3A_309, %parallel_loop3A_310] {strides = array<i32>} : memref<80x128xf32, #tpu.memory_space<vmem>>, vector<16xf32>,
        %parallel_loop3A_312 = arith.mulf %parallel_loop3A_311, %parallel_loop3A_280 : vector<16xf32>
        %parallel_loop3A_313 = arith.index_cast %parallel_loop3A_278 : i32 to index
        %parallel_loop3A_314 = arith.constant 64 : index
        %parallel_loop3A_315 = tpu.vector_load %arg16[%parallel_loop3A_313, %parallel_loop3A_314] {strides = array<i32>} : memref<80x128xf32, #tpu.memory_space<vmem>>, vector<16xf32>,
        tpu.vector_store %arg16[%parallel_loop3A_313, %parallel_loop3A_314], %parallel_loop3A_312 {strides = array<i32>} : memref<80x128xf32, #tpu.memory_space<vmem>>, vector<16xf32>,
        %parallel_loop3A_316 = arith.index_cast %parallel_loop3A_278 : i32 to index
        %parallel_loop3A_317 = arith.constant 80 : index
        %parallel_loop3A_318 = tpu.vector_load %arg14[%parallel_loop3A_316, %parallel_loop3A_317] {strides = array<i32>} : memref<80x128xf32, #tpu.memory_space<vmem>>, vector<16xf32>,
        %parallel_loop3A_319 = arith.mulf %parallel_loop3A_318, %parallel_loop3A_280 : vector<16xf32>
        %parallel_loop3A_320 = arith.index_cast %parallel_loop3A_278 : i32 to index
        %parallel_loop3A_321 = arith.constant 80 : index
        %parallel_loop3A_322 = tpu.vector_load %arg16[%parallel_loop3A_320, %parallel_loop3A_321] {strides = array<i32>} : memref<80x128xf32, #tpu.memory_space<vmem>>, vector<16xf32>,
        tpu.vector_store %arg16[%parallel_loop3A_320, %parallel_loop3A_321], %parallel_loop3A_319 {strides = array<i32>} : memref<80x128xf32, #tpu.memory_space<vmem>>, vector<16xf32>,
        %parallel_loop3A_323 = arith.index_cast %parallel_loop3A_278 : i32 to index
        %parallel_loop3A_324 = arith.constant 96 : index
        %parallel_loop3A_325 = tpu.vector_load %arg14[%parallel_loop3A_323, %parallel_loop3A_324] {strides = array<i32>} : memref<80x128xf32, #tpu.memory_space<vmem>>, vector<16xf32>,
        %parallel_loop3A_326 = arith.mulf %parallel_loop3A_325, %parallel_loop3A_280 : vector<16xf32>
        %parallel_loop3A_327 = arith.index_cast %parallel_loop3A_278 : i32 to index
        %parallel_loop3A_328 = arith.constant 96 : index
        %parallel_loop3A_329 = tpu.vector_load %arg16[%parallel_loop3A_327, %parallel_loop3A_328] {strides = array<i32>} : memref<80x128xf32, #tpu.memory_space<vmem>>, vector<16xf32>,
        tpu.vector_store %arg16[%parallel_loop3A_327, %parallel_loop3A_328], %parallel_loop3A_326 {strides = array<i32>} : memref<80x128xf32, #tpu.memory_space<vmem>>, vector<16xf32>,
        %parallel_loop3A_330 = arith.index_cast %parallel_loop3A_278 : i32 to index
        %parallel_loop3A_331 = arith.constant 112 : index
        %parallel_loop3A_332 = tpu.vector_load %arg14[%parallel_loop3A_330, %parallel_loop3A_331] {strides = array<i32>} : memref<80x128xf32, #tpu.memory_space<vmem>>, vector<16xf32>,
        %parallel_loop3A_333 = arith.mulf %parallel_loop3A_332, %parallel_loop3A_280 : vector<16xf32>
        %parallel_loop3A_334 = arith.index_cast %parallel_loop3A_278 : i32 to index
        %parallel_loop3A_335 = arith.constant 112 : index
        %parallel_loop3A_336 = tpu.vector_load %arg16[%parallel_loop3A_334, %parallel_loop3A_335] {strides = array<i32>} : memref<80x128xf32, #tpu.memory_space<vmem>>, vector<16xf32>,
        tpu.vector_store %arg16[%parallel_loop3A_334, %parallel_loop3A_335], %parallel_loop3A_333 {strides = array<i32>} : memref<80x128xf32, #tpu.memory_space<vmem>>, vector<16xf32>,
      } {sc.loop_unroll_factor = 4 : i64, sc.parallel_access}
      %add3A_263 = arith.constant 2 : i32
      %add3A_264 = arith.addi %add3A_244, %add3A_263 : i32
      %dma_start3A_265 = arith.constant 0 : i32
      %dma_start3A_266 = tpu.memref_slice %arg10[%add3A_264, %dma_start3A_265] : memref<125x80xi32, #tpu.memory_space<vmem>> -> memref<1x80xi32, #tpu.memory_space<vmem>>
      %dma_start3A_267 = tpu.memref_squeeze %dma_start3A_266 : memref<1x80xi32, #tpu.memory_space<vmem>> -> memref<80xi32, #tpu.memory_space<vmem>>
      %dma_start3A_268 = arith.constant 0 : i32
      %dma_start3A_269 = arith.constant 0 : i32
      %dma_start3A_270 = tpu.memref_slice %arg2[%dma_start3A_268, %dma_start3A_269] : memref<10000x128xf32, #tpu.memory_space<hbm>> -> memref<10000x128xf32, #tpu.memory_space<hbm>>
      tpu.enqueue_indirect_dma source(%dma_start3A_270 : memref<10000x128xf32, #tpu.memory_space<hbm>>) target(%arg14 : memref<80x128xf32, #tpu.memory_space<vmem>>) offsets(%dma_start3A_267 : memref<80xi32, #tpu.memory_space<vmem>>) semaphore(%arg19 : memref<!tpu.dma_semaphore, #tpu.memory_space<semaphore_mem>>)
      %dma_start3A_271 = arith.constant 0 : i32
      %dma_start3A_272 = tpu.memref_slice %arg11[%add3A_244, %dma_start3A_271] : memref<125x80xi32, #tpu.memory_space<vmem>> -> memref<1x80xi32, #tpu.memory_space<vmem>>
      %dma_start3A_273 = tpu.memref_squeeze %dma_start3A_272 : memref<1x80xi32, #tpu.memory_space<vmem>> -> memref<80xi32, #tpu.memory_space<vmem>>
      %dma_start3A_274 = arith.constant 0 : i32
      %dma_start3A_275 = arith.constant 0 : i32
      %dma_start3A_276 = tpu.memref_slice %arg17[%dma_start3A_274, %dma_start3A_275] : memref<5120x128xf32, #tpu.memory_space<vmem_shared>> -> memref<5120x128xf32, #tpu.memory_space<vmem_shared>>
      tpu.enqueue_indirect_dma source(%arg16 : memref<80x128xf32, #tpu.memory_space<vmem>>) target(%dma_start3A_276 : memref<5120x128xf32, #tpu.memory_space<vmem_shared>>) offsets(%dma_start3A_273 : memref<80xi32, #tpu.memory_space<vmem>>) semaphore(%arg21 : memref<!tpu.dma_semaphore, #tpu.memory_space<semaphore_mem>>) {add = true}
      %scan3A_277 = arith.constant 0 : i32
      scf.yield %scan3A_277 : i32
    }
    %scan3A_97 = arith.constant 60 : i32
    %dma_wait3A_98 = arith.constant 0 : i32
    %dma_wait3A_99 = arith.constant 0 : i32
    %dma_wait3A_100 = tpu.memref_slice %arg11[%dma_wait3A_98, %dma_wait3A_99] : memref<125x80xi32, #tpu.memory_space<vmem>> -> memref<1x80xi32, #tpu.memory_space<vmem>>
    %dma_wait3A_101 = tpu.memref_squeeze %dma_wait3A_100 : memref<1x80xi32, #tpu.memory_space<vmem>> -> memref<80xi32, #tpu.memory_space<vmem>>
    %dma_wait3A_102 = arith.constant 0 : i32
    %dma_wait3A_103 = arith.constant 0 : i32
    %dma_wait3A_104 = tpu.memref_slice %arg17[%dma_wait3A_102, %dma_wait3A_103] : memref<5120x128xf32, #tpu.memory_space<vmem_shared>> -> memref<5120x128xf32, #tpu.memory_space<vmem_shared>>
    tpu.wait_indirect_dma semaphore(%arg20 : memref<!tpu.dma_semaphore, #tpu.memory_space<semaphore_mem>>) src(%arg15 : memref<80x128xf32, #tpu.memory_space<vmem>>) dst(%dma_wait3A_104 : memref<5120x128xf32, #tpu.memory_space<vmem_shared>>)
    %dma_wait3A_105 = arith.constant 0 : i32
    %dma_wait3A_106 = arith.constant 0 : i32
    %dma_wait3A_107 = tpu.memref_slice %arg10[%dma_wait3A_105, %dma_wait3A_106] : memref<125x80xi32, #tpu.memory_space<vmem>> -> memref<1x80xi32, #tpu.memory_space<vmem>>
    %dma_wait3A_108 = tpu.memref_squeeze %dma_wait3A_107 : memref<1x80xi32, #tpu.memory_space<vmem>> -> memref<80xi32, #tpu.memory_space<vmem>>
    %dma_wait3A_109 = arith.constant 0 : i32
    %dma_wait3A_110 = arith.constant 0 : i32
    %dma_wait3A_111 = tpu.memref_slice %arg2[%dma_wait3A_109, %dma_wait3A_110] : memref<10000x128xf32, #tpu.memory_space<hbm>> -> memref<10000x128xf32, #tpu.memory_space<hbm>>
    tpu.wait_indirect_dma semaphore(%arg18 : memref<!tpu.dma_semaphore, #tpu.memory_space<semaphore_mem>>) src(%dma_wait3A_111 : memref<10000x128xf32, #tpu.memory_space<hbm>>) dst(%arg13 : memref<80x128xf32, #tpu.memory_space<vmem>>)
    %broadcast_in_dim3A_112 = arith.constant 122 : i32
    %broadcast_in_dim3A_113 = vector.broadcast %broadcast_in_dim3A_112 : i32 to vector<16xi32>
    %parallel_loop3A_114 = arith.constant 0 : i32
    %parallel_loop3A_115 = arith.constant 80 : i32
    %parallel_loop3A_116 = arith.constant 1 : i32
    scf.for %parallel_loop3A_205 = %parallel_loop3A_114 to %parallel_loop3A_115 step %parallel_loop3A_116  : i32 {
      %parallel_loop3A_206 = vector.broadcast %parallel_loop3A_205 : i32 to vector<16xi32>
      %parallel_loop3A_207 = tpu.vector_load_idx %arg12[%broadcast_in_dim3A_113, %parallel_loop3A_206] : memref<125x80xf32, #tpu.memory_space<vmem>>[vector<16xi32>, vector<16xi32>], vector<16xf32>,
      %parallel_loop3A_208 = arith.index_cast %parallel_loop3A_205 : i32 to index
      %parallel_loop3A_209 = arith.constant 0 : index
      %parallel_loop3A_210 = tpu.vector_load %arg13[%parallel_loop3A_208, %parallel_loop3A_209] {strides = array<i32>} : memref<80x128xf32, #tpu.memory_space<vmem>>, vector<16xf32>,
      %parallel_loop3A_211 = arith.mulf %parallel_loop3A_210, %parallel_loop3A_207 : vector<16xf32>
      %parallel_loop3A_212 = arith.index_cast %parallel_loop3A_205 : i32 to index
      %parallel_loop3A_213 = arith.constant 0 : index
      %parallel_loop3A_214 = tpu.vector_load %arg15[%parallel_loop3A_212, %parallel_loop3A_213] {strides = array<i32>} : memref<80x128xf32, #tpu.memory_space<vmem>>, vector<16xf32>,
      tpu.vector_store %arg15[%parallel_loop3A_212, %parallel_loop3A_213], %parallel_loop3A_211 {strides = array<i32>} : memref<80x128xf32, #tpu.memory_space<vmem>>, vector<16xf32>,
      %parallel_loop3A_215 = arith.index_cast %parallel_loop3A_205 : i32 to index
      %parallel_loop3A_216 = arith.constant 16 : index
      %parallel_loop3A_217 = tpu.vector_load %arg13[%parallel_loop3A_215, %parallel_loop3A_216] {strides = array<i32>} : memref<80x128xf32, #tpu.memory_space<vmem>>, vector<16xf32>,
      %parallel_loop3A_218 = arith.mulf %parallel_loop3A_217, %parallel_loop3A_207 : vector<16xf32>
      %parallel_loop3A_219 = arith.index_cast %parallel_loop3A_205 : i32 to index
      %parallel_loop3A_220 = arith.constant 16 : index
      %parallel_loop3A_221 = tpu.vector_load %arg15[%parallel_loop3A_219, %parallel_loop3A_220] {strides = array<i32>} : memref<80x128xf32, #tpu.memory_space<vmem>>, vector<16xf32>,
      tpu.vector_store %arg15[%parallel_loop3A_219, %parallel_loop3A_220], %parallel_loop3A_218 {strides = array<i32>} : memref<80x128xf32, #tpu.memory_space<vmem>>, vector<16xf32>,
      %parallel_loop3A_222 = arith.index_cast %parallel_loop3A_205 : i32 to index
      %parallel_loop3A_223 = arith.constant 32 : index
      %parallel_loop3A_224 = tpu.vector_load %arg13[%parallel_loop3A_222, %parallel_loop3A_223] {strides = array<i32>} : memref<80x128xf32, #tpu.memory_space<vmem>>, vector<16xf32>,
      %parallel_loop3A_225 = arith.mulf %parallel_loop3A_224, %parallel_loop3A_207 : vector<16xf32>
      %parallel_loop3A_226 = arith.index_cast %parallel_loop3A_205 : i32 to index
      %parallel_loop3A_227 = arith.constant 32 : index
      %parallel_loop3A_228 = tpu.vector_load %arg15[%parallel_loop3A_226, %parallel_loop3A_227] {strides = array<i32>} : memref<80x128xf32, #tpu.memory_space<vmem>>, vector<16xf32>,
      tpu.vector_store %arg15[%parallel_loop3A_226, %parallel_loop3A_227], %parallel_loop3A_225 {strides = array<i32>} : memref<80x128xf32, #tpu.memory_space<vmem>>, vector<16xf32>,
      %parallel_loop3A_229 = arith.index_cast %parallel_loop3A_205 : i32 to index
      %parallel_loop3A_230 = arith.constant 48 : index
      %parallel_loop3A_231 = tpu.vector_load %arg13[%parallel_loop3A_229, %parallel_loop3A_230] {strides = array<i32>} : memref<80x128xf32, #tpu.memory_space<vmem>>, vector<16xf32>,
      %parallel_loop3A_232 = arith.mulf %parallel_loop3A_231, %parallel_loop3A_207 : vector<16xf32>
      %parallel_loop3A_233 = arith.index_cast %parallel_loop3A_205 : i32 to index
      %parallel_loop3A_234 = arith.constant 48 : index
      %parallel_loop3A_235 = tpu.vector_load %arg15[%parallel_loop3A_233, %parallel_loop3A_234] {strides = array<i32>} : memref<80x128xf32, #tpu.memory_space<vmem>>, vector<16xf32>,
      tpu.vector_store %arg15[%parallel_loop3A_233, %parallel_loop3A_234], %parallel_loop3A_232 {strides = array<i32>} : memref<80x128xf32, #tpu.memory_space<vmem>>, vector<16xf32>,
      %parallel_loop3A_236 = arith.index_cast %parallel_loop3A_205 : i32 to index
      %parallel_loop3A_237 = arith.constant 64 : index
      %parallel_loop3A_238 = tpu.vector_load %arg13[%parallel_loop3A_236, %parallel_loop3A_237] {strides = array<i32>} : memref<80x128xf32, #tpu.memory_space<vmem>>, vector<16xf32>,
      %parallel_loop3A_239 = arith.mulf %parallel_loop3A_238, %parallel_loop3A_207 : vector<16xf32>
      %parallel_loop3A_240 = arith.index_cast %parallel_loop3A_205 : i32 to index
      %parallel_loop3A_241 = arith.constant 64 : index
      %parallel_loop3A_242 = tpu.vector_load %arg15[%parallel_loop3A_240, %parallel_loop3A_241] {strides = array<i32>} : memref<80x128xf32, #tpu.memory_space<vmem>>, vector<16xf32>,
      tpu.vector_store %arg15[%parallel_loop3A_240, %parallel_loop3A_241], %parallel_loop3A_239 {strides = array<i32>} : memref<80x128xf32, #tpu.memory_space<vmem>>, vector<16xf32>,
      %parallel_loop3A_243 = arith.index_cast %parallel_loop3A_205 : i32 to index
      %parallel_loop3A_244 = arith.constant 80 : index
      %parallel_loop3A_245 = tpu.vector_load %arg13[%parallel_loop3A_243, %parallel_loop3A_244] {strides = array<i32>} : memref<80x128xf32, #tpu.memory_space<vmem>>, vector<16xf32>,
      %parallel_loop3A_246 = arith.mulf %parallel_loop3A_245, %parallel_loop3A_207 : vector<16xf32>
      %parallel_loop3A_247 = arith.index_cast %parallel_loop3A_205 : i32 to index
      %parallel_loop3A_248 = arith.constant 80 : index
      %parallel_loop3A_249 = tpu.vector_load %arg15[%parallel_loop3A_247, %parallel_loop3A_248] {strides = array<i32>} : memref<80x128xf32, #tpu.memory_space<vmem>>, vector<16xf32>,
      tpu.vector_store %arg15[%parallel_loop3A_247, %parallel_loop3A_248], %parallel_loop3A_246 {strides = array<i32>} : memref<80x128xf32, #tpu.memory_space<vmem>>, vector<16xf32>,
      %parallel_loop3A_250 = arith.index_cast %parallel_loop3A_205 : i32 to index
      %parallel_loop3A_251 = arith.constant 96 : index
      %parallel_loop3A_252 = tpu.vector_load %arg13[%parallel_loop3A_250, %parallel_loop3A_251] {strides = array<i32>} : memref<80x128xf32, #tpu.memory_space<vmem>>, vector<16xf32>,
      %parallel_loop3A_253 = arith.mulf %parallel_loop3A_252, %parallel_loop3A_207 : vector<16xf32>
      %parallel_loop3A_254 = arith.index_cast %parallel_loop3A_205 : i32 to index
      %parallel_loop3A_255 = arith.constant 96 : index
      %parallel_loop3A_256 = tpu.vector_load %arg15[%parallel_loop3A_254, %parallel_loop3A_255] {strides = array<i32>} : memref<80x128xf32, #tpu.memory_space<vmem>>, vector<16xf32>,
      tpu.vector_store %arg15[%parallel_loop3A_254, %parallel_loop3A_255], %parallel_loop3A_253 {strides = array<i32>} : memref<80x128xf32, #tpu.memory_space<vmem>>, vector<16xf32>,
      %parallel_loop3A_257 = arith.index_cast %parallel_loop3A_205 : i32 to index
      %parallel_loop3A_258 = arith.constant 112 : index
      %parallel_loop3A_259 = tpu.vector_load %arg13[%parallel_loop3A_257, %parallel_loop3A_258] {strides = array<i32>} : memref<80x128xf32, #tpu.memory_space<vmem>>, vector<16xf32>,
      %parallel_loop3A_260 = arith.mulf %parallel_loop3A_259, %parallel_loop3A_207 : vector<16xf32>
      %parallel_loop3A_261 = arith.index_cast %parallel_loop3A_205 : i32 to index
      %parallel_loop3A_262 = arith.constant 112 : index
      %parallel_loop3A_263 = tpu.vector_load %arg15[%parallel_loop3A_261, %parallel_loop3A_262] {strides = array<i32>} : memref<80x128xf32, #tpu.memory_space<vmem>>, vector<16xf32>,
      tpu.vector_store %arg15[%parallel_loop3A_261, %parallel_loop3A_262], %parallel_loop3A_260 {strides = array<i32>} : memref<80x128xf32, #tpu.memory_space<vmem>>, vector<16xf32>,
    } {sc.loop_unroll_factor = 4 : i64, sc.parallel_access}
    %dma_start3A_117 = arith.constant 124 : i32
    %dma_start3A_118 = arith.constant 0 : i32
    %dma_start3A_119 = tpu.memref_slice %arg10[%dma_start3A_117, %dma_start3A_118] : memref<125x80xi32, #tpu.memory_space<vmem>> -> memref<1x80xi32, #tpu.memory_space<vmem>>
    %dma_start3A_120 = tpu.memref_squeeze %dma_start3A_119 : memref<1x80xi32, #tpu.memory_space<vmem>> -> memref<80xi32, #tpu.memory_space<vmem>>
    %dma_start3A_121 = arith.constant 0 : i32
    %dma_start3A_122 = arith.constant 0 : i32
    %dma_start3A_123 = tpu.memref_slice %arg2[%dma_start3A_121, %dma_start3A_122] : memref<10000x128xf32, #tpu.memory_space<hbm>> -> memref<10000x128xf32, #tpu.memory_space<hbm>>
    tpu.enqueue_indirect_dma source(%dma_start3A_123 : memref<10000x128xf32, #tpu.memory_space<hbm>>) target(%arg13 : memref<80x128xf32, #tpu.memory_space<vmem>>) offsets(%dma_start3A_120 : memref<80xi32, #tpu.memory_space<vmem>>) semaphore(%arg18 : memref<!tpu.dma_semaphore, #tpu.memory_space<semaphore_mem>>)
    %dma_start3A_124 = arith.constant 122 : i32
    %dma_start3A_125 = arith.constant 0 : i32
    %dma_start3A_126 = tpu.memref_slice %arg11[%dma_start3A_124, %dma_start3A_125] : memref<125x80xi32, #tpu.memory_space<vmem>> -> memref<1x80xi32, #tpu.memory_space<vmem>>
    %dma_start3A_127 = tpu.memref_squeeze %dma_start3A_126 : memref<1x80xi32, #tpu.memory_space<vmem>> -> memref<80xi32, #tpu.memory_space<vmem>>
    %dma_start3A_128 = arith.constant 0 : i32
    %dma_start3A_129 = arith.constant 0 : i32
    %dma_start3A_130 = tpu.memref_slice %arg17[%dma_start3A_128, %dma_start3A_129] : memref<5120x128xf32, #tpu.memory_space<vmem_shared>> -> memref<5120x128xf32, #tpu.memory_space<vmem_shared>>
    tpu.enqueue_indirect_dma source(%arg15 : memref<80x128xf32, #tpu.memory_space<vmem>>) target(%dma_start3A_130 : memref<5120x128xf32, #tpu.memory_space<vmem_shared>>) offsets(%dma_start3A_127 : memref<80xi32, #tpu.memory_space<vmem>>) semaphore(%arg20 : memref<!tpu.dma_semaphore, #tpu.memory_space<semaphore_mem>>) {add = true}
    %dma_wait3A_131 = arith.constant 0 : i32
    %dma_wait3A_132 = arith.constant 0 : i32
    %dma_wait3A_133 = tpu.memref_slice %arg11[%dma_wait3A_131, %dma_wait3A_132] : memref<125x80xi32, #tpu.memory_space<vmem>> -> memref<1x80xi32, #tpu.memory_space<vmem>>
    %dma_wait3A_134 = tpu.memref_squeeze %dma_wait3A_133 : memref<1x80xi32, #tpu.memory_space<vmem>> -> memref<80xi32, #tpu.memory_space<vmem>>
    %dma_wait3A_135 = arith.constant 0 : i32
    %dma_wait3A_136 = arith.constant 0 : i32
    %dma_wait3A_137 = tpu.memref_slice %arg17[%dma_wait3A_135, %dma_wait3A_136] : memref<5120x128xf32, #tpu.memory_space<vmem_shared>> -> memref<5120x128xf32, #tpu.memory_space<vmem_shared>>
    tpu.wait_indirect_dma semaphore(%arg21 : memref<!tpu.dma_semaphore, #tpu.memory_space<semaphore_mem>>) src(%arg16 : memref<80x128xf32, #tpu.memory_space<vmem>>) dst(%dma_wait3A_137 : memref<5120x128xf32, #tpu.memory_space<vmem_shared>>)
    %dma_wait3A_138 = arith.constant 0 : i32
    %dma_wait3A_139 = arith.constant 0 : i32
    %dma_wait3A_140 = tpu.memref_slice %arg10[%dma_wait3A_138, %dma_wait3A_139] : memref<125x80xi32, #tpu.memory_space<vmem>> -> memref<1x80xi32, #tpu.memory_space<vmem>>
    %dma_wait3A_141 = tpu.memref_squeeze %dma_wait3A_140 : memref<1x80xi32, #tpu.memory_space<vmem>> -> memref<80xi32, #tpu.memory_space<vmem>>
    %dma_wait3A_142 = arith.constant 0 : i32
    %dma_wait3A_143 = arith.constant 0 : i32
    %dma_wait3A_144 = tpu.memref_slice %arg2[%dma_wait3A_142, %dma_wait3A_143] : memref<10000x128xf32, #tpu.memory_space<hbm>> -> memref<10000x128xf32, #tpu.memory_space<hbm>>
    tpu.wait_indirect_dma semaphore(%arg19 : memref<!tpu.dma_semaphore, #tpu.memory_space<semaphore_mem>>) src(%dma_wait3A_144 : memref<10000x128xf32, #tpu.memory_space<hbm>>) dst(%arg14 : memref<80x128xf32, #tpu.memory_space<vmem>>)
    %broadcast_in_dim3A_145 = arith.constant 123 : i32
    %broadcast_in_dim3A_146 = vector.broadcast %broadcast_in_dim3A_145 : i32 to vector<16xi32>
    %parallel_loop3A_147 = arith.constant 0 : i32
    %parallel_loop3A_148 = arith.constant 80 : i32
    %parallel_loop3A_149 = arith.constant 1 : i32
    scf.for %parallel_loop3A_205 = %parallel_loop3A_147 to %parallel_loop3A_148 step %parallel_loop3A_149  : i32 {
      %parallel_loop3A_206 = vector.broadcast %parallel_loop3A_205 : i32 to vector<16xi32>
      %parallel_loop3A_207 = tpu.vector_load_idx %arg12[%broadcast_in_dim3A_146, %parallel_loop3A_206] : memref<125x80xf32, #tpu.memory_space<vmem>>[vector<16xi32>, vector<16xi32>], vector<16xf32>,
      %parallel_loop3A_208 = arith.index_cast %parallel_loop3A_205 : i32 to index
      %parallel_loop3A_209 = arith.constant 0 : index
      %parallel_loop3A_210 = tpu.vector_load %arg14[%parallel_loop3A_208, %parallel_loop3A_209] {strides = array<i32>} : memref<80x128xf32, #tpu.memory_space<vmem>>, vector<16xf32>,
      %parallel_loop3A_211 = arith.mulf %parallel_loop3A_210, %parallel_loop3A_207 : vector<16xf32>
      %parallel_loop3A_212 = arith.index_cast %parallel_loop3A_205 : i32 to index
      %parallel_loop3A_213 = arith.constant 0 : index
      %parallel_loop3A_214 = tpu.vector_load %arg16[%parallel_loop3A_212, %parallel_loop3A_213] {strides = array<i32>} : memref<80x128xf32, #tpu.memory_space<vmem>>, vector<16xf32>,
      tpu.vector_store %arg16[%parallel_loop3A_212, %parallel_loop3A_213], %parallel_loop3A_211 {strides = array<i32>} : memref<80x128xf32, #tpu.memory_space<vmem>>, vector<16xf32>,
      %parallel_loop3A_215 = arith.index_cast %parallel_loop3A_205 : i32 to index
      %parallel_loop3A_216 = arith.constant 16 : index
      %parallel_loop3A_217 = tpu.vector_load %arg14[%parallel_loop3A_215, %parallel_loop3A_216] {strides = array<i32>} : memref<80x128xf32, #tpu.memory_space<vmem>>, vector<16xf32>,
      %parallel_loop3A_218 = arith.mulf %parallel_loop3A_217, %parallel_loop3A_207 : vector<16xf32>
      %parallel_loop3A_219 = arith.index_cast %parallel_loop3A_205 : i32 to index
      %parallel_loop3A_220 = arith.constant 16 : index
      %parallel_loop3A_221 = tpu.vector_load %arg16[%parallel_loop3A_219, %parallel_loop3A_220] {strides = array<i32>} : memref<80x128xf32, #tpu.memory_space<vmem>>, vector<16xf32>,
      tpu.vector_store %arg16[%parallel_loop3A_219, %parallel_loop3A_220], %parallel_loop3A_218 {strides = array<i32>} : memref<80x128xf32, #tpu.memory_space<vmem>>, vector<16xf32>,
      %parallel_loop3A_222 = arith.index_cast %parallel_loop3A_205 : i32 to index
      %parallel_loop3A_223 = arith.constant 32 : index
      %parallel_loop3A_224 = tpu.vector_load %arg14[%parallel_loop3A_222, %parallel_loop3A_223] {strides = array<i32>} : memref<80x128xf32, #tpu.memory_space<vmem>>, vector<16xf32>,
      %parallel_loop3A_225 = arith.mulf %parallel_loop3A_224, %parallel_loop3A_207 : vector<16xf32>
      %parallel_loop3A_226 = arith.index_cast %parallel_loop3A_205 : i32 to index
      %parallel_loop3A_227 = arith.constant 32 : index
      %parallel_loop3A_228 = tpu.vector_load %arg16[%parallel_loop3A_226, %parallel_loop3A_227] {strides = array<i32>} : memref<80x128xf32, #tpu.memory_space<vmem>>, vector<16xf32>,
      tpu.vector_store %arg16[%parallel_loop3A_226, %parallel_loop3A_227], %parallel_loop3A_225 {strides = array<i32>} : memref<80x128xf32, #tpu.memory_space<vmem>>, vector<16xf32>,
      %parallel_loop3A_229 = arith.index_cast %parallel_loop3A_205 : i32 to index
      %parallel_loop3A_230 = arith.constant 48 : index
      %parallel_loop3A_231 = tpu.vector_load %arg14[%parallel_loop3A_229, %parallel_loop3A_230] {strides = array<i32>} : memref<80x128xf32, #tpu.memory_space<vmem>>, vector<16xf32>,
      %parallel_loop3A_232 = arith.mulf %parallel_loop3A_231, %parallel_loop3A_207 : vector<16xf32>
      %parallel_loop3A_233 = arith.index_cast %parallel_loop3A_205 : i32 to index
      %parallel_loop3A_234 = arith.constant 48 : index
      %parallel_loop3A_235 = tpu.vector_load %arg16[%parallel_loop3A_233, %parallel_loop3A_234] {strides = array<i32>} : memref<80x128xf32, #tpu.memory_space<vmem>>, vector<16xf32>,
      tpu.vector_store %arg16[%parallel_loop3A_233, %parallel_loop3A_234], %parallel_loop3A_232 {strides = array<i32>} : memref<80x128xf32, #tpu.memory_space<vmem>>, vector<16xf32>,
      %parallel_loop3A_236 = arith.index_cast %parallel_loop3A_205 : i32 to index
      %parallel_loop3A_237 = arith.constant 64 : index
      %parallel_loop3A_238 = tpu.vector_load %arg14[%parallel_loop3A_236, %parallel_loop3A_237] {strides = array<i32>} : memref<80x128xf32, #tpu.memory_space<vmem>>, vector<16xf32>,
      %parallel_loop3A_239 = arith.mulf %parallel_loop3A_238, %parallel_loop3A_207 : vector<16xf32>
      %parallel_loop3A_240 = arith.index_cast %parallel_loop3A_205 : i32 to index
      %parallel_loop3A_241 = arith.constant 64 : index
      %parallel_loop3A_242 = tpu.vector_load %arg16[%parallel_loop3A_240, %parallel_loop3A_241] {strides = array<i32>} : memref<80x128xf32, #tpu.memory_space<vmem>>, vector<16xf32>,
      tpu.vector_store %arg16[%parallel_loop3A_240, %parallel_loop3A_241], %parallel_loop3A_239 {strides = array<i32>} : memref<80x128xf32, #tpu.memory_space<vmem>>, vector<16xf32>,
      %parallel_loop3A_243 = arith.index_cast %parallel_loop3A_205 : i32 to index
      %parallel_loop3A_244 = arith.constant 80 : index
      %parallel_loop3A_245 = tpu.vector_load %arg14[%parallel_loop3A_243, %parallel_loop3A_244] {strides = array<i32>} : memref<80x128xf32, #tpu.memory_space<vmem>>, vector<16xf32>,
      %parallel_loop3A_246 = arith.mulf %parallel_loop3A_245, %parallel_loop3A_207 : vector<16xf32>
      %parallel_loop3A_247 = arith.index_cast %parallel_loop3A_205 : i32 to index
      %parallel_loop3A_248 = arith.constant 80 : index
      %parallel_loop3A_249 = tpu.vector_load %arg16[%parallel_loop3A_247, %parallel_loop3A_248] {strides = array<i32>} : memref<80x128xf32, #tpu.memory_space<vmem>>, vector<16xf32>,
      tpu.vector_store %arg16[%parallel_loop3A_247, %parallel_loop3A_248], %parallel_loop3A_246 {strides = array<i32>} : memref<80x128xf32, #tpu.memory_space<vmem>>, vector<16xf32>,
      %parallel_loop3A_250 = arith.index_cast %parallel_loop3A_205 : i32 to index
      %parallel_loop3A_251 = arith.constant 96 : index
      %parallel_loop3A_252 = tpu.vector_load %arg14[%parallel_loop3A_250, %parallel_loop3A_251] {strides = array<i32>} : memref<80x128xf32, #tpu.memory_space<vmem>>, vector<16xf32>,
      %parallel_loop3A_253 = arith.mulf %parallel_loop3A_252, %parallel_loop3A_207 : vector<16xf32>
      %parallel_loop3A_254 = arith.index_cast %parallel_loop3A_205 : i32 to index
      %parallel_loop3A_255 = arith.constant 96 : index
      %parallel_loop3A_256 = tpu.vector_load %arg16[%parallel_loop3A_254, %parallel_loop3A_255] {strides = array<i32>} : memref<80x128xf32, #tpu.memory_space<vmem>>, vector<16xf32>,
      tpu.vector_store %arg16[%parallel_loop3A_254, %parallel_loop3A_255], %parallel_loop3A_253 {strides = array<i32>} : memref<80x128xf32, #tpu.memory_space<vmem>>, vector<16xf32>,
      %parallel_loop3A_257 = arith.index_cast %parallel_loop3A_205 : i32 to index
      %parallel_loop3A_258 = arith.constant 112 : index
      %parallel_loop3A_259 = tpu.vector_load %arg14[%parallel_loop3A_257, %parallel_loop3A_258] {strides = array<i32>} : memref<80x128xf32, #tpu.memory_space<vmem>>, vector<16xf32>,
      %parallel_loop3A_260 = arith.mulf %parallel_loop3A_259, %parallel_loop3A_207 : vector<16xf32>
      %parallel_loop3A_261 = arith.index_cast %parallel_loop3A_205 : i32 to index
      %parallel_loop3A_262 = arith.constant 112 : index
      %parallel_loop3A_263 = tpu.vector_load %arg16[%parallel_loop3A_261, %parallel_loop3A_262] {strides = array<i32>} : memref<80x128xf32, #tpu.memory_space<vmem>>, vector<16xf32>,
      tpu.vector_store %arg16[%parallel_loop3A_261, %parallel_loop3A_262], %parallel_loop3A_260 {strides = array<i32>} : memref<80x128xf32, #tpu.memory_space<vmem>>, vector<16xf32>,
    } {sc.loop_unroll_factor = 4 : i64, sc.parallel_access}
    %dma_start3A_150 = arith.constant 123 : i32
    %dma_start3A_151 = arith.constant 0 : i32
    %dma_start3A_152 = tpu.memref_slice %arg11[%dma_start3A_150, %dma_start3A_151] : memref<125x80xi32, #tpu.memory_space<vmem>> -> memref<1x80xi32, #tpu.memory_space<vmem>>
    %dma_start3A_153 = tpu.memref_squeeze %dma_start3A_152 : memref<1x80xi32, #tpu.memory_space<vmem>> -> memref<80xi32, #tpu.memory_space<vmem>>
    %dma_start3A_154 = arith.constant 0 : i32
    %dma_start3A_155 = arith.constant 0 : i32
    %dma_start3A_156 = tpu.memref_slice %arg17[%dma_start3A_154, %dma_start3A_155] : memref<5120x128xf32, #tpu.memory_space<vmem_shared>> -> memref<5120x128xf32, #tpu.memory_space<vmem_shared>>
    tpu.enqueue_indirect_dma source(%arg16 : memref<80x128xf32, #tpu.memory_space<vmem>>) target(%dma_start3A_156 : memref<5120x128xf32, #tpu.memory_space<vmem_shared>>) offsets(%dma_start3A_153 : memref<80xi32, #tpu.memory_space<vmem>>) semaphore(%arg21 : memref<!tpu.dma_semaphore, #tpu.memory_space<semaphore_mem>>) {add = true}
    %dma_wait3A_157 = arith.constant 0 : i32
    %dma_wait3A_158 = arith.constant 0 : i32
    %dma_wait3A_159 = tpu.memref_slice %arg11[%dma_wait3A_157, %dma_wait3A_158] : memref<125x80xi32, #tpu.memory_space<vmem>> -> memref<1x80xi32, #tpu.memory_space<vmem>>
    %dma_wait3A_160 = tpu.memref_squeeze %dma_wait3A_159 : memref<1x80xi32, #tpu.memory_space<vmem>> -> memref<80xi32, #tpu.memory_space<vmem>>
    %dma_wait3A_161 = arith.constant 0 : i32
    %dma_wait3A_162 = arith.constant 0 : i32
    %dma_wait3A_163 = tpu.memref_slice %arg17[%dma_wait3A_161, %dma_wait3A_162] : memref<5120x128xf32, #tpu.memory_space<vmem_shared>> -> memref<5120x128xf32, #tpu.memory_space<vmem_shared>>
    tpu.wait_indirect_dma semaphore(%arg20 : memref<!tpu.dma_semaphore, #tpu.memory_space<semaphore_mem>>) src(%arg15 : memref<80x128xf32, #tpu.memory_space<vmem>>) dst(%dma_wait3A_163 : memref<5120x128xf32, #tpu.memory_space<vmem_shared>>)
    %dma_wait3A_164 = arith.constant 0 : i32
    %dma_wait3A_165 = arith.constant 0 : i32
    %dma_wait3A_166 = tpu.memref_slice %arg10[%dma_wait3A_164, %dma_wait3A_165] : memref<125x80xi32, #tpu.memory_space<vmem>> -> memref<1x80xi32, #tpu.memory_space<vmem>>
    %dma_wait3A_167 = tpu.memref_squeeze %dma_wait3A_166 : memref<1x80xi32, #tpu.memory_space<vmem>> -> memref<80xi32, #tpu.memory_space<vmem>>
    %dma_wait3A_168 = arith.constant 0 : i32
    %dma_wait3A_169 = arith.constant 0 : i32
    %dma_wait3A_170 = tpu.memref_slice %arg2[%dma_wait3A_168, %dma_wait3A_169] : memref<10000x128xf32, #tpu.memory_space<hbm>> -> memref<10000x128xf32, #tpu.memory_space<hbm>>
    tpu.wait_indirect_dma semaphore(%arg18 : memref<!tpu.dma_semaphore, #tpu.memory_space<semaphore_mem>>) src(%dma_wait3A_170 : memref<10000x128xf32, #tpu.memory_space<hbm>>) dst(%arg13 : memref<80x128xf32, #tpu.memory_space<vmem>>)
    %broadcast_in_dim3A_171 = arith.constant 124 : i32
    %broadcast_in_dim3A_172 = vector.broadcast %broadcast_in_dim3A_171 : i32 to vector<16xi32>
    %parallel_loop3A_173 = arith.constant 0 : i32
    %parallel_loop3A_174 = arith.constant 80 : i32
    %parallel_loop3A_175 = arith.constant 1 : i32
    scf.for %parallel_loop3A_205 = %parallel_loop3A_173 to %parallel_loop3A_174 step %parallel_loop3A_175  : i32 {
      %parallel_loop3A_206 = vector.broadcast %parallel_loop3A_205 : i32 to vector<16xi32>
      %parallel_loop3A_207 = tpu.vector_load_idx %arg12[%broadcast_in_dim3A_172, %parallel_loop3A_206] : memref<125x80xf32, #tpu.memory_space<vmem>>[vector<16xi32>, vector<16xi32>], vector<16xf32>,
      %parallel_loop3A_208 = arith.index_cast %parallel_loop3A_205 : i32 to index
      %parallel_loop3A_209 = arith.constant 0 : index
      %parallel_loop3A_210 = tpu.vector_load %arg13[%parallel_loop3A_208, %parallel_loop3A_209] {strides = array<i32>} : memref<80x128xf32, #tpu.memory_space<vmem>>, vector<16xf32>,
      %parallel_loop3A_211 = arith.mulf %parallel_loop3A_210, %parallel_loop3A_207 : vector<16xf32>
      %parallel_loop3A_212 = arith.index_cast %parallel_loop3A_205 : i32 to index
      %parallel_loop3A_213 = arith.constant 0 : index
      %parallel_loop3A_214 = tpu.vector_load %arg15[%parallel_loop3A_212, %parallel_loop3A_213] {strides = array<i32>} : memref<80x128xf32, #tpu.memory_space<vmem>>, vector<16xf32>,
      tpu.vector_store %arg15[%parallel_loop3A_212, %parallel_loop3A_213], %parallel_loop3A_211 {strides = array<i32>} : memref<80x128xf32, #tpu.memory_space<vmem>>, vector<16xf32>,
      %parallel_loop3A_215 = arith.index_cast %parallel_loop3A_205 : i32 to index
      %parallel_loop3A_216 = arith.constant 16 : index
      %parallel_loop3A_217 = tpu.vector_load %arg13[%parallel_loop3A_215, %parallel_loop3A_216] {strides = array<i32>} : memref<80x128xf32, #tpu.memory_space<vmem>>, vector<16xf32>,
      %parallel_loop3A_218 = arith.mulf %parallel_loop3A_217, %parallel_loop3A_207 : vector<16xf32>
      %parallel_loop3A_219 = arith.index_cast %parallel_loop3A_205 : i32 to index
      %parallel_loop3A_220 = arith.constant 16 : index
      %parallel_loop3A_221 = tpu.vector_load %arg15[%parallel_loop3A_219, %parallel_loop3A_220] {strides = array<i32>} : memref<80x128xf32, #tpu.memory_space<vmem>>, vector<16xf32>,
      tpu.vector_store %arg15[%parallel_loop3A_219, %parallel_loop3A_220], %parallel_loop3A_218 {strides = array<i32>} : memref<80x128xf32, #tpu.memory_space<vmem>>, vector<16xf32>,
      %parallel_loop3A_222 = arith.index_cast %parallel_loop3A_205 : i32 to index
      %parallel_loop3A_223 = arith.constant 32 : index
      %parallel_loop3A_224 = tpu.vector_load %arg13[%parallel_loop3A_222, %parallel_loop3A_223] {strides = array<i32>} : memref<80x128xf32, #tpu.memory_space<vmem>>, vector<16xf32>,
      %parallel_loop3A_225 = arith.mulf %parallel_loop3A_224, %parallel_loop3A_207 : vector<16xf32>
      %parallel_loop3A_226 = arith.index_cast %parallel_loop3A_205 : i32 to index
      %parallel_loop3A_227 = arith.constant 32 : index
      %parallel_loop3A_228 = tpu.vector_load %arg15[%parallel_loop3A_226, %parallel_loop3A_227] {strides = array<i32>} : memref<80x128xf32, #tpu.memory_space<vmem>>, vector<16xf32>,
      tpu.vector_store %arg15[%parallel_loop3A_226, %parallel_loop3A_227], %parallel_loop3A_225 {strides = array<i32>} : memref<80x128xf32, #tpu.memory_space<vmem>>, vector<16xf32>,
      %parallel_loop3A_229 = arith.index_cast %parallel_loop3A_205 : i32 to index
      %parallel_loop3A_230 = arith.constant 48 : index
      %parallel_loop3A_231 = tpu.vector_load %arg13[%parallel_loop3A_229, %parallel_loop3A_230] {strides = array<i32>} : memref<80x128xf32, #tpu.memory_space<vmem>>, vector<16xf32>,
      %parallel_loop3A_232 = arith.mulf %parallel_loop3A_231, %parallel_loop3A_207 : vector<16xf32>
      %parallel_loop3A_233 = arith.index_cast %parallel_loop3A_205 : i32 to index
      %parallel_loop3A_234 = arith.constant 48 : index
      %parallel_loop3A_235 = tpu.vector_load %arg15[%parallel_loop3A_233, %parallel_loop3A_234] {strides = array<i32>} : memref<80x128xf32, #tpu.memory_space<vmem>>, vector<16xf32>,
      tpu.vector_store %arg15[%parallel_loop3A_233, %parallel_loop3A_234], %parallel_loop3A_232 {strides = array<i32>} : memref<80x128xf32, #tpu.memory_space<vmem>>, vector<16xf32>,
      %parallel_loop3A_236 = arith.index_cast %parallel_loop3A_205 : i32 to index
      %parallel_loop3A_237 = arith.constant 64 : index
      %parallel_loop3A_238 = tpu.vector_load %arg13[%parallel_loop3A_236, %parallel_loop3A_237] {strides = array<i32>} : memref<80x128xf32, #tpu.memory_space<vmem>>, vector<16xf32>,
      %parallel_loop3A_239 = arith.mulf %parallel_loop3A_238, %parallel_loop3A_207 : vector<16xf32>
      %parallel_loop3A_240 = arith.index_cast %parallel_loop3A_205 : i32 to index
      %parallel_loop3A_241 = arith.constant 64 : index
      %parallel_loop3A_242 = tpu.vector_load %arg15[%parallel_loop3A_240, %parallel_loop3A_241] {strides = array<i32>} : memref<80x128xf32, #tpu.memory_space<vmem>>, vector<16xf32>,
      tpu.vector_store %arg15[%parallel_loop3A_240, %parallel_loop3A_241], %parallel_loop3A_239 {strides = array<i32>} : memref<80x128xf32, #tpu.memory_space<vmem>>, vector<16xf32>,
      %parallel_loop3A_243 = arith.index_cast %parallel_loop3A_205 : i32 to index
      %parallel_loop3A_244 = arith.constant 80 : index
      %parallel_loop3A_245 = tpu.vector_load %arg13[%parallel_loop3A_243, %parallel_loop3A_244] {strides = array<i32>} : memref<80x128xf32, #tpu.memory_space<vmem>>, vector<16xf32>,
      %parallel_loop3A_246 = arith.mulf %parallel_loop3A_245, %parallel_loop3A_207 : vector<16xf32>
      %parallel_loop3A_247 = arith.index_cast %parallel_loop3A_205 : i32 to index
      %parallel_loop3A_248 = arith.constant 80 : index
      %parallel_loop3A_249 = tpu.vector_load %arg15[%parallel_loop3A_247, %parallel_loop3A_248] {strides = array<i32>} : memref<80x128xf32, #tpu.memory_space<vmem>>, vector<16xf32>,
      tpu.vector_store %arg15[%parallel_loop3A_247, %parallel_loop3A_248], %parallel_loop3A_246 {strides = array<i32>} : memref<80x128xf32, #tpu.memory_space<vmem>>, vector<16xf32>,
      %parallel_loop3A_250 = arith.index_cast %parallel_loop3A_205 : i32 to index
      %parallel_loop3A_251 = arith.constant 96 : index
      %parallel_loop3A_252 = tpu.vector_load %arg13[%parallel_loop3A_250, %parallel_loop3A_251] {strides = array<i32>} : memref<80x128xf32, #tpu.memory_space<vmem>>, vector<16xf32>,
      %parallel_loop3A_253 = arith.mulf %parallel_loop3A_252, %parallel_loop3A_207 : vector<16xf32>
      %parallel_loop3A_254 = arith.index_cast %parallel_loop3A_205 : i32 to index
      %parallel_loop3A_255 = arith.constant 96 : index
      %parallel_loop3A_256 = tpu.vector_load %arg15[%parallel_loop3A_254, %parallel_loop3A_255] {strides = array<i32>} : memref<80x128xf32, #tpu.memory_space<vmem>>, vector<16xf32>,
      tpu.vector_store %arg15[%parallel_loop3A_254, %parallel_loop3A_255], %parallel_loop3A_253 {strides = array<i32>} : memref<80x128xf32, #tpu.memory_space<vmem>>, vector<16xf32>,
      %parallel_loop3A_257 = arith.index_cast %parallel_loop3A_205 : i32 to index
      %parallel_loop3A_258 = arith.constant 112 : index
      %parallel_loop3A_259 = tpu.vector_load %arg13[%parallel_loop3A_257, %parallel_loop3A_258] {strides = array<i32>} : memref<80x128xf32, #tpu.memory_space<vmem>>, vector<16xf32>,
      %parallel_loop3A_260 = arith.mulf %parallel_loop3A_259, %parallel_loop3A_207 : vector<16xf32>
      %parallel_loop3A_261 = arith.index_cast %parallel_loop3A_205 : i32 to index
      %parallel_loop3A_262 = arith.constant 112 : index
      %parallel_loop3A_263 = tpu.vector_load %arg15[%parallel_loop3A_261, %parallel_loop3A_262] {strides = array<i32>} : memref<80x128xf32, #tpu.memory_space<vmem>>, vector<16xf32>,
      tpu.vector_store %arg15[%parallel_loop3A_261, %parallel_loop3A_262], %parallel_loop3A_260 {strides = array<i32>} : memref<80x128xf32, #tpu.memory_space<vmem>>, vector<16xf32>,
    } {sc.loop_unroll_factor = 4 : i64, sc.parallel_access}
    %dma_start3A_176 = arith.constant 124 : i32
    %dma_start3A_177 = arith.constant 0 : i32
    %dma_start3A_178 = tpu.memref_slice %arg11[%dma_start3A_176, %dma_start3A_177] : memref<125x80xi32, #tpu.memory_space<vmem>> -> memref<1x80xi32, #tpu.memory_space<vmem>>
    %dma_start3A_179 = tpu.memref_squeeze %dma_start3A_178 : memref<1x80xi32, #tpu.memory_space<vmem>> -> memref<80xi32, #tpu.memory_space<vmem>>
    %dma_start3A_180 = arith.constant 0 : i32
    %dma_start3A_181 = arith.constant 0 : i32
    %dma_start3A_182 = tpu.memref_slice %arg17[%dma_start3A_180, %dma_start3A_181] : memref<5120x128xf32, #tpu.memory_space<vmem_shared>> -> memref<5120x128xf32, #tpu.memory_space<vmem_shared>>
    tpu.enqueue_indirect_dma source(%arg15 : memref<80x128xf32, #tpu.memory_space<vmem>>) target(%dma_start3A_182 : memref<5120x128xf32, #tpu.memory_space<vmem_shared>>) offsets(%dma_start3A_179 : memref<80xi32, #tpu.memory_space<vmem>>) semaphore(%arg20 : memref<!tpu.dma_semaphore, #tpu.memory_space<semaphore_mem>>) {add = true}
    %dma_wait3A_183 = arith.constant 0 : i32
    %dma_wait3A_184 = arith.constant 0 : i32
    %dma_wait3A_185 = tpu.memref_slice %arg11[%dma_wait3A_183, %dma_wait3A_184] : memref<125x80xi32, #tpu.memory_space<vmem>> -> memref<1x80xi32, #tpu.memory_space<vmem>>
    %dma_wait3A_186 = tpu.memref_squeeze %dma_wait3A_185 : memref<1x80xi32, #tpu.memory_space<vmem>> -> memref<80xi32, #tpu.memory_space<vmem>>
    %dma_wait3A_187 = arith.constant 0 : i32
    %dma_wait3A_188 = arith.constant 0 : i32
    %dma_wait3A_189 = tpu.memref_slice %arg17[%dma_wait3A_187, %dma_wait3A_188] : memref<5120x128xf32, #tpu.memory_space<vmem_shared>> -> memref<5120x128xf32, #tpu.memory_space<vmem_shared>>
    tpu.wait_indirect_dma semaphore(%arg21 : memref<!tpu.dma_semaphore, #tpu.memory_space<semaphore_mem>>) src(%arg16 : memref<80x128xf32, #tpu.memory_space<vmem>>) dst(%dma_wait3A_189 : memref<5120x128xf32, #tpu.memory_space<vmem_shared>>)
    %dma_wait3A_190 = arith.constant 0 : i32
    %dma_wait3A_191 = arith.constant 0 : i32
    %dma_wait3A_192 = tpu.memref_slice %arg11[%dma_wait3A_190, %dma_wait3A_191] : memref<125x80xi32, #tpu.memory_space<vmem>> -> memref<1x80xi32, #tpu.memory_space<vmem>>
    %dma_wait3A_193 = tpu.memref_squeeze %dma_wait3A_192 : memref<1x80xi32, #tpu.memory_space<vmem>> -> memref<80xi32, #tpu.memory_space<vmem>>
    %dma_wait3A_194 = arith.constant 0 : i32
    %dma_wait3A_195 = arith.constant 0 : i32
    %dma_wait3A_196 = tpu.memref_slice %arg17[%dma_wait3A_194, %dma_wait3A_195] : memref<5120x128xf32, #tpu.memory_space<vmem_shared>> -> memref<5120x128xf32, #tpu.memory_space<vmem_shared>>
    tpu.wait_indirect_dma semaphore(%arg20 : memref<!tpu.dma_semaphore, #tpu.memory_space<semaphore_mem>>) src(%arg15 : memref<80x128xf32, #tpu.memory_space<vmem>>) dst(%dma_wait3A_196 : memref<5120x128xf32, #tpu.memory_space<vmem_shared>>)
    %barrier3A_197 = arith.constant 0 : index
    tpu.barrier barrier_id(%barrier3A_197)
    %mul3A_198 = arith.constant 320 : i32
    %mul3A_199 = arith.muli %arg1, %mul3A_198 : i32
    %mul3A_200 = arith.constant 5120 : i32
    %mul3A_201 = arith.muli %arg0, %mul3A_200 : i32
    %mul3A_202 = arith.constant 320 : i32
    %mul3A_203 = arith.muli %arg1, %mul3A_202 : i32
    %add3A_204 = arith.addi %mul3A_201, %mul3A_203 : i32
    "tpu.region"() ({
      %run_scoped3A = tpu.sem_alloc : memref<!tpu.dma_semaphore, #tpu.memory_space<semaphore_mem>>
      %dma_start3A_205 = arith.constant 0 : i32
      %dma_start3A_206 = tpu.memref_slice %arg9[%add3A_204, %dma_start3A_205] : memref<10240x128xf32, #tpu.memory_space<hbm>> -> memref<320x128xf32, #tpu.memory_space<hbm>>
      %dma_start3A_207 = arith.constant 0 : i32
      %dma_start3A_208 = tpu.memref_slice %arg17[%mul3A_199, %dma_start3A_207] : memref<5120x128xf32, #tpu.memory_space<vmem_shared>> -> memref<320x128xf32, #tpu.memory_space<vmem_shared>>
      tpu.enqueue_dma source(%dma_start3A_208 : memref<320x128xf32, #tpu.memory_space<vmem_shared>>) target(%dma_start3A_206 : memref<320x128xf32, #tpu.memory_space<hbm>>) target_semaphore(%run_scoped3A : memref<!tpu.dma_semaphore, #tpu.memory_space<semaphore_mem>>)
      %dma_wait3A_209 = arith.constant 0 : i32
      %dma_wait3A_210 = tpu.memref_slice %arg9[%add3A_204, %dma_wait3A_209] : memref<10240x128xf32, #tpu.memory_space<hbm>> -> memref<320x128xf32, #tpu.memory_space<hbm>>
      %dma_wait3A_211 = arith.constant 0 : i32
      %dma_wait3A_212 = tpu.memref_slice %arg17[%mul3A_199, %dma_wait3A_211] : memref<5120x128xf32, #tpu.memory_space<vmem_shared>> -> memref<320x128xf32, #tpu.memory_space<vmem_shared>>
      tpu.wait_dma2 semaphore(%run_scoped3A : memref<!tpu.dma_semaphore, #tpu.memory_space<semaphore_mem>>) src(%dma_wait3A_212 : memref<320x128xf32, #tpu.memory_space<vmem_shared>>) dst(%dma_wait3A_210 : memref<320x128xf32, #tpu.memory_space<hbm>>)
      tpu.yield
    }) : () -> ()
    return
  }
}

module attributes {stable_mosaic.version = 14 : i64} {
  func.func @_mm_relu_kernel(%arg0: i32, %arg1: i32, %arg2: memref<1x1000x128xf32, #tpu.memory_space<vmem>>, %arg3: memref<1x128x128xf32, #tpu.memory_space<vmem>>, %arg4: memref<1000x128xf32, #tpu.memory_space<vmem>>) attributes {dimension_semantics = [#tpu.dimension_semantics<arbitrary>, #tpu.dimension_semantics<arbitrary>], iteration_bounds = array<i64: 2, 5>, scalar_prefetch = 0 : i64, scratch_operands = 0 : i64, tpu.core_type = #tpu.core_type<tc>, window_params = [{transform_indices = @transform_0, window_bounds = array<i64: 1, 1000, 128>}, {transform_indices = @transform_1, window_bounds = array<i64: 1, 128, 128>}, {transform_indices = @transform_2, window_bounds = array<i64: 1000, 128>}]} {
    %get3A = arith.constant 0 : index
    %get3A_0 = arith.constant 0 : index
    %get3A_1 = arith.constant 0 : index
    %get3A_2 = vector.load %arg2[%get3A, %get3A_0, %get3A_1] : memref<1x1000x128xf32, #tpu.memory_space<vmem>>, vector<1x1000x128xf32>
    %get3A_3 = vector.shape_cast %get3A_2 : vector<1x1000x128xf32> to vector<1000x128xf32>
    %get3A_4 = arith.constant 0 : index
    %get3A_5 = arith.constant 0 : index
    %get3A_6 = arith.constant 0 : index
    %get3A_7 = vector.load %arg3[%get3A_4, %get3A_5, %get3A_6] : memref<1x128x128xf32, #tpu.memory_space<vmem>>, vector<1x128x128xf32>
    %get3A_8 = vector.shape_cast %get3A_7 : vector<1x128x128xf32> to vector<128x128xf32>
    %dot_general3A = arith.constant dense<0.000000e+00> : vector<1000x128xf32>
    %dot_general3A_9 = tpu.matmul %get3A_3, %get3A_8, %dot_general3A {dimension_numbers = #tpu.dot_dimension_numbers<[1], [0], [0], [1], [0, 0, 1, 1], [], []>, transpose_lhs_hint = false} : vector<1000x128xf32>, vector<128x128xf32>, vector<1000x128xf32> -> vector<1000x128xf32>
    %max3A = arith.constant 0.000000e+00 : f32
    %max3A_10 = vector.broadcast %max3A : f32 to vector<1000x128xf32>
    %max3A_11 = arith.maximumf %dot_general3A_9, %max3A_10 : vector<1000x128xf32>
    %swap3A = arith.constant 0 : index
    %swap3A_12 = arith.constant 0 : index
    %swap3A_13 = vector.load %arg4[%swap3A, %swap3A_12] : memref<1000x128xf32, #tpu.memory_space<vmem>>, vector<1000x128xf32>
    tpu.vector_store %arg4[%swap3A, %swap3A_12], %max3A_11 {strides = array<i32>} : memref<1000x128xf32, #tpu.memory_space<vmem>>, vector<1000x128xf32>,
    return
  }
  func.func @transform_0(%arg0: i32, %arg1: i32) -> (i32, i32, i32) {
    %c0_i32 = arith.constant 0 : i32
    %c0_i32_0 = arith.constant 0 : i32
    return %arg0, %arg1, %c0_i32 : i32, i32, i32
  }
  func.func @transform_1(%arg0: i32, %arg1: i32) -> (i32, i32, i32) {
    %c0_i32 = arith.constant 0 : i32
    %c0_i32_0 = arith.constant 0 : i32
    %c0_i32_1 = arith.constant 0 : i32
    return %arg0, %c0_i32, %c0_i32_0 : i32, i32, i32
  }
  func.func @transform_2(%arg0: i32, %arg1: i32) -> (i32, i32) {
    %mul3A = arith.constant 5 : i32
    %mul3A_0 = arith.muli %arg0, %mul3A : i32
    %add3A = arith.addi %mul3A_0, %arg1 : i32
    %c0_i32 = arith.constant 0 : i32
    %c0_i32_1 = arith.constant 0 : i32
    return %add3A, %c0_i32 : i32, i32
  }
}

</mosaic_0001>

<sc_bundles>
// kernel: kernel.4.cloned.1.call-start
scs
__scs_entry_jumppad:
0x0: {  	(pc) =	sbr.rel $0x88, $3  }
0x1: {  	(tag) =	ssettag $0x0;
	lr =	simm.s32 $0x1  }
0x2: {  	[smem:$0x3F98] =	sst lr;
	_ =	strace $0xD0000000  }
0x3: {  	_ = 	snop  }
0x4: {  	_ = 	snop  }
0x5: {  	_ = 	snop  }
0x6: {  	_ = 	snop  }
0x7: {  	_ = 	snop  }
__scs_overlays_trampoline_lowered:
0x8: {  	[smem:$0x3FA7] =	sst s0  }
0x9: {  	[smem:$0x3FA8] =	sst s1  }
0xa: {  	[smem:$0x3FA9] =	sst s2  }
0xb: {  	[smem:$0x3FAA] =	sst s3  }
0xc: {  	[smem:$0x3FAB] =	sst s4  }
0xd: {  	[smem:$0x3FAC] =	sst s5  }
0xe: {  	[smem:$0x3FAD] =	sst s6  }
0xf: {  	[smem:$0x3FAE] =	sst s7  }
0x10: {  	[smem:$0x3FAF] =	sst s8  }
0x11: {  	[smem:$0x3FB0] =	sst s9;
	s0 =	simm.s32 @!p0 $0x0  }
0x12: {  	s1 =	sld [smem:$0x3F96];
	s0 =	simm.s32 @p0 $0x1  }
0x13: {  	[smem:$0x3FB1] =	sst s0;
	s0 =	simm.s32 @!p1 $0x0  }
0x14: {  	s2 =	sld [smem:$0x3F95];
	s0 =	simm.s32 @p1 $0x1  }
0x15: {  	[smem:$0x3FB2] =	sst s0;
	s0 =	simm.s32 @!p2 $0x0  }
0x16: {  	s3 =	sld [smem:$0x3FDB];
	s0 =	simm.s32 @p2 $0x1  }
0x17: {  	s4 =	simm.s32 $0x1BF5;
	[smem:$0x3FB4] =	sst s0  }
0x18: {  	s0 =	sld [smem:$0x3F97];
	_ =	swait.ge [sflag:s4], $0x0  }
0x19: {  	s7 =	sld [smem:$0x3F98]  }
0x1a: {  	s8 =	sadd.s32 $0xFFFFE003, lr  }
0x1b: {  	s9 =	sadd.s32 $0xFFFFFEF7, lr;
	s5 =	simm.s32 $0xFFFFFFFF;
	p2 =	slt.u32 s8, $0xFFFFF086  }
0x1c: {  	p1 =	slt.u32 s9, $0xF7A;
	s5 =	simm.s32 @!p2 $0x0  }
0x1d: {  	s5 =	simm.s32 @p1 $0x1;
	p0 =	seq.s32 s7, s2  }
0x1e: {  	s7 =	smul.u32 @!p0 $0xF7A, s2;
	p2 =	seq.s32 @!p0 s5, $0x0  }
0x1f: {  	s9 =	smul.u32 $0xF7A, s1;
	s8 =	simm.s32 @!p0 $0x1BF5;
	p2 =	por !p2, p0  }
0x20: {  	[sflag:s8] =	ssyncset.s32 @!p0 $0xFFFFF086;
	s6 =	sadd.s32 @!p0 s3, s7;
	s7 =	simm.s32 @!p0 $0x108  }
0x21: {  	s3 =	sadd.s32 s3, s9;
	s6 =	sadd.s32 @!p0 $0x88, s6;
	s7 =	simm.s32 @p2 $0x1082  }
0x22: {  	[simem:s7], [sflag:s8] =	dma.local @!p0 [hbm:s6], $0xF7A  }
0x23: {  	s9 =	sor.u32 $0xD0000000, s2;
	s6 =	simm.s32 $0x108;
	_ =	swait.ge @!p0 [sflag:s8], $0x0  }
0x24: {  	s3 =	sadd.s32 $0x88, s3;
	s6 =	simm.s32 @!p1 $0x1082;
	[sflag:s4] =	ssyncset.s32 $0xFFFFF086  }
0x25: {  	[simem:s6], [sflag:s4] =	dma.local [hbm:s3], $0xF7A  }
0x26: {  	[smem:$0x3F98] =	sst s1;
	(tag) =	ssettag s2;
	_ =	strace s9  }
0x27: {  	s1 =	sld [smem:$0x3FA8]  }
0x28: {  	s2 =	sld [smem:$0x3FA9]  }
0x29: {  	s4 =	sld [smem:$0x3FAB]  }
0x2a: {  	p0 =	seq.s32 s5, $0x0;
	s5 =	sld [smem:$0x3FAC]  }
0x2b: {  	s6 =	sld [smem:$0x3FAD]  }
0x2c: {  	s7 =	sld [smem:$0x3FAE]  }
0x2d: {  	s3 =	simm.s32 $0x108;
	s8 =	sld [smem:$0x3FAF]  }
0x2e: {  	s3 =	simm.s32 @!p0 $0x1082;
	s9 =	sld [smem:$0x3FB0]  }
0x2f: {  	lr =	sadd.s32 s0, s3;
	s0 =	sld [smem:$0x3FA7]  }
0x30: {  	s3 =	sld [smem:$0x3FAA]  }
0x31: {  	[smem:$0x3FB3] =	sst s10  }
0x32: {  	s10 =	sld [smem:$0x3FB1];
	_ =	sdelay $0x3  }
0x33: {  	p0 =	seq.s32 s10, $0x1;
	s10 =	sld [smem:$0x3FB3];
	_ =	sdelay $0x3  }
0x34: {  	[smem:$0x3FB3] =	sst s10  }
0x35: {  	s10 =	sld [smem:$0x3FB2];
	_ =	sdelay $0x3  }
0x36: {  	p1 =	seq.s32 s10, $0x1;
	s10 =	sld [smem:$0x3FB3];
	_ =	sdelay $0x3  }
0x37: {  	[smem:$0x3FB3] =	sst s10  }
0x38: {  	s10 =	sld [smem:$0x3FB4]  }
0x39: {  	_ = 	snop;
	(pc) =	sbr.ind lr, $3  }
0x3a: {  	_ = 	snop  }
0x3b: {  	_ = 	snop  }
0x3c: {  	p2 =	seq.s32 s10, $0x1;
	s10 =	sld [smem:$0x3FB3]  }
0x3d: {  	_ =	shalt  }
0x3e: {  	_ =	shalt  }
0x3f: {  	_ =	shalt  }
0x40: {  	_ =	shalt  }
0x41: {  	_ =	shalt  }
0x42: {  	_ =	shalt  }
0x43: {  	_ =	shalt  }
0x44: {  	_ =	shalt  }
0x45: {  	_ =	shalt  }
0x46: {  	_ =	shalt  }
0x47: {  	_ =	shalt  }
0x48: {  	_ =	shalt  }
0x49: {  	_ =	shalt  }
0x4a: {  	_ =	shalt  }
0x4b: {  	_ =	shalt  }
0x4c: {  	_ =	shalt  }
0x4d: {  	_ =	shalt  }
0x4e: {  	_ =	shalt  }
0x4f: {  	_ =	shalt  }
0x50: {  	_ =	shalt  }
0x51: {  	_ =	shalt  }
0x52: {  	_ =	shalt  }
0x53: {  	_ =	shalt  }
0x54: {  	_ =	shalt  }
0x55: {  	_ =	shalt  }
0x56: {  	_ =	shalt  }
0x57: {  	_ =	shalt  }
0x58: {  	_ =	shalt  }
0x59: {  	_ =	shalt  }
0x5a: {  	_ =	shalt  }
0x5b: {  	_ =	shalt  }
0x5c: {  	_ =	shalt  }
0x5d: {  	_ =	shalt  }
0x5e: {  	_ =	shalt  }
0x5f: {  	_ =	shalt  }
0x60: {  	_ =	shalt  }
0x61: {  	_ =	shalt  }
0x62: {  	_ =	shalt  }
0x63: {  	_ =	shalt  }
0x64: {  	_ =	shalt  }
0x65: {  	_ =	shalt  }
0x66: {  	_ =	shalt  }
0x67: {  	_ =	shalt  }
0x68: {  	_ =	shalt  }
0x69: {  	_ =	shalt  }
0x6a: {  	_ =	shalt  }
0x6b: {  	_ =	shalt  }
0x6c: {  	_ =	shalt  }
0x6d: {  	_ =	shalt  }
0x6e: {  	_ =	shalt  }
0x6f: {  	_ =	shalt  }
0x70: {  	_ =	shalt  }
0x71: {  	_ =	shalt  }
0x72: {  	_ =	shalt  }
0x73: {  	_ =	shalt  }
0x74: {  	_ =	shalt  }
0x75: {  	_ =	shalt  }
0x76: {  	_ =	shalt  }
0x77: {  	_ =	shalt  }
0x78: {  	_ =	shalt  }
0x79: {  	_ =	shalt  }
0x7a: {  	_ =	shalt  }
0x7b: {  	_ =	shalt  }
0x7c: {  	_ =	shalt  }
0x7d: {  	_ =	shalt  }
0x7e: {  	_ =	shalt  }
0x7f: {  	_ =	shalt  }
0x80: {  	_ =	shalt  }
0x81: {  	_ =	shalt  }
0x82: {  	_ =	shalt  }
0x83: {  	_ =	shalt  }
0x84: {  	_ =	shalt  }
0x85: {  	_ =	shalt  }
0x86: {  	_ =	shalt  }
0x87: {  	_ =	shalt  }
.Lfunc_end0:
.L_simem_size_0:
called_computation_lowered:
.L_overlay_start_0:
0x88: {  	s2 =	sld [smem:$0x3FD9]  }
0x89: {  	s3 =	sld [smem:$0x3FFE];
	_ =	sdelay $0x1  }
0x8a: {  	s1 =	srdreg.scid  }
0x8b: {  	s0 =	sand.u32 $0x1, s1  }
0x8c: {  	s17 =	sshll.u32 s0, $0xA;
	s2 =	sadd.s32 s3, s2  }
0x8d: {  	s2 =	sadd.s32 s2, s17  }
0x8e: {  	[smem:$0x3FBF] =	sst s2  }
0x8f: {  	_ = 	snop  }
0x90: {  	s2 =	sld [smem:$0x3FC9]  }
0x91: {  	s18 =	sld [smem:$0x3FD0];
	(tm) =	ssettm $0x1  }
0x92: {  	s4 =	sld [smem:$0x3FFB];
	_ =	sdelay $0x3  }
0x93: {  	_ =	strace s4  }
0x94: {  	s4 =	sld [smem:$0x3FFC];
	_ =	sdelay $0x3  }
0x95: {  	_ =	strace s4  }
0x96: {  	s4 =	sld [smem:$0x3FFD];
	_ =	sdelay $0x3  }
0x97: {  	_ =	strace s4  }
0x98: {  	_ =	strace $0x8FFFFFFF  }
0x99: {  	s19 =	sld [smem:$0x3FDB];
	_ =	sdelay $0x1  }
0x9a: {  	s5 =	simm.s32 $_scs_section_size  }
0x9b: {  	s6 =	simm.s32 $_size__tile_overlayer_lowered;
	s7 =	simm.s32 $_tile_overlayer_lowered  }
0x9c: {  	s22 =	simm.s32 $0x1BFF;
	s21 =	sshll.u32 s7, $0x1;
	s4 =	sadd.s32 s5, s19  }
0x9d: {  	s8 =	simm.s32 $0x0;
	s20 =	sshll.u32 s6, $0x1;
	s6 =	sadd.s32 s21, s4  }
0x9e: {  	[timem:s8], [sflag:s22] =	dma.local [hbm:s6], s20  }
0x9f: {  	_ =	swait.ge [sflag:s22], s20  }
0xa0: {  	s5 =	ssub.s32 $0x0, s20;
	[sflag:s22] =	ssyncset.done $0x0  }
0xa1: {  	[sflag:s22] =	ssyncadd.s32 s5;
	_ =	sdelay $0x1  }
0xa2: {  	s23 =	simm.s32 $0x1B8B  }
0xa3: {  	_ =	swait.ge [sflag:s23], $0x1  }
0xa4: {  	[sflag:s23] =	ssyncset.done $0x0  }
0xa5: {  	s25 =	simm.s32 $0x1B8E;
	s24 =	sld [smem:$0x3FFE];
	[sflag:s23] =	ssyncadd.s32 $0xFFFFFFFF  }
0xa6: {  	s26 =	simm.s32 $execute0_lowered;
	[smem:$0x3FD2] =	sst s25  }
0xa7: {  	s6 =	sshll.u32 s26, $0x1;
	_ =	strace $0x80000046;
	[dreg:$0x1] =	wrdreg $0xFFFFFFFF  }
0xa8: {  	s28 =	simm.s32 $_size_execute0_lowered;
	s4 =	sadd.s32 s4, s6;
	[dreg:$0x0] =	wrdreg $0x0  }
0xa9: {  	s6 =	sshll.u32 s28, $0x1;
	[dreg:$0x2] =	wrdreg s4  }
0xaa: {  	[dreg:$0x3] =	wrdreg s6  }
0xab: {  	[dreg:$0x4] =	wrdreg $0xC0  }
0xac: {  	_ =	task [dreg:s8], $0x5FFFF  }
0xad: {  	[dreg:$0x1] =	wrdreg $0xFFFFFFFF  }
0xae: {  	[dreg:$0x0] =	wrdreg $0x60  }
0xaf: {  	[dreg:$0x2] =	wrdreg s2  }
0xb0: {  	[dreg:$0x3] =	wrdreg s18  }
0xb1: {  	[dreg:$0x4] =	wrdreg s24  }
0xb2: {  	[dreg:$0x5] =	wrdreg $0x160000  }
0xb3: {  	[dreg:$0x6] =	wrdreg $0x9  }
0xb4: {  	_ =	task.clear_ibuf [dreg:s8], $0x7FFFF;
	_ =	strace $0x90000046  }
0xb5: {  	s29 =	simm.s32 $0x9;
	_ =	strace $0x80000048  }
0xb6: {  	_ =	swait.ge [sflag:s29], $0x1  }
0xb7: {  	[sflag:s29] =	ssyncadd.s32 $0xFFFFFFFF  }
0xb8: {  	_ =	strace $0x90000048  }
0xb9: {  	_ =	sfence  }
0xba: {  	s30 =	sld [smem:$0x0];
	_ =	sdelay $0x2  }
0xbb: {  	s31 =	sshll.u32 s1, $0xD;
	s1 =	sshrl.u32 s1, $0x2  }
0xbc: {  	s3 =	sand.u32 $0x4000, s31;
	s1 =	sadd.s32 s1, s30  }
0xbd: {  	s0 =	sor.u32 s3, s0;
	s1 =	sshll.u32 s1, $0x11  }
0xbe: {  	s0 =	sor.u32 s1, s0  }
0xbf: {  	s0 =	sadd.s32 $0x8F2B, s0  }
0xc0: {  	[sflag:s0] =	ssyncadd.remote.s32 $0x1  }
0xc1: {  	_ =	sfence.sel $0xFFFF  }
0xc2: {  	[dreg:$0x0] =	wrdreg $0xFFFFFFFF;
	(pc) =	sbr.abs _section_cstart, $3  }
0xc3: {  	[dreg:$0x1] =	wrdreg $0xFFFFFFFF  }
0xc4: {  	_ =	task.clear_ibuf [dreg:s8], $0x2FFFF;
	_ =	strace $0x9FFFFFFF  }
0xc5: {  	(tm) =	ssettm $0x7FFFFFFF  }
tec
execute0_lowered:
.L_overlay_start_1:
0x0: {  	(tag) =	ssettag $0x1  }
0x1: {  	s1 =	rddreg [dreg:$0x0]  }
0x2: {  	s0 =	rddreg [dreg:$0x1]  }
0x3: {  	s3 =	rddreg [dreg:$0x2]  }
0x4: {  	s2 =	rddreg [dreg:$0x3];
	s4 =	simm.s32 $0x0  }
0x5: {  	s5 =	srdreg.scid;
	s14 =	stileid.u32;
	s16 =	simm.s32 $0x8000  }
0x6: {  	s17 =	simm.s32 $0x50;
	s18 =	simm.s32 $0xC000;
	s20 =	simm.s32 $0xE800  }
0x7: {  	s21 =	simm.s32 $0x11000;
	s22 =	simm.s32 $0x1;
	s28 =	simm.s32 $0x13800  }
0x8: {  	s29 =	simm.s32 $0x3;
	s30 =	simm.s32 $0x4;
	[smem:$0x7FF] =	sst s4  }
0x9: {  	s5 =	sand.u32 $0x1, s5;
	s6 =	smul.u32 $0x1400, s14;
	s7 =	sadd.s32 $0x19000, s3  }
0xa: {  	s13 =	sadd.s32 $0x21000, s3;
	s10 =	sadd.s32 $0x1000, s3;
	s11 =	sadd.s32 $0x9000, s3  }
0xb: {  	s9 =	smul.u32 $0x28000, s14;
	s12 =	sadd.s32 $0x11000, s3;
	s14 =	sshll.u32 s14, $0xB  }
0xc: {  	_ =	strace $0x80000047;
	s8 =	smul.u32 $0x14000, s5;
	s24 =	ssub.s32 $0x2, s5  }
0xd: {  	p0 =	seq.s32 s5, $0x1;
	s25 =	sshrl.u32 s24, $0x1;
	s9 =	sshrl.u32 s9, $0x2  }
0xe: {  	s0 =	smov.u32 @p0 s10;
	s7 =	smov.u32 @p0 s11;
	s13 =	smov.u32 @p0 s12  }
0xf: {  	s6 =	sadd.s32 s6, s8;
	s5 =	sadd.s32 s9, s2;
	s11 =	sadd.s32 s0, s14  }
0x10: {  	s12 =	sadd.s32 s7, s14;
	s13 =	sadd.s32 s13, s14;
	s14 =	simm.s32 $0x5  }
0x11: {  	s3 =	sadd.s32 s6, s3;
	s6 =	ssub.s32 s24, s25;
	s26 =	sadd.s32 $0x2800, s5  }
0x12: {  	s31 =	sadd.s32 $0x5000, s5;
	s8 =	sadd.s32 $0x7800, s5;
	[dreg:$0x5] =	wrdreg s26  }
0x13: {  	s24 =	simm.s32 $0x2;
	s25 =	simm.s32 $0x0;
	[dreg:$0x6] =	wrdreg s31  }
0x14: {  	v0 =	vimm.f32 $0.0e+00;
	s9 =	sadd.s32 $0x29000, s3;
	s10 =	smax.u32 s6, $0x1;
	s26 =	simm.s32 $0x4000  }
.LBB2_1:
0x15: {  	[tilespmem:s4], [sflag:$0x5] =	stream.linear.gather [hbm4b:s11+s4], $0x3E80, $0x38;
	v63 =	vld [tilespmem:$0x0]  }
0x16: {  	_ =	swait.ge [sflag:s14], $0x3E80  }
0x17: {  	[sflag:s14] =	ssyncset.done $0x0  }
0x18: {  	[sflag:s14] =	ssyncadd.s32 $0xFFFFC180  }
0x19: {  	[tilespmem:s26], [sflag:$0x5] =	stream.linear.gather [hbm4b:s12+s4], $0x3E80, $0x38;
	v63 =	vld [tilespmem:$0x0]  }
0x1a: {  	_ =	swait.ge [sflag:s14], $0x3E80  }
0x1b: {  	[sflag:s14] =	ssyncset.done $0x0  }
0x1c: {  	[sflag:s14] =	ssyncadd.s32 $0xFFFFC180  }
0x1d: {  	[tilespmem:s16], [sflag:$0x5] =	stream.linear.gather [hbm4b:s13+s4], $0x3E80, $0x38;
	v63 =	vld [tilespmem:$0x0]  }
0x1e: {  	_ =	swait.ge [sflag:s14], $0x3E80  }
0x1f: {  	[sflag:s14] =	ssyncset.done $0x0  }
0x20: {  	[sflag:s14] =	ssyncadd.s32 $0xFFFFC180  }
0x21: {  	[tilespmem:s18], [sflag:$0x1] =	stream.indirect.gather [hbm4b:s1+s17], $0x80, s4, s17, $0xb8;
	v63 =	vld [tilespmem:$0x0]  }
0x22: {  	s0 =	simm.s32 $0x80  }
0x23: {  	[tilespmem:s20], [sflag:$0x2] =	stream.indirect.gather [hbm4b:s1+s17], $0x80, s0, s17, $0xb8;
	v63 =	vld [tilespmem:$0x0]  }
0x24: {  	s3 =	simm.s32 $0x200;
	s0 =	simm.s32 $0x0  }
.LBB2_2:
0x25: {  	p0 =	sne.s32 s3, $0x9E00;
	[tilespmem:s0+$0x11070] =	vst v0  }
0x26: {  	[tilespmem:s0+$0x11000] =	vst v0  }
0x27: {  	[tilespmem:s0+$0x11010] =	vst v0  }
.Ltmp0:
0x28: {  	[tilespmem:s0+$0x11020] =	vst v0;
	(pc) =	sbr.rel @p0 .LBB2_2-.Ltmp0, $4  }
0x29: {  	[tilespmem:s0+$0x11030] =	vst v0  }
0x2a: {  	[tilespmem:s0+$0x11040] =	vst v0  }
0x2b: {  	[tilespmem:s0+$0x11050] =	vst v0  }
0x2c: {  	[tilespmem:s0+$0x11060] =	vst v0;
	s0 =	sshra.s32 s3, $0x2;
	s3 =	sadd.s32 $0x200, s3  }
0x2d: {  	[tilespmem:s0+$0x11070] =	vst v0  }
0x2e: {  	[tilespmem:s0+$0x11000] =	vst v0  }
0x2f: {  	[tilespmem:s0+$0x11010] =	vst v0  }
0x30: {  	[tilespmem:s0+$0x11020] =	vst v0  }
0x31: {  	[tilespmem:s0+$0x11030] =	vst v0  }
0x32: {  	[tilespmem:s0+$0x11040] =	vst v0  }
0x33: {  	[tilespmem:s0+$0x11050] =	vst v0  }
0x34: {  	[tilespmem:s0+$0x11060] =	vst v0  }
0x35: {  	[spmem:s5] =	stream.linear.scatter [tilespmem:s21], [sflag:$0x5], $0x2800, $0x38;
	v63 =	vld [tilespmem:$0x0]  }
0x36: {  	_ =	swait.ge [sflag:s14], $0x2800  }
0x37: {  	[sflag:s14] =	ssyncset.done $0x0  }
0x38: {  	s7 =	rddreg [dreg:$0x5];
	[sflag:s14] =	ssyncadd.s32 $0xFFFFD800  }
0x39: {  	[spmem:s7] =	stream.linear.scatter [tilespmem:s21], [sflag:$0x5], $0x2800, $0x38;
	v63 =	vld [tilespmem:$0x0]  }
0x3a: {  	_ =	swait.ge [sflag:s14], $0x2800  }
0x3b: {  	[sflag:s14] =	ssyncset.done $0x0  }
0x3c: {  	s15 =	rddreg [dreg:$0x6];
	[sflag:s14] =	ssyncadd.s32 $0xFFFFD800  }
0x3d: {  	[spmem:s15] =	stream.linear.scatter [tilespmem:s21], [sflag:$0x5], $0x2800, $0x38;
	v63 =	vld [tilespmem:$0x0]  }
0x3e: {  	_ =	swait.ge [sflag:s14], $0x2800  }
0x3f: {  	[sflag:s14] =	ssyncset.done $0x0  }
0x40: {  	s19 =	simm.s32 $0x0;
	s23 =	simm.s32 $0x1;
	[sflag:s14] =	ssyncadd.s32 $0xFFFFD800  }
0x41: {  	v1 =	vmov s19;
	[spmem:s8] =	stream.linear.scatter [tilespmem:s21], [sflag:$0x5], $0x2800, $0x38;
	v63 =	vld [tilespmem:$0x0]  }
0x42: {  	s31 =	simm.s32 $0x2;
	v2 =	vmov s23;
	v1 =	vand.u32 $0xFFFFFFFC, v1;
	_ =	swait.ge [sflag:s14], $0x2800  }
0x43: {  	v3 =	vmov s31;
	v2 =	vand.u32 $0xFFFFFFFD, v2;
	v1 =	vbroadcast v1, $0x0;
	[sflag:s14] =	ssyncset.done $0x0  }
0x44: {  	v3 =	vand.u32 $0xFFFFFFFE, v3;
	v2 =	vbroadcast v2, $0x0;
	[sflag:s14] =	ssyncadd.s32 $0xFFFFD800  }
0x45: {  	v3 =	vbroadcast v3, $0x0;
	[bflag:$0x0] =	sbarrier.arrive $0xFFFF  }
0x46: {  	_ =	swait.ge [sflag:s22], $0x2800  }
0x47: {  	[sflag:s22] =	ssyncset.done $0x0  }
0x48: {  	[sflag:s22] =	ssyncadd.s32 $0xFFFFD800  }
0x49: {  	s3 =	simm.s32 $0x3;
	v6 =	vld.idx.msk [tilespmem:v1+s16+$0x0], $0xffff  }
0x4a: {  	v1 =	vmov s3;
	v7 =	vld.idx.msk [tilespmem:v2+s16+$0x0], $0xffff  }
0x4b: {  	s19 =	simm.s32 $0xC100;
	v8 =	vld.idx.msk [tilespmem:v3+s16+$0x0], $0xffff  }
0x4c: {  	v2 =	vld [tilespmem:s19+$0x0]  }
0x4d: {  	v3 =	vld [tilespmem:s19+$0xFFFFFF00]  }
0x4e: {  	v4 =	vld [tilespmem:s19+$0xFFFFFF80]  }
0x4f: {  	v5 =	vld.idx.msk [tilespmem:v1+s16+$0x0], $0xffff  }
0x50: {  	v1 =	vld [tilespmem:s19+$0x80]  }
0x51: {  	v2 =	vmul.f32 v2, v8  }
0x52: {  	s15 =	simm.s32 $0x11100;
	v3 =	vmul.f32 v3, v6  }
0x53: {  	v4 =	vmul.f32 v4, v7;
	[tilespmem:s15+$0x0] =	vst v2  }
0x54: {  	[tilespmem:s15+$0xFFFFFF00] =	vst v3;
	v2 =	vld [tilespmem:s19+$0x10]  }
0x55: {  	[tilespmem:s15+$0xFFFFFF80] =	vst v4;
	v3 =	vld [tilespmem:s19+$0xFFFFFF10];
	v1 =	vmul.f32 v1, v5  }
0x56: {  	v4 =	vld [tilespmem:s19+$0xFFFFFF90]  }
0x57: {  	[tilespmem:s15+$0x80] =	vst v1  }
0x58: {  	v1 =	vld [tilespmem:s19+$0x90]  }
0x59: {  	v2 =	vmul.f32 v2, v8  }
0x5a: {  	v3 =	vmul.f32 v3, v6  }
0x5b: {  	v4 =	vmul.f32 v4, v7;
	[tilespmem:s15+$0x10] =	vst v2  }
0x5c: {  	[tilespmem:s15+$0xFFFFFF10] =	vst v3;
	v2 =	vld [tilespmem:s19+$0x20]  }
0x5d: {  	[tilespmem:s15+$0xFFFFFF90] =	vst v4;
	v3 =	vld [tilespmem:s19+$0xFFFFFF20];
	v1 =	vmul.f32 v1, v5  }
0x5e: {  	v4 =	vld [tilespmem:s19+$0xFFFFFFA0]  }
0x5f: {  	[tilespmem:s15+$0x90] =	vst v1  }
0x60: {  	v1 =	vld [tilespmem:s19+$0xA0]  }
0x61: {  	s6 =	simm.s32 $0x4;
	v2 =	vmul.f32 v2, v8  }
0x62: {  	v9 =	vmov s6;
	s7 =	simm.s32 $0x5;
	v3 =	vmul.f32 v3, v6  }
0x63: {  	v9 =	vand.u32 $0xFFFFFFFC, v9;
	v10 =	vmov s7;
	s3 =	simm.s32 $0x7;
	v4 =	vmul.f32 v4, v7;
	[tilespmem:s15+$0x20] =	vst v2  }
0x64: {  	v9 =	vbroadcast v9, $0x0;
	v10 =	vand.u32 $0xFFFFFFFD, v10;
	v2 =	vmov s3;
	[tilespmem:s15+$0xFFFFFF20] =	vst v3;
	v3 =	vld [tilespmem:s19+$0x30]  }
0x65: {  	v10 =	vbroadcast v10, $0x0;
	[tilespmem:s15+$0xFFFFFFA0] =	vst v4;
	v11 =	vld [tilespmem:s19+$0xFFFFFF30];
	v1 =	vmul.f32 v1, v5  }
0x66: {  	v12 =	vld [tilespmem:s19+$0xFFFFFFB0]  }
0x67: {  	s23 =	simm.s32 $0x6;
	[tilespmem:s15+$0xA0] =	vst v1  }
0x68: {  	v1 =	vmov s23;
	v13 =	vld [tilespmem:s19+$0xB0]  }
0x69: {  	v4 =	vand.u32 $0xFFFFFFFE, v1;
	v1 =	vld.idx.msk [tilespmem:v2+s16+$0x0], $0xffff;
	v3 =	vmul.f32 v3, v8  }
0x6a: {  	v2 =	vld.idx.msk [tilespmem:v9+s16+$0x0], $0xffff;
	v9 =	vmul.f32 v11, v6;
	v14 =	vbroadcast v4, $0x0  }
0x6b: {  	v4 =	vld.idx.msk [tilespmem:v10+s16+$0x0], $0xffff;
	v10 =	vmul.f32 v12, v7;
	[tilespmem:s15+$0x30] =	vst v3  }
0x6c: {  	s3 =	simm.s32 $0xC300;
	[tilespmem:s15+$0xFFFFFF30] =	vst v9;
	v9 =	vld [tilespmem:s19+$0x40]  }
0x6d: {  	v12 =	vld [tilespmem:s3+$0x0];
	[tilespmem:s15+$0xFFFFFFB0] =	vst v10  }
0x6e: {  	v10 =	vld [tilespmem:s19+$0xFFFFFFC0]  }
0x6f: {  	v11 =	vld [tilespmem:s19+$0xFFFFFF40]  }
0x70: {  	v3 =	vld.idx.msk [tilespmem:v14+s16+$0x0], $0xffff  }
0x71: {  	v14 =	vld [tilespmem:s3+$0xFFFFFF00];
	v9 =	vmul.f32 v9, v8  }
0x72: {  	v15 =	vld [tilespmem:s3+$0xFFFFFF80];
	v13 =	vmul.f32 v13, v5  }
0x73: {  	v16 =	vld [tilespmem:s3+$0x80];
	v10 =	vmul.f32 v10, v7;
	[tilespmem:s15+$0x40] =	vst v9  }
0x74: {  	[tilespmem:s15+$0xB0] =	vst v13;
	v9 =	vmul.f32 v11, v6;
	v11 =	vld [tilespmem:s19+$0x50]  }
0x75: {  	[tilespmem:s15+$0xFFFFFFC0] =	vst v10;
	v10 =	vld [tilespmem:s19+$0xC0];
	v12 =	vmul.f32 v12, v3  }
0x76: {  	s0 =	simm.s32 $0x11300;
	[tilespmem:s15+$0xFFFFFF40] =	vst v9;
	v9 =	vmul.f32 v14, v2;
	v13 =	vld [tilespmem:s19+$0xFFFFFFD0]  }
0x77: {  	v14 =	vmul.f32 v15, v4;
	[tilespmem:s0+$0x0] =	vst v12;
	v12 =	vld [tilespmem:s19+$0xFFFFFF50]  }
0x78: {  	v15 =	vmul.f32 v16, v1;
	[tilespmem:s0+$0xFFFFFF00] =	vst v9;
	v9 =	vld [tilespmem:s3+$0x10]  }
0x79: {  	[tilespmem:s0+$0xFFFFFF80] =	vst v14;
	v16 =	vld [tilespmem:s3+$0xFFFFFF10];
	v11 =	vmul.f32 v11, v8  }
0x7a: {  	[tilespmem:s0+$0x80] =	vst v15;
	v14 =	vld [tilespmem:s3+$0xFFFFFF90];
	v10 =	vmul.f32 v10, v5  }
0x7b: {  	v15 =	vld [tilespmem:s3+$0x90];
	v13 =	vmul.f32 v13, v7;
	[tilespmem:s15+$0x50] =	vst v11  }
0x7c: {  	[tilespmem:s15+$0xC0] =	vst v10;
	v11 =	vmul.f32 v12, v6;
	v12 =	vld [tilespmem:s19+$0x60]  }
0x7d: {  	[tilespmem:s15+$0xFFFFFFD0] =	vst v13;
	v10 =	vld [tilespmem:s19+$0xD0];
	v9 =	vmul.f32 v9, v3  }
0x7e: {  	v13 =	vmul.f32 v16, v2;
	[tilespmem:s15+$0xFFFFFF50] =	vst v11;
	v11 =	vld [tilespmem:s19+$0xFFFFFFE0]  }
0x7f: {  	v14 =	vmul.f32 v14, v4;
	[tilespmem:s0+$0x10] =	vst v9;
	v9 =	vld [tilespmem:s19+$0xFFFFFF60]  }
0x80: {  	v15 =	vmul.f32 v15, v1;
	[tilespmem:s0+$0xFFFFFF10] =	vst v13;
	v13 =	vld [tilespmem:s3+$0x20]  }
0x81: {  	[tilespmem:s0+$0xFFFFFF90] =	vst v14;
	v16 =	vld [tilespmem:s3+$0xFFFFFF20];
	v12 =	vmul.f32 v12, v8  }
0x82: {  	[tilespmem:s0+$0x90] =	vst v15;
	v10 =	vmul.f32 v10, v5  }
0x83: {  	v17 =	vld [tilespmem:s3+$0xFFFFFFA0];
	v11 =	vmul.f32 v11, v7;
	[tilespmem:s15+$0x60] =	vst v12  }
0x84: {  	v18 =	vld [tilespmem:s3+$0xA0];
	[tilespmem:s15+$0xD0] =	vst v10;
	v9 =	vmul.f32 v9, v6  }
0x85: {  	v19 =	vld [tilespmem:s19+$0x70];
	v10 =	vmul.f32 v13, v3;
	[tilespmem:s15+$0xFFFFFFE0] =	vst v11  }
0x86: {  	s6 =	simm.s32 $0x8;
	s7 =	simm.s32 $0x9;
	v20 =	vld [tilespmem:s19+$0xE0];
	v11 =	vmul.f32 v16, v2;
	[tilespmem:s15+$0xFFFFFF60] =	vst v9  }
0x87: {  	s31 =	simm.s32 $0xB;
	v12 =	vmov s7;
	v14 =	vld [tilespmem:s19+$0xFFFFFFF0];
	v9 =	vmov s6;
	[tilespmem:s0+$0x20] =	vst v10  }
0x88: {  	v13 =	vmul.f32 v17, v4;
	v15 =	vld [tilespmem:s19+$0xFFFFFF70];
	v9 =	vand.u32 $0xFFFFFFFC, v9;
	[tilespmem:s0+$0xFFFFFF20] =	vst v11;
	v11 =	vmov s31  }
0x89: {  	v17 =	vmul.f32 v18, v1;
	v10 =	vand.u32 $0xFFFFFFFD, v12;
	v16 =	vld [tilespmem:s3+$0x30];
	v9 =	vbroadcast v9, $0x0  }
0x8a: {  	[tilespmem:s0+$0xFFFFFFA0] =	vst v13;
	v10 =	vbroadcast v10, $0x0;
	v12 =	vld [tilespmem:s3+$0xFFFFFF30];
	v18 =	vmul.f32 v19, v8  }
0x8b: {  	s7 =	simm.s32 $0xA;
	s6 =	simm.s32 $0xC;
	[tilespmem:s0+$0xA0] =	vst v17;
	v13 =	vld [tilespmem:s3+$0xFFFFFFB0];
	v17 =	vmul.f32 v20, v5  }
.LBB2_4:
0x8c: {  	p0 =	slt.u32 s6, $0x4C;
	v8 =	vmov s7;
	v19 =	vld [tilespmem:s3+$0xB0];
	v14 =	vmul.f32 v14, v7;
	[tilespmem:s15+$0x70] =	vst v18;
	v7 =	vmov v4  }
0x8d: {  	v4 =	vand.u32 $0xFFFFFFFE, v8;
	v8 =	vld.idx.msk [tilespmem:v11+s16+$0x0], $0xffff;
	v11 =	vmul.f32 v15, v6;
	[tilespmem:s15+$0xE0] =	vst v17;
	v6 =	vmov v2  }
0x8e: {  	v15 =	vbroadcast v4, $0x0;
	v16 =	vmul.f32 v16, v3;
	[tilespmem:s15+$0xFFFFFFF0] =	vst v14;
	v14 =	vld [tilespmem:s19+$0xF0];
	s19 =	smov.u32 s3  }
0x8f: {  	v2 =	vld.idx.msk [tilespmem:v9+s16+$0x0], $0xffff;
	v9 =	vmul.f32 v12, v6;
	[tilespmem:s15+$0xFFFFFF70] =	vst v11  }
0x90: {  	v4 =	vld.idx.msk [tilespmem:v10+s16+$0x0], $0xffff;
	v10 =	vmul.f32 v13, v7;
	[tilespmem:s0+$0x30] =	vst v16  }
0x91: {  	[tilespmem:s0+$0xFFFFFF30] =	vst v9;
	v9 =	vld [tilespmem:s3+$0x40];
	v11 =	vmul.f32 v19, v1  }
0x92: {  	v12 =	vld [tilespmem:s3+$0xFFFFFF40];
	[tilespmem:s0+$0xFFFFFFB0] =	vst v10  }
0x93: {  	v10 =	vld [tilespmem:s3+$0xFFFFFFC0];
	[tilespmem:s0+$0xB0] =	vst v11;
	v11 =	vmul.f32 v14, v5;
	v5 =	vmov v1;
	v1 =	vmov v8  }
0x94: {  	s3 =	sadd.s32 $0x200, s3;
	v8 =	vld.idx.msk [tilespmem:v15+s16+$0x0], $0xffff  }
0x95: {  	v13 =	vld [tilespmem:s3+$0x0];
	[tilespmem:s15+$0xF0] =	vst v11;
	s15 =	smov.u32 s0  }
0x96: {  	v11 =	vld [tilespmem:s3+$0xFFFFFF00];
	v9 =	vmul.f32 v9, v3  }
0x97: {  	v14 =	vld [tilespmem:s3+$0xFFFFFF80];
	v12 =	vmul.f32 v12, v6  }
0x98: {  	v15 =	vld [tilespmem:s3+$0x80];
	v10 =	vmul.f32 v10, v7;
	[tilespmem:s0+$0x40] =	vst v9  }
0x99: {  	[tilespmem:s0+$0xFFFFFF40] =	vst v12;
	v9 =	vld [tilespmem:s19+$0x50]  }
0x9a: {  	v12 =	vmul.f32 v13, v8;
	[tilespmem:s0+$0xFFFFFFC0] =	vst v10;
	v10 =	vld [tilespmem:s19+$0xC0]  }
0x9b: {  	s0 =	sadd.s32 $0x200, s0;
	v11 =	vmul.f32 v11, v2;
	v13 =	vld [tilespmem:s19+$0xFFFFFFD0]  }
0x9c: {  	v14 =	vmul.f32 v14, v4;
	[tilespmem:s0+$0x0] =	vst v12;
	v12 =	vld [tilespmem:s19+$0xFFFFFF50]  }
0x9d: {  	[tilespmem:s0+$0xFFFFFF00] =	vst v11;
	v11 =	vld [tilespmem:s3+$0x10];
	v15 =	vmul.f32 v15, v1  }
0x9e: {  	v16 =	vld [tilespmem:s3+$0xFFFFFF10];
	[tilespmem:s0+$0xFFFFFF80] =	vst v14;
	v9 =	vmul.f32 v9, v3  }
0x9f: {  	v14 =	vld [tilespmem:s3+$0xFFFFFF90];
	[tilespmem:s0+$0x80] =	vst v15;
	v10 =	vmul.f32 v10, v5  }
0xa0: {  	v15 =	vld [tilespmem:s3+$0x90];
	v13 =	vmul.f32 v13, v7;
	[tilespmem:s15+$0x50] =	vst v9  }
0xa1: {  	v9 =	vmul.f32 v12, v6;
	v12 =	vld [tilespmem:s19+$0x60];
	[tilespmem:s15+$0xC0] =	vst v10  }
0xa2: {  	v10 =	vmul.f32 v11, v8;
	[tilespmem:s15+$0xFFFFFFD0] =	vst v13;
	v11 =	vld [tilespmem:s19+$0xD0]  }
0xa3: {  	v13 =	vmul.f32 v16, v2;
	[tilespmem:s15+$0xFFFFFF50] =	vst v9;
	v9 =	vld [tilespmem:s19+$0xFFFFFFE0]  }
0xa4: {  	v14 =	vmul.f32 v14, v4;
	[tilespmem:s0+$0x10] =	vst v10;
	v10 =	vld [tilespmem:s19+$0xFFFFFF60]  }
0xa5: {  	[tilespmem:s0+$0xFFFFFF10] =	vst v13;
	v13 =	vld [tilespmem:s3+$0x20];
	v15 =	vmul.f32 v15, v1  }
0xa6: {  	v16 =	vld [tilespmem:s3+$0xFFFFFF20];
	[tilespmem:s0+$0xFFFFFF90] =	vst v14;
	v12 =	vmul.f32 v12, v3  }
0xa7: {  	v17 =	vld [tilespmem:s3+$0xFFFFFFA0];
	[tilespmem:s0+$0x90] =	vst v15;
	v11 =	vmul.f32 v11, v5  }
0xa8: {  	v18 =	vld [tilespmem:s3+$0xA0];
	v9 =	vmul.f32 v9, v7;
	[tilespmem:s15+$0x60] =	vst v12  }
0xa9: {  	v10 =	vmul.f32 v10, v6;
	v19 =	vld [tilespmem:s19+$0x70];
	[tilespmem:s15+$0xD0] =	vst v11  }
0xaa: {  	s7 =	sadd.s32 $0x3, s6;
	v12 =	vmul.f32 v13, v8;
	[tilespmem:s15+$0xFFFFFFE0] =	vst v9;
	v20 =	vld [tilespmem:s19+$0xE0]  }
.Ltmp1:
0xab: {  	s23 =	sadd.s32 $0x1, s6;
	v11 =	vmov s7;
	v9 =	vmov s6;
	v13 =	vmul.f32 v16, v2;
	[tilespmem:s15+$0xFFFFFF60] =	vst v10;
	v14 =	vld [tilespmem:s19+$0xFFFFFFF0];
	(pc) =	sbr.rel @p0 .LBB2_4-.Ltmp1, $4  }
0xac: {  	v9 =	vand.u32 $0xFFFFFFFC, v9;
	v10 =	vmov s23;
	v17 =	vmul.f32 v17, v4;
	[tilespmem:s0+$0x20] =	vst v12;
	v15 =	vld [tilespmem:s19+$0xFFFFFF70]  }
0xad: {  	v9 =	vbroadcast v9, $0x0;
	v10 =	vand.u32 $0xFFFFFFFD, v10;
	[tilespmem:s0+$0xFFFFFF20] =	vst v13;
	v16 =	vld [tilespmem:s3+$0x30];
	v21 =	vmul.f32 v18, v1  }
0xae: {  	v10 =	vbroadcast v10, $0x0;
	v12 =	vld [tilespmem:s3+$0xFFFFFF30];
	[tilespmem:s0+$0xFFFFFFA0] =	vst v17;
	v18 =	vmul.f32 v19, v3;
	v3 =	vmov v8  }
0xaf: {  	s7 =	sadd.s32 $0x2, s6;
	s6 =	sadd.s32 $0x4, s6;
	v13 =	vld [tilespmem:s3+$0xFFFFFFB0];
	[tilespmem:s0+$0xA0] =	vst v21;
	v17 =	vmul.f32 v20, v5  }
0xb0: {  	v8 =	vmov s7  }
0xb1: {  	v8 =	vand.u32 $0xFFFFFFFE, v8  }
0xb2: {  	v19 =	vbroadcast v8, $0x0;
	_ =	sdelay $0x2  }
0xb3: {  	v9 =	vld.idx.msk [tilespmem:v9+s16+$0x0], $0xffff  }
0xb4: {  	v10 =	vld.idx.msk [tilespmem:v10+s16+$0x0], $0xffff  }
0xb5: {  	v8 =	vld.idx.msk [tilespmem:v11+s16+$0x0], $0xffff  }
0xb6: {  	s31 =	sadd.s32 $0x200, s3;
	v11 =	vld.idx.msk [tilespmem:v19+s16+$0x0], $0xffff  }
0xb7: {  	v19 =	vld [tilespmem:s31+$0x0]  }
0xb8: {  	v20 =	vld [tilespmem:s31+$0xFFFFFF80]  }
0xb9: {  	v21 =	vld [tilespmem:s31+$0xFFFFFF00]  }
0xba: {  	v22 =	vld [tilespmem:s31+$0x80];
	_ =	sdelay $0x1  }
0xbb: {  	v19 =	vmul.f32 v19, v11  }
0xbc: {  	s6 =	sadd.s32 $0x200, s0;
	v20 =	vmul.f32 v20, v10  }
0xbd: {  	v21 =	vmul.f32 v21, v9;
	[tilespmem:s6+$0x0] =	vst v19  }
0xbe: {  	v22 =	vmul.f32 v22, v8;
	[tilespmem:s6+$0xFFFFFF80] =	vst v20;
	v19 =	vld [tilespmem:s31+$0x10]  }
0xbf: {  	[tilespmem:s6+$0xFFFFFF00] =	vst v21;
	v20 =	vld [tilespmem:s31+$0xFFFFFF90]  }
0xc0: {  	v21 =	vld [tilespmem:s31+$0xFFFFFF10];
	[tilespmem:s6+$0x80] =	vst v22  }
0xc1: {  	v22 =	vld [tilespmem:s31+$0x90];
	_ =	sdelay $0x1  }
0xc2: {  	v19 =	vmul.f32 v19, v11  }
0xc3: {  	[tilespmem:s15+$0x70] =	vst v18;
	v18 =	vmul.f32 v20, v10  }
0xc4: {  	[tilespmem:s6+$0x10] =	vst v19;
	v19 =	vmul.f32 v21, v9  }
0xc5: {  	v20 =	vmul.f32 v22, v8;
	[tilespmem:s6+$0xFFFFFF90] =	vst v18;
	v18 =	vld [tilespmem:s31+$0x20]  }
0xc6: {  	[tilespmem:s6+$0xFFFFFF10] =	vst v19;
	v19 =	vld [tilespmem:s31+$0xFFFFFFA0]  }
0xc7: {  	v7 =	vmul.f32 v14, v7;
	[tilespmem:s6+$0x90] =	vst v20;
	v14 =	vld [tilespmem:s31+$0xFFFFFF20]  }
0xc8: {  	v6 =	vmul.f32 v15, v6;
	[tilespmem:s15+$0xE0] =	vst v17;
	v15 =	vld [tilespmem:s31+$0xA0]  }
0xc9: {  	v16 =	vmul.f32 v16, v3;
	[tilespmem:s15+$0xFFFFFFF0] =	vst v7  }
0xca: {  	[tilespmem:s15+$0xFFFFFF70] =	vst v6;
	v6 =	vmul.f32 v18, v11  }
0xcb: {  	v7 =	vld [tilespmem:s3+$0xB0];
	[tilespmem:s0+$0x30] =	vst v16;
	v16 =	vmul.f32 v19, v10  }
0xcc: {  	v17 =	vld [tilespmem:s19+$0xF0];
	v14 =	vmul.f32 v14, v9;
	[tilespmem:s6+$0x20] =	vst v6  }
0xcd: {  	v15 =	vmul.f32 v15, v8;
	v6 =	vld [tilespmem:s31+$0x30];
	[tilespmem:s6+$0xFFFFFFA0] =	vst v16  }
0xce: {  	v12 =	vmul.f32 v12, v2;
	[tilespmem:s6+$0xFFFFFF20] =	vst v14;
	v14 =	vld [tilespmem:s31+$0xFFFFFFB0]  }
0xcf: {  	v13 =	vmul.f32 v13, v4;
	[tilespmem:s6+$0xA0] =	vst v15;
	v16 =	vld [tilespmem:s31+$0xFFFFFF30]  }
0xd0: {  	[tilespmem:s0+$0xFFFFFF30] =	vst v12;
	v7 =	vmul.f32 v7, v1;
	v12 =	vld [tilespmem:s31+$0xB0]  }
0xd1: {  	[tilespmem:s0+$0xFFFFFFB0] =	vst v13;
	v5 =	vmul.f32 v17, v5;
	v15 =	vld [tilespmem:s3+$0x40]  }
0xd2: {  	v13 =	vld [tilespmem:s3+$0xFFFFFFC0];
	[tilespmem:s0+$0xB0] =	vst v7;
	v6 =	vmul.f32 v6, v11  }
0xd3: {  	v7 =	vld [tilespmem:s3+$0xFFFFFF40];
	[tilespmem:s15+$0xF0] =	vst v5;
	v5 =	vmul.f32 v14, v10  }
0xd4: {  	v14 =	vld [tilespmem:s3+$0xC0];
	v16 =	vmul.f32 v16, v9;
	[tilespmem:s6+$0x30] =	vst v6  }
0xd5: {  	v12 =	vmul.f32 v12, v8;
	v6 =	vld [tilespmem:s31+$0x40];
	[tilespmem:s6+$0xFFFFFFB0] =	vst v5  }
0xd6: {  	v5 =	vmul.f32 v15, v3;
	[tilespmem:s6+$0xFFFFFF30] =	vst v16;
	v15 =	vld [tilespmem:s31+$0xFFFFFFC0]  }
0xd7: {  	v13 =	vmul.f32 v13, v4;
	[tilespmem:s6+$0xB0] =	vst v12;
	v16 =	vld [tilespmem:s31+$0xFFFFFF40]  }
0xd8: {  	v7 =	vmul.f32 v7, v2;
	[tilespmem:s0+$0x40] =	vst v5;
	v5 =	vld [tilespmem:s31+$0xC0]  }
0xd9: {  	[tilespmem:s0+$0xFFFFFFC0] =	vst v13;
	v12 =	vld [tilespmem:s3+$0x50];
	v13 =	vmul.f32 v14, v1  }
0xda: {  	[tilespmem:s0+$0xFFFFFF40] =	vst v7;
	v7 =	vld [tilespmem:s3+$0xFFFFFFD0];
	v6 =	vmul.f32 v6, v11  }
0xdb: {  	v14 =	vld [tilespmem:s3+$0xFFFFFF50];
	[tilespmem:s0+$0xC0] =	vst v13;
	v13 =	vmul.f32 v15, v10  }
0xdc: {  	v15 =	vld [tilespmem:s3+$0xD0];
	v16 =	vmul.f32 v16, v9;
	[tilespmem:s6+$0x40] =	vst v6  }
0xdd: {  	v5 =	vmul.f32 v5, v8;
	v6 =	vld [tilespmem:s31+$0x50];
	[tilespmem:s6+$0xFFFFFFC0] =	vst v13  }
0xde: {  	v12 =	vmul.f32 v12, v3;
	[tilespmem:s6+$0xFFFFFF40] =	vst v16;
	v13 =	vld [tilespmem:s31+$0xFFFFFFD0]  }
0xdf: {  	v7 =	vmul.f32 v7, v4;
	[tilespmem:s6+$0xC0] =	vst v5;
	v16 =	vld [tilespmem:s31+$0xFFFFFF50]  }
0xe0: {  	v5 =	vmul.f32 v14, v2;
	[tilespmem:s0+$0x50] =	vst v12;
	v12 =	vld [tilespmem:s31+$0xD0]  }
0xe1: {  	[tilespmem:s0+$0xFFFFFFD0] =	vst v7;
	v14 =	vld [tilespmem:s3+$0x60];
	v7 =	vmul.f32 v15, v1  }
0xe2: {  	[tilespmem:s0+$0xFFFFFF50] =	vst v5;
	v5 =	vld [tilespmem:s3+$0xFFFFFFE0];
	v6 =	vmul.f32 v6, v11  }
0xe3: {  	v15 =	vld [tilespmem:s3+$0xFFFFFF60];
	[tilespmem:s0+$0xD0] =	vst v7;
	v7 =	vmul.f32 v13, v10  }
0xe4: {  	v13 =	vld [tilespmem:s3+$0xE0];
	[tilespmem:s6+$0x50] =	vst v6;
	v6 =	vmul.f32 v16, v9  }
0xe5: {  	v16 =	vld [tilespmem:s31+$0x60];
	[tilespmem:s6+$0xFFFFFFD0] =	vst v7;
	v7 =	vmul.f32 v12, v8  }
0xe6: {  	v12 =	vmul.f32 v14, v3;
	[tilespmem:s6+$0xFFFFFF50] =	vst v6;
	v6 =	vld [tilespmem:s31+$0xFFFFFFE0]  }
0xe7: {  	v5 =	vmul.f32 v5, v4;
	v14 =	vld [tilespmem:s31+$0xFFFFFF60];
	[tilespmem:s6+$0xD0] =	vst v7  }
0xe8: {  	[tilespmem:s0+$0x60] =	vst v12;
	v7 =	vmul.f32 v15, v2;
	v12 =	vld [tilespmem:s31+$0xE0]  }
0xe9: {  	[tilespmem:s0+$0xFFFFFFE0] =	vst v5;
	v15 =	vld [tilespmem:s3+$0x70];
	v5 =	vmul.f32 v13, v1  }
0xea: {  	[tilespmem:s0+$0xFFFFFF60] =	vst v7;
	v7 =	vld [tilespmem:s3+$0xFFFFFFF0];
	v13 =	vmul.f32 v16, v11  }
0xeb: {  	v16 =	vld [tilespmem:s3+$0xFFFFFF70];
	[tilespmem:s0+$0xE0] =	vst v5;
	v5 =	vmul.f32 v6, v10  }
0xec: {  	v6 =	vld [tilespmem:s3+$0xF0];
	[tilespmem:s6+$0x60] =	vst v13;
	v13 =	vmul.f32 v14, v9  }
0xed: {  	v14 =	vld [tilespmem:s31+$0x70];
	[tilespmem:s6+$0xFFFFFFE0] =	vst v5;
	v5 =	vmul.f32 v12, v8  }
0xee: {  	v3 =	vmul.f32 v15, v3;
	[tilespmem:s6+$0xFFFFFF60] =	vst v13;
	v12 =	vld [tilespmem:s31+$0xFFFFFFF0]  }
0xef: {  	v4 =	vmul.f32 v7, v4;
	v7 =	vld [tilespmem:s31+$0xFFFFFF70];
	[tilespmem:s6+$0xE0] =	vst v5  }
0xf0: {  	[tilespmem:s0+$0x70] =	vst v3;
	v2 =	vmul.f32 v16, v2;
	v3 =	vld [tilespmem:s31+$0xF0]  }
0xf1: {  	[tilespmem:s0+$0xFFFFFFF0] =	vst v4;
	v1 =	vmul.f32 v6, v1  }
0xf2: {  	[tilespmem:s0+$0xFFFFFF70] =	vst v2;
	v2 =	vmul.f32 v14, v11  }
0xf3: {  	[tilespmem:s0+$0xF0] =	vst v1;
	v1 =	vmul.f32 v12, v10  }
0xf4: {  	s15 =	simm.s32 $0x3;
	[tilespmem:s6+$0x70] =	vst v2;
	v2 =	vmul.f32 v7, v9  }
0xf5: {  	s3 =	simm.s32 $0x0;
	[tilespmem:s6+$0xFFFFFFF0] =	vst v1;
	v1 =	vmul.f32 v3, v8;
	v3 =	vmov s15  }
0xf6: {  	[tilespmem:s6+$0xFFFFFF70] =	vst v2;
	v2 =	vmov s3;
	v3 =	vand.u32 $0x7F, v3  }
0xf7: {  	s7 =	simm.s32 $0x1;
	s19 =	simm.s32 $0x100;
	[tilespmem:s6+$0xF0] =	vst v1;
	v1 =	vand.u32 $0x7C, v2;
	v3 =	vor.u32 $0x80, v3  }
0xf8: {  	v2 =	vmov s7;
	[tilespmem:s18], [sflag:$0x1] =	stream.indirect.gather [hbm4b:s1+s17], $0x80, s19, s17, $0xb8;
	v1 =	vor.u32 $0x80, v1;
	v3 =	vbroadcast v3, $0x0;
	v63 =	vld [tilespmem:$0x0]  }
0xf9: {  	s23 =	simm.s32 $0x2;
	v2 =	vand.u32 $0x7D, v2;
	v1 =	vbroadcast v1, $0x0  }
0xfa: {  	v2 =	vor.u32 $0x80, v2;
	[spmem:s2] =	stream.indirect.scatter.add.f32 [tilespmem:s21], [sflag:$0x3], $0x80, s26, s17, $0xb8;
	v63 =	vld [tilespmem:$0x0]  }
0xfb: {  	v4 =	vmov s23;
	v2 =	vbroadcast v2, $0x0;
	_ =	swait.ge [sflag:s24], $0x2800  }
0xfc: {  	v4 =	vand.u32 $0x7E, v4;
	[sflag:s24] =	ssyncset.done $0x0  }
0xfd: {  	v4 =	vor.u32 $0x80, v4;
	[sflag:s24] =	ssyncadd.s32 $0xFFFFD800  }
0xfe: {  	v4 =	vbroadcast v4, $0x0;
	v8 =	vld.idx.msk [tilespmem:v3+s16+$0x0], $0xffff  }
0xff: {  	s3 =	simm.s32 $0xE900;
	v6 =	vld.idx.msk [tilespmem:v1+s16+$0x0], $0xffff  }
0x100: {  	v1 =	vld [tilespmem:s3+$0x80]  }
0x101: {  	v7 =	vld.idx.msk [tilespmem:v2+s16+$0x0], $0xffff  }
0x102: {  	v2 =	vld [tilespmem:s3+$0xFFFFFF00]  }
0x103: {  	v3 =	vld [tilespmem:s3+$0xFFFFFF80]  }
0x104: {  	v5 =	vld.idx.msk [tilespmem:v4+s16+$0x0], $0xffff  }
0x105: {  	v4 =	vld [tilespmem:s3+$0x0]  }
0x106: {  	v1 =	vmul.f32 v1, v8  }
0x107: {  	s23 =	simm.s32 $0x13900;
	v2 =	vmul.f32 v2, v6  }
0x108: {  	v3 =	vmul.f32 v3, v7;
	[tilespmem:s23+$0x80] =	vst v1  }
0x109: {  	[tilespmem:s23+$0xFFFFFF00] =	vst v2;
	v1 =	vld [tilespmem:s3+$0x90]  }
0x10a: {  	v2 =	vmul.f32 v4, v5;
	[tilespmem:s23+$0xFFFFFF80] =	vst v3;
	v4 =	vld [tilespmem:s3+$0xFFFFFF10]  }
0x10b: {  	v3 =	vld [tilespmem:s3+$0xFFFFFF90]  }
0x10c: {  	[tilespmem:s23+$0x0] =	vst v2  }
0x10d: {  	v2 =	vld [tilespmem:s3+$0x10]  }
0x10e: {  	v1 =	vmul.f32 v1, v8  }
0x10f: {  	v4 =	vmul.f32 v4, v6  }
0x110: {  	v3 =	vmul.f32 v3, v7;
	[tilespmem:s23+$0x90] =	vst v1  }
0x111: {  	[tilespmem:s23+$0xFFFFFF10] =	vst v4;
	v1 =	vld [tilespmem:s3+$0xA0]  }
0x112: {  	v2 =	vmul.f32 v2, v5;
	[tilespmem:s23+$0xFFFFFF90] =	vst v3;
	v4 =	vld [tilespmem:s3+$0xFFFFFF20]  }
0x113: {  	s31 =	simm.s32 $0x5;
	v3 =	vld [tilespmem:s3+$0xFFFFFFA0]  }
0x114: {  	v10 =	vmov s31;
	s26 =	simm.s32 $0x4;
	[tilespmem:s23+$0x10] =	vst v2  }
0x115: {  	v10 =	vand.u32 $0x7D, v10;
	v2 =	vmov s26;
	v9 =	vld [tilespmem:s3+$0x20]  }
0x116: {  	v10 =	vor.u32 $0x80, v10;
	s6 =	simm.s32 $0x6;
	v2 =	vand.u32 $0x7C, v2;
	v1 =	vmul.f32 v1, v8  }
0x117: {  	v11 =	vmov s6;
	v2 =	vor.u32 $0x80, v2;
	v4 =	vmul.f32 v4, v6  }
0x118: {  	v11 =	vand.u32 $0x7E, v11;
	v2 =	vbroadcast v2, $0x0;
	v3 =	vmul.f32 v3, v7;
	[tilespmem:s23+$0xA0] =	vst v1  }
0x119: {  	v10 =	vbroadcast v10, $0x0;
	v1 =	vor.u32 $0x80, v11;
	[tilespmem:s23+$0xFFFFFF20] =	vst v4;
	v4 =	vld [tilespmem:s3+$0xB0]  }
0x11a: {  	s7 =	simm.s32 $0x7;
	v9 =	vmul.f32 v9, v5;
	v11 =	vbroadcast v1, $0x0;
	[tilespmem:s23+$0xFFFFFFA0] =	vst v3;
	v12 =	vld [tilespmem:s3+$0xFFFFFF30]  }
0x11b: {  	v1 =	vmov s7;
	v3 =	vld [tilespmem:s3+$0xFFFFFFB0]  }
0x11c: {  	v1 =	vand.u32 $0x7F, v1;
	[tilespmem:s23+$0x20] =	vst v9  }
0x11d: {  	v13 =	vor.u32 $0x80, v1;
	v9 =	vld [tilespmem:s3+$0x30]  }
0x11e: {  	v1 =	vld.idx.msk [tilespmem:v2+s16+$0x0], $0xffff;
	v13 =	vbroadcast v13, $0x0;
	v14 =	vmul.f32 v4, v8  }
0x11f: {  	v4 =	vld.idx.msk [tilespmem:v10+s16+$0x0], $0xffff;
	v10 =	vmul.f32 v12, v6  }
0x120: {  	v2 =	vld.idx.msk [tilespmem:v11+s16+$0x0], $0xffff;
	v3 =	vmul.f32 v3, v7;
	[tilespmem:s23+$0xB0] =	vst v14  }
0x121: {  	[tilespmem:s23+$0xFFFFFF30] =	vst v10;
	v10 =	vld [tilespmem:s3+$0xC0]  }
0x122: {  	[tilespmem:s23+$0xFFFFFFB0] =	vst v3;
	v11 =	vld [tilespmem:s3+$0xFFFFFF40]  }
0x123: {  	v12 =	vld [tilespmem:s3+$0xFFFFFFC0]  }
0x124: {  	s19 =	simm.s32 $0xEB00;
	v3 =	vld.idx.msk [tilespmem:v13+s16+$0x0], $0xffff  }
0x125: {  	v13 =	vld [tilespmem:s19+$0x80]  }
0x126: {  	v14 =	vld [tilespmem:s19+$0xFFFFFF00];
	v10 =	vmul.f32 v10, v8  }
0x127: {  	v15 =	vld [tilespmem:s19+$0xFFFFFF80];
	v9 =	vmul.f32 v9, v5  }
0x128: {  	v16 =	vld [tilespmem:s19+$0x0];
	v12 =	vmul.f32 v12, v7;
	[tilespmem:s23+$0xC0] =	vst v10  }
0x129: {  	[tilespmem:s23+$0x30] =	vst v9;
	v9 =	vmul.f32 v11, v6;
	v10 =	vld [tilespmem:s3+$0xD0]  }
0x12a: {  	v11 =	vmul.f32 v13, v3;
	[tilespmem:s23+$0xFFFFFFC0] =	vst v12;
	v12 =	vld [tilespmem:s3+$0x40]  }
0x12b: {  	s0 =	simm.s32 $0x13B00;
	[tilespmem:s23+$0xFFFFFF40] =	vst v9;
	v9 =	vmul.f32 v14, v1;
	v13 =	vld [tilespmem:s3+$0xFFFFFFD0]  }
0x12c: {  	v14 =	vmul.f32 v15, v4;
	[tilespmem:s0+$0x80] =	vst v11;
	v11 =	vld [tilespmem:s3+$0xFFFFFF50]  }
0x12d: {  	v15 =	vld [tilespmem:s19+$0x90];
	[tilespmem:s0+$0xFFFFFF00] =	vst v9;
	v9 =	vmul.f32 v16, v2  }
0x12e: {  	[tilespmem:s0+$0xFFFFFF80] =	vst v14;
	v16 =	vld [tilespmem:s19+$0xFFFFFF10];
	v10 =	vmul.f32 v10, v8  }
0x12f: {  	v14 =	vld [tilespmem:s19+$0xFFFFFF90];
	[tilespmem:s0+$0x0] =	vst v9;
	v9 =	vmul.f32 v12, v5  }
0x130: {  	v12 =	vld [tilespmem:s19+$0x10];
	v13 =	vmul.f32 v13, v7;
	[tilespmem:s23+$0xD0] =	vst v10  }
0x131: {  	v10 =	vmul.f32 v11, v6;
	[tilespmem:s23+$0x40] =	vst v9;
	v9 =	vld [tilespmem:s3+$0xE0]  }
0x132: {  	v11 =	vmul.f32 v15, v3;
	[tilespmem:s23+$0xFFFFFFD0] =	vst v13;
	v13 =	vld [tilespmem:s3+$0x50]  }
0x133: {  	v15 =	vmul.f32 v16, v1;
	[tilespmem:s23+$0xFFFFFF50] =	vst v10;
	v10 =	vld [tilespmem:s3+$0xFFFFFFE0]  }
0x134: {  	v14 =	vmul.f32 v14, v4;
	[tilespmem:s0+$0x90] =	vst v11;
	v11 =	vld [tilespmem:s3+$0xFFFFFF60]  }
0x135: {  	[tilespmem:s0+$0xFFFFFF10] =	vst v15;
	v12 =	vmul.f32 v12, v2;
	v15 =	vld [tilespmem:s19+$0xA0]  }
0x136: {  	[tilespmem:s0+$0xFFFFFF90] =	vst v14;
	v16 =	vld [tilespmem:s19+$0xFFFFFF20];
	v9 =	vmul.f32 v9, v8  }
0x137: {  	s15 =	simm.s32 $0x8;
	v17 =	vld [tilespmem:s19+$0xFFFFFFA0];
	[tilespmem:s0+$0x10] =	vst v12;
	v12 =	vmul.f32 v13, v5  }
0x138: {  	s26 =	simm.s32 $0x9;
	v13 =	vmov s15;
	v18 =	vld [tilespmem:s19+$0x20];
	v10 =	vmul.f32 v10, v7;
	[tilespmem:s23+$0xE0] =	vst v9  }
0x139: {  	s31 =	simm.s32 $0xA;
	v14 =	vmov s26;
	v9 =	vand.u32 $0x7C, v13;
	v11 =	vmul.f32 v11, v6;
	[tilespmem:s23+$0x50] =	vst v12;
	v19 =	vld [tilespmem:s3+$0xF0]  }
0x13a: {  	v12 =	vmov s31;
	v15 =	vmul.f32 v15, v3;
	v9 =	vor.u32 $0x80, v9;
	[tilespmem:s23+$0xFFFFFFE0] =	vst v10;
	v13 =	vld [tilespmem:s3+$0x60]  }
0x13b: {  	v10 =	vand.u32 $0x7D, v14;
	v16 =	vmul.f32 v16, v1;
	v9 =	vbroadcast v9, $0x0;
	[tilespmem:s23+$0xFFFFFF60] =	vst v11;
	v14 =	vld [tilespmem:s3+$0xFFFFFFF0]  }
0x13c: {  	v20 =	vmul.f32 v17, v4;
	v10 =	vor.u32 $0x80, v10;
	v11 =	vand.u32 $0x7E, v12;
	[tilespmem:s0+$0xA0] =	vst v15;
	v15 =	vld [tilespmem:s3+$0xFFFFFF70]  }
0x13d: {  	v10 =	vbroadcast v10, $0x0;
	v11 =	vor.u32 $0x80, v11;
	[tilespmem:s0+$0xFFFFFF20] =	vst v16;
	v17 =	vmul.f32 v18, v2;
	v16 =	vld [tilespmem:s19+$0xB0]  }
0x13e: {  	s6 =	simm.s32 $0xB;
	s15 =	simm.s32 $0xC;
	[tilespmem:s0+$0xFFFFFFA0] =	vst v20;
	v11 =	vbroadcast v11, $0x0;
	v12 =	vld [tilespmem:s19+$0xFFFFFF30];
	v18 =	vmul.f32 v19, v8  }
.LBB2_6:
0x13f: {  	p0 =	slt.u32 s15, $0x4C;
	v8 =	vmov s6;
	v19 =	vld [tilespmem:s19+$0xFFFFFFB0];
	[tilespmem:s0+$0x20] =	vst v17;
	v13 =	vmul.f32 v13, v5  }
0x140: {  	v8 =	vand.u32 $0x7F, v8;
	v17 =	vld [tilespmem:s19+$0x30];
	v14 =	vmul.f32 v14, v7;
	[tilespmem:s23+$0xF0] =	vst v18;
	v7 =	vmov v4  }
0x141: {  	v4 =	vor.u32 $0x80, v8;
	v8 =	vmul.f32 v15, v6;
	[tilespmem:s23+$0x60] =	vst v13;
	v6 =	vmov v1;
	v1 =	vld.idx.msk [tilespmem:v9+s16+$0x0], $0xffff  }
0x142: {  	v9 =	vbroadcast v4, $0x0;
	v13 =	vmul.f32 v16, v3;
	[tilespmem:s23+$0xFFFFFFF0] =	vst v14;
	v14 =	vld [tilespmem:s3+$0x70];
	s3 =	smov.u32 s19  }
0x143: {  	v4 =	vld.idx.msk [tilespmem:v10+s16+$0x0], $0xffff;
	v10 =	vmul.f32 v12, v6;
	[tilespmem:s23+$0xFFFFFF70] =	vst v8  }
0x144: {  	v8 =	vld.idx.msk [tilespmem:v11+s16+$0x0], $0xffff;
	v11 =	vmul.f32 v19, v7;
	[tilespmem:s0+$0xB0] =	vst v13  }
0x145: {  	[tilespmem:s0+$0xFFFFFF30] =	vst v10;
	v10 =	vmul.f32 v17, v2;
	v12 =	vld [tilespmem:s19+$0xC0]  }
0x146: {  	v13 =	vld [tilespmem:s19+$0xFFFFFF40];
	[tilespmem:s0+$0xFFFFFFB0] =	vst v11  }
0x147: {  	v11 =	vld [tilespmem:s19+$0xFFFFFFC0];
	[tilespmem:s0+$0x30] =	vst v10;
	v10 =	vmul.f32 v14, v5;
	v5 =	vmov v2  }
0x148: {  	s19 =	sadd.s32 $0x200, s19;
	v19 =	vld.idx.msk [tilespmem:v9+s16+$0x0], $0xffff  }
0x149: {  	v9 =	vld [tilespmem:s19+$0x80];
	[tilespmem:s23+$0x70] =	vst v10;
	s23 =	smov.u32 s0  }
0x14a: {  	v2 =	vmov v8;
	v10 =	vld [tilespmem:s19+$0xFFFFFF00];
	v12 =	vmul.f32 v12, v3  }
0x14b: {  	v8 =	vld [tilespmem:s19+$0xFFFFFF80];
	v13 =	vmul.f32 v13, v6  }
0x14c: {  	v14 =	vld [tilespmem:s19+$0x0];
	v11 =	vmul.f32 v11, v7;
	[tilespmem:s0+$0xC0] =	vst v12  }
0x14d: {  	[tilespmem:s0+$0xFFFFFF40] =	vst v13;
	v12 =	vld [tilespmem:s3+$0xD0]  }
0x14e: {  	v9 =	vmul.f32 v9, v19;
	[tilespmem:s0+$0xFFFFFFC0] =	vst v11;
	v11 =	vld [tilespmem:s3+$0x40]  }
0x14f: {  	s0 =	sadd.s32 $0x200, s0;
	v10 =	vmul.f32 v10, v1;
	v13 =	vld [tilespmem:s3+$0xFFFFFFD0]  }
0x150: {  	v8 =	vmul.f32 v8, v4;
	[tilespmem:s0+$0x80] =	vst v9;
	v9 =	vld [tilespmem:s3+$0xFFFFFF50]  }
0x151: {  	[tilespmem:s0+$0xFFFFFF00] =	vst v10;
	v10 =	vmul.f32 v14, v2;
	v14 =	vld [tilespmem:s19+$0x90]  }
0x152: {  	v15 =	vld [tilespmem:s19+$0xFFFFFF10];
	[tilespmem:s0+$0xFFFFFF80] =	vst v8;
	v8 =	vmul.f32 v12, v3  }
0x153: {  	v12 =	vld [tilespmem:s19+$0xFFFFFF90];
	[tilespmem:s0+$0x0] =	vst v10;
	v10 =	vmul.f32 v11, v5  }
0x154: {  	v11 =	vld [tilespmem:s19+$0x10];
	v13 =	vmul.f32 v13, v7;
	[tilespmem:s23+$0xD0] =	vst v8  }
0x155: {  	v8 =	vmul.f32 v9, v6;
	[tilespmem:s23+$0x40] =	vst v10;
	v9 =	vld [tilespmem:s3+$0xE0]  }
0x156: {  	v10 =	vmul.f32 v14, v19;
	[tilespmem:s23+$0xFFFFFFD0] =	vst v13;
	v13 =	vld [tilespmem:s3+$0x50]  }
0x157: {  	v14 =	vmul.f32 v15, v1;
	[tilespmem:s23+$0xFFFFFF50] =	vst v8;
	v8 =	vld [tilespmem:s3+$0xFFFFFFE0]  }
0x158: {  	v12 =	vmul.f32 v12, v4;
	[tilespmem:s0+$0x90] =	vst v10;
	v10 =	vld [tilespmem:s3+$0xFFFFFF60]  }
0x159: {  	[tilespmem:s0+$0xFFFFFF10] =	vst v14;
	v11 =	vmul.f32 v11, v2;
	v14 =	vld [tilespmem:s19+$0xA0]  }
0x15a: {  	v15 =	vld [tilespmem:s19+$0xFFFFFF20];
	[tilespmem:s0+$0xFFFFFF90] =	vst v12;
	v9 =	vmul.f32 v9, v3  }
0x15b: {  	v12 =	vld [tilespmem:s19+$0xFFFFFFA0];
	[tilespmem:s0+$0x10] =	vst v11;
	v11 =	vmul.f32 v13, v5  }
0x15c: {  	s6 =	sadd.s32 $0x1, s15;
	v13 =	vmov s15;
	v16 =	vld [tilespmem:s19+$0x20];
	v8 =	vmul.f32 v8, v7;
	[tilespmem:s23+$0xE0] =	vst v9  }
0x15d: {  	v17 =	vmov s6;
	s6 =	sadd.s32 $0x2, s15;
	v9 =	vand.u32 $0x7C, v13;
	v10 =	vmul.f32 v10, v6;
	[tilespmem:s23+$0x50] =	vst v11;
	v18 =	vld [tilespmem:s3+$0xF0]  }
.Ltmp2:
0x15e: {  	v9 =	vor.u32 $0x80, v9;
	v11 =	vmov s6;
	v20 =	vmul.f32 v14, v19;
	[tilespmem:s23+$0xFFFFFFE0] =	vst v8;
	v13 =	vld [tilespmem:s3+$0x60];
	(pc) =	sbr.rel @p0 .LBB2_6-.Ltmp2, $4  }
0x15f: {  	v9 =	vbroadcast v9, $0x0;
	v8 =	vand.u32 $0x7D, v17;
	v17 =	vmul.f32 v15, v1;
	[tilespmem:s23+$0xFFFFFF60] =	vst v10;
	v14 =	vld [tilespmem:s3+$0xFFFFFFF0]  }
0x160: {  	v11 =	vand.u32 $0x7E, v11;
	v8 =	vor.u32 $0x80, v8;
	v21 =	vmul.f32 v12, v4;
	[tilespmem:s0+$0xA0] =	vst v20;
	v15 =	vld [tilespmem:s3+$0xFFFFFF70]  }
0x161: {  	v10 =	vbroadcast v8, $0x0;
	v8 =	vor.u32 $0x80, v11;
	[tilespmem:s0+$0xFFFFFF20] =	vst v17;
	v17 =	vmul.f32 v16, v2;
	v16 =	vld [tilespmem:s19+$0xB0]  }
0x162: {  	s6 =	sadd.s32 $0x3, s15;
	s15 =	sadd.s32 $0x4, s15;
	v11 =	vbroadcast v8, $0x0;
	v12 =	vld [tilespmem:s19+$0xFFFFFF30];
	[tilespmem:s0+$0xFFFFFFA0] =	vst v21;
	v18 =	vmul.f32 v18, v3;
	v3 =	vmov v19  }
0x163: {  	v8 =	vmov s6  }
0x164: {  	v8 =	vand.u32 $0x7F, v8  }
0x165: {  	v8 =	vor.u32 $0x80, v8  }
0x166: {  	v19 =	vbroadcast v8, $0x0  }
0x167: {  	v10 =	vld.idx.msk [tilespmem:v10+s16+$0x0], $0xffff;
	s15 =	sadd.s32 $0x200, s19  }
0x168: {  	v34 =	vld [tilespmem:s15+$0x80]  }
0x169: {  	v20 =	vld [tilespmem:s15+$0xFFFFFF80]  }
0x16a: {  	v8 =	vld.idx.msk [tilespmem:v9+s16+$0x0], $0xffff  }
0x16b: {  	v9 =	vld.idx.msk [tilespmem:v11+s16+$0x0], $0xffff  }
0x16c: {  	v11 =	vld.idx.msk [tilespmem:v19+s16+$0x0], $0xffff  }
0x16d: {  	v22 =	vld [tilespmem:s15+$0x0]  }
0x16e: {  	v21 =	vld [tilespmem:s15+$0xFFFFFF00];
	_ =	sdelay $0x1  }
0x16f: {  	v20 =	vmul.f32 v20, v10  }
0x170: {  	s7 =	sadd.s32 $0x200, s0;
	v19 =	vmul.f32 v34, v11  }
0x171: {  	v35 =	vmul.f32 v22, v9;
	[tilespmem:s7+$0xFFFFFF80] =	vst v20  }
0x172: {  	v21 =	vmul.f32 v21, v8;
	v20 =	vld [tilespmem:s15+$0xFFFFFF90];
	[tilespmem:s7+$0x80] =	vst v19  }
0x173: {  	[tilespmem:s7+$0x0] =	vst v35;
	v36 =	vld [tilespmem:s15+$0x90]  }
0x174: {  	[tilespmem:s7+$0xFFFFFF00] =	vst v21;
	v19 =	vld [tilespmem:s15+$0x10]  }
0x175: {  	v21 =	vld [tilespmem:s15+$0xFFFFFF10]  }
0x176: {  	v13 =	vmul.f32 v13, v5  }
0x177: {  	[tilespmem:s0+$0x20] =	vst v17;
	v38 =	vmul.f32 v20, v10  }
0x178: {  	[tilespmem:s23+$0x60] =	vst v13;
	v37 =	vmul.f32 v36, v11  }
0x179: {  	[tilespmem:s7+$0xFFFFFF90] =	vst v38;
	v19 =	vmul.f32 v19, v9  }
0x17a: {  	v39 =	vmul.f32 v21, v8;
	v41 =	vld [tilespmem:s15+$0xFFFFFFA0];
	[tilespmem:s7+$0x90] =	vst v37  }
0x17b: {  	v7 =	vmul.f32 v14, v7;
	[tilespmem:s7+$0x10] =	vst v19;
	v40 =	vld [tilespmem:s15+$0xA0]  }
0x17c: {  	v6 =	vmul.f32 v15, v6;
	[tilespmem:s7+$0xFFFFFF10] =	vst v39;
	v43 =	vld [tilespmem:s15+$0x20]  }
0x17d: {  	v44 =	vmul.f32 v16, v3;
	[tilespmem:s23+$0xFFFFFFF0] =	vst v7;
	v42 =	vld [tilespmem:s15+$0xFFFFFF20]  }
0x17e: {  	v45 =	vld [tilespmem:s19+$0xFFFFFFB0];
	[tilespmem:s23+$0xFFFFFF70] =	vst v6;
	v12 =	vmul.f32 v12, v1  }
0x17f: {  	v47 =	vld [tilespmem:s19+$0x30];
	[tilespmem:s0+$0xB0] =	vst v44;
	v48 =	vmul.f32 v41, v10  }
0x180: {  	[tilespmem:s0+$0xFFFFFF30] =	vst v12;
	v56 =	vld [tilespmem:s19+$0xC0];
	v46 =	vmul.f32 v40, v11  }
0x181: {  	v49 =	vld [tilespmem:s3+$0x70];
	[tilespmem:s7+$0xFFFFFFA0] =	vst v48;
	v50 =	vmul.f32 v43, v9  }
0x182: {  	v14 =	vmul.f32 v42, v8;
	v52 =	vld [tilespmem:s15+$0xFFFFFFB0];
	[tilespmem:s7+$0xA0] =	vst v46  }
0x183: {  	v7 =	vmul.f32 v45, v4;
	[tilespmem:s7+$0x20] =	vst v50;
	v51 =	vld [tilespmem:s15+$0xB0]  }
0x184: {  	v54 =	vmul.f32 v47, v2;
	[tilespmem:s7+$0xFFFFFF20] =	vst v14;
	v55 =	vld [tilespmem:s15+$0x30]  }
0x185: {  	[tilespmem:s0+$0xFFFFFFB0] =	vst v7;
	v21 =	vmul.f32 v56, v3;
	v53 =	vld [tilespmem:s15+$0xFFFFFF30]  }
0x186: {  	v59 =	vld [tilespmem:s19+$0xFFFFFF40];
	v57 =	vmul.f32 v49, v5;
	[tilespmem:s0+$0x30] =	vst v54  }
0x187: {  	v61 =	vld [tilespmem:s19+$0x40];
	[tilespmem:s0+$0xC0] =	vst v21;
	v60 =	vmul.f32 v52, v10  }
0x188: {  	[tilespmem:s23+$0x70] =	vst v57;
	v26 =	vld [tilespmem:s19+$0xD0];
	v58 =	vmul.f32 v51, v11  }
0x189: {  	v7 =	vld [tilespmem:s19+$0xFFFFFFC0];
	[tilespmem:s7+$0xFFFFFFB0] =	vst v60;
	v62 =	vmul.f32 v55, v9  }
0x18a: {  	v15 =	vmul.f32 v53, v8;
	v22 =	vld [tilespmem:s15+$0xFFFFFFC0];
	[tilespmem:s7+$0xB0] =	vst v58  }
0x18b: {  	v24 =	vmul.f32 v59, v1;
	[tilespmem:s7+$0x30] =	vst v62;
	v20 =	vld [tilespmem:s15+$0xC0]  }
0x18c: {  	v27 =	vmul.f32 v61, v2;
	[tilespmem:s7+$0xFFFFFF30] =	vst v15;
	v25 =	vld [tilespmem:s15+$0x40]  }
0x18d: {  	[tilespmem:s0+$0xFFFFFF40] =	vst v24;
	v32 =	vmul.f32 v26, v3;
	v23 =	vld [tilespmem:s15+$0xFFFFFF40]  }
0x18e: {  	v7 =	vmul.f32 v7, v4;
	v29 =	vld [tilespmem:s19+$0xFFFFFF50];
	[tilespmem:s0+$0x40] =	vst v27  }
0x18f: {  	v31 =	vld [tilespmem:s19+$0x50];
	[tilespmem:s0+$0xD0] =	vst v32;
	v30 =	vmul.f32 v22, v10  }
0x190: {  	[tilespmem:s0+$0xFFFFFFC0] =	vst v7;
	v36 =	vld [tilespmem:s19+$0xE0];
	v12 =	vmul.f32 v20, v11  }
0x191: {  	v28 =	vld [tilespmem:s19+$0xFFFFFFD0];
	[tilespmem:s7+$0xFFFFFFC0] =	vst v30;
	v5 =	vmul.f32 v25, v9  }
0x192: {  	v16 =	vmul.f32 v23, v8;
	v33 =	vld [tilespmem:s15+$0xFFFFFFD0];
	[tilespmem:s7+$0xC0] =	vst v12  }
0x193: {  	v34 =	vmul.f32 v29, v1;
	[tilespmem:s7+$0x40] =	vst v5;
	v12 =	vld [tilespmem:s15+$0xD0]  }
0x194: {  	v37 =	vmul.f32 v31, v2;
	[tilespmem:s7+$0xFFFFFF40] =	vst v16;
	v35 =	vld [tilespmem:s15+$0x50]  }
0x195: {  	[tilespmem:s0+$0xFFFFFF50] =	vst v34;
	v45 =	vmul.f32 v36, v3;
	v16 =	vld [tilespmem:s15+$0xFFFFFF50]  }
0x196: {  	v6 =	vmul.f32 v28, v4;
	v39 =	vld [tilespmem:s19+$0xFFFFFF60];
	[tilespmem:s0+$0x50] =	vst v37  }
0x197: {  	v41 =	vld [tilespmem:s19+$0x60];
	[tilespmem:s0+$0xE0] =	vst v45;
	v40 =	vmul.f32 v33, v10  }
0x198: {  	[tilespmem:s0+$0xFFFFFFD0] =	vst v6;
	v50 =	vld [tilespmem:s19+$0xF0];
	v12 =	vmul.f32 v12, v11  }
0x199: {  	v38 =	vld [tilespmem:s19+$0xFFFFFFE0];
	[tilespmem:s7+$0xFFFFFFD0] =	vst v40;
	v44 =	vmul.f32 v35, v9  }
0x19a: {  	v42 =	vmul.f32 v16, v8;
	v46 =	vld [tilespmem:s15+$0xFFFFFFE0];
	[tilespmem:s7+$0xD0] =	vst v12  }
0x19b: {  	v48 =	vmul.f32 v39, v1;
	[tilespmem:s7+$0x50] =	vst v44;
	v43 =	vld [tilespmem:s15+$0xE0]  }
0x19c: {  	v51 =	vmul.f32 v41, v2;
	[tilespmem:s7+$0xFFFFFF50] =	vst v42;
	v49 =	vld [tilespmem:s15+$0x60]  }
0x19d: {  	[tilespmem:s0+$0xFFFFFF60] =	vst v48;
	v3 =	vmul.f32 v50, v3;
	v47 =	vld [tilespmem:s15+$0xFFFFFF60]  }
0x19e: {  	[tilespmem:s0+$0x60] =	vst v51;
	v5 =	vmul.f32 v38, v4  }
0x19f: {  	v54 =	vld [tilespmem:s19+$0xFFFFFF70];
	[tilespmem:s0+$0xF0] =	vst v3;
	v55 =	vmul.f32 v46, v10  }
0x1a0: {  	v56 =	vld [tilespmem:s19+$0x70];
	[tilespmem:s0+$0xFFFFFFE0] =	vst v5;
	v53 =	vmul.f32 v43, v11  }
0x1a1: {  	v52 =	vld [tilespmem:s19+$0xFFFFFFF0];
	[tilespmem:s7+$0xFFFFFFE0] =	vst v55;
	v59 =	vmul.f32 v49, v9  }
0x1a2: {  	v57 =	vmul.f32 v47, v8;
	v60 =	vld [tilespmem:s15+$0xFFFFFFF0];
	[tilespmem:s7+$0xE0] =	vst v53  }
0x1a3: {  	[tilespmem:s7+$0x60] =	vst v59;
	v58 =	vld [tilespmem:s15+$0xF0]  }
0x1a4: {  	v1 =	vmul.f32 v54, v1;
	[tilespmem:s7+$0xFFFFFF60] =	vst v57;
	v3 =	vld [tilespmem:s15+$0x70]  }
0x1a5: {  	[tilespmem:s23+$0xF0] =	vst v18;
	v2 =	vmul.f32 v56, v2;
	v62 =	vld [tilespmem:s15+$0xFFFFFF70]  }
0x1a6: {  	[tilespmem:s0+$0xFFFFFF70] =	vst v1;
	v61 =	vmul.f32 v52, v4  }
0x1a7: {  	[tilespmem:s0+$0x70] =	vst v2;
	v2 =	vmul.f32 v60, v10  }
0x1a8: {  	[tilespmem:s0+$0xFFFFFFF0] =	vst v61;
	v1 =	vmul.f32 v58, v11  }
0x1a9: {  	[tilespmem:s7+$0xFFFFFFF0] =	vst v2;
	v2 =	vmul.f32 v3, v9  }
0x1aa: {  	[tilespmem:s7+$0xF0] =	vst v1;
	v1 =	vmul.f32 v62, v8  }
0x1ab: {  	[tilespmem:s7+$0x70] =	vst v2  }
0x1ac: {  	s26 =	simm.s32 $0x180;
	[tilespmem:s7+$0xFFFFFF70] =	vst v1  }
0x1ad: {  	[tilespmem:s20], [sflag:$0x2] =	stream.indirect.gather [hbm4b:s1+s17], $0x80, s26, s17, $0xb8;
	v63 =	vld [tilespmem:$0x0]  }
0x1ae: {  	s31 =	simm.s32 $0x4080;
	s26 =	simm.s32 $0x1  }
0x1af: {  	[spmem:s2] =	stream.indirect.scatter.add.f32 [tilespmem:s28], [sflag:$0x4], $0x80, s31, s17, $0xb8;
	v63 =	vld [tilespmem:$0x0]  }
.LBB2_8:
0x1b0: {  	s3 =	simm.s32 $0x0  }
0x1b1: {  	s0 =	sshll.u32 s26, $0x8;
	s23 =	simm.s32 $0x1;
	v1 =	vmov s3  }
0x1b2: {  	s6 =	simm.s32 $0x3;
	v8 =	vmov s0;
	v2 =	vmov s23;
	v1 =	vand.u32 $0x7C, v1  }
0x1b3: {  	v3 =	vmov s6;
	v2 =	vand.u32 $0x7D, v2;
	v1 =	vor.u32 v8, v1  }
0x1b4: {  	_ =	swait.ge [sflag:s29], $0x2800;
	v3 =	vand.u32 $0x7F, v3;
	v2 =	vor.u32 v8, v2;
	v1 =	vbroadcast v1, $0x0  }
0x1b5: {  	[sflag:s29] =	ssyncset.done $0x0;
	v3 =	vor.u32 v8, v3;
	v2 =	vbroadcast v2, $0x0  }
0x1b6: {  	s7 =	simm.s32 $0x2;
	[sflag:s29] =	ssyncadd.s32 $0xFFFFD800;
	v3 =	vbroadcast v3, $0x0  }
0x1b7: {  	v4 =	vmov s7;
	_ =	swait.ge [sflag:s22], $0x2800  }
0x1b8: {  	v4 =	vand.u32 $0x7E, v4;
	[sflag:s22] =	ssyncset.done $0x0  }
0x1b9: {  	v4 =	vor.u32 v8, v4;
	[sflag:s22] =	ssyncadd.s32 $0xFFFFD800  }
0x1ba: {  	v4 =	vbroadcast v4, $0x0;
	v6 =	vld.idx.msk [tilespmem:v1+s16+$0x0], $0xffff  }
0x1bb: {  	v7 =	vld.idx.msk [tilespmem:v2+s16+$0x0], $0xffff  }
0x1bc: {  	s3 =	simm.s32 $0xC100;
	v9 =	vld.idx.msk [tilespmem:v3+s16+$0x0], $0xffff  }
0x1bd: {  	v1 =	vld [tilespmem:s3+$0x80]  }
0x1be: {  	v2 =	vld [tilespmem:s3+$0xFFFFFF00]  }
0x1bf: {  	v3 =	vld [tilespmem:s3+$0xFFFFFF80]  }
0x1c0: {  	v5 =	vld.idx.msk [tilespmem:v4+s16+$0x0], $0xffff  }
0x1c1: {  	v4 =	vld [tilespmem:s3+$0x0]  }
0x1c2: {  	v1 =	vmul.f32 v1, v9  }
0x1c3: {  	s23 =	simm.s32 $0x11100;
	v2 =	vmul.f32 v2, v6  }
0x1c4: {  	v3 =	vmul.f32 v3, v7;
	[tilespmem:s23+$0x80] =	vst v1  }
0x1c5: {  	[tilespmem:s23+$0xFFFFFF00] =	vst v2;
	v1 =	vld [tilespmem:s3+$0x90]  }
0x1c6: {  	v2 =	vmul.f32 v4, v5;
	[tilespmem:s23+$0xFFFFFF80] =	vst v3;
	v4 =	vld [tilespmem:s3+$0xFFFFFF10]  }
0x1c7: {  	v3 =	vld [tilespmem:s3+$0xFFFFFF90]  }
0x1c8: {  	[tilespmem:s23+$0x0] =	vst v2  }
0x1c9: {  	v2 =	vld [tilespmem:s3+$0x10]  }
0x1ca: {  	v1 =	vmul.f32 v1, v9  }
0x1cb: {  	v4 =	vmul.f32 v4, v6  }
0x1cc: {  	v3 =	vmul.f32 v3, v7;
	[tilespmem:s23+$0x90] =	vst v1  }
0x1cd: {  	[tilespmem:s23+$0xFFFFFF10] =	vst v4;
	v1 =	vld [tilespmem:s3+$0xA0]  }
0x1ce: {  	v2 =	vmul.f32 v2, v5;
	[tilespmem:s23+$0xFFFFFF90] =	vst v3;
	v4 =	vld [tilespmem:s3+$0xFFFFFF20]  }
0x1cf: {  	v3 =	vld [tilespmem:s3+$0xFFFFFFA0]  }
0x1d0: {  	s15 =	simm.s32 $0x5;
	s19 =	simm.s32 $0x6;
	s6 =	simm.s32 $0x4;
	[tilespmem:s23+$0x10] =	vst v2  }
0x1d1: {  	v11 =	vmov s15;
	v12 =	vmov s19;
	v2 =	vmov s6;
	v10 =	vld [tilespmem:s3+$0x20]  }
0x1d2: {  	v11 =	vand.u32 $0x7D, v11;
	v2 =	vand.u32 $0x7C, v2;
	v1 =	vmul.f32 v1, v9  }
0x1d3: {  	v12 =	vand.u32 $0x7E, v12;
	v2 =	vor.u32 v8, v2;
	v4 =	vmul.f32 v4, v6  }
0x1d4: {  	v11 =	vor.u32 v8, v11;
	v2 =	vbroadcast v2, $0x0;
	v3 =	vmul.f32 v3, v7;
	[tilespmem:s23+$0xA0] =	vst v1  }
0x1d5: {  	v11 =	vbroadcast v11, $0x0;
	v1 =	vor.u32 v8, v12;
	[tilespmem:s23+$0xFFFFFF20] =	vst v4;
	v4 =	vld [tilespmem:s3+$0xB0]  }
0x1d6: {  	s7 =	simm.s32 $0x7;
	v10 =	vmul.f32 v10, v5;
	[tilespmem:s23+$0xFFFFFFA0] =	vst v3;
	v12 =	vbroadcast v1, $0x0;
	v13 =	vld [tilespmem:s3+$0xFFFFFF30]  }
0x1d7: {  	v1 =	vmov s7;
	v3 =	vld [tilespmem:s3+$0xFFFFFFB0]  }
0x1d8: {  	[tilespmem:s23+$0x20] =	vst v10;
	v1 =	vand.u32 $0x7F, v1  }
0x1d9: {  	v10 =	vld [tilespmem:s3+$0x30];
	v14 =	vor.u32 v8, v1  }
0x1da: {  	v1 =	vld.idx.msk [tilespmem:v2+s16+$0x0], $0xffff;
	v14 =	vbroadcast v14, $0x0;
	v15 =	vmul.f32 v4, v9  }
0x1db: {  	v4 =	vld.idx.msk [tilespmem:v11+s16+$0x0], $0xffff;
	v11 =	vmul.f32 v13, v6  }
0x1dc: {  	v3 =	vmul.f32 v3, v7;
	v2 =	vld.idx.msk [tilespmem:v12+s16+$0x0], $0xffff;
	[tilespmem:s23+$0xB0] =	vst v15  }
0x1dd: {  	[tilespmem:s23+$0xFFFFFF30] =	vst v11;
	v11 =	vld [tilespmem:s3+$0xC0]  }
0x1de: {  	[tilespmem:s23+$0xFFFFFFB0] =	vst v3;
	v12 =	vld [tilespmem:s3+$0xFFFFFF40]  }
0x1df: {  	v13 =	vld [tilespmem:s3+$0xFFFFFFC0]  }
0x1e0: {  	s19 =	simm.s32 $0xC300;
	v3 =	vld.idx.msk [tilespmem:v14+s16+$0x0], $0xffff  }
0x1e1: {  	v14 =	vld [tilespmem:s19+$0x80]  }
0x1e2: {  	v15 =	vld [tilespmem:s19+$0xFFFFFF00];
	v11 =	vmul.f32 v11, v9  }
0x1e3: {  	v16 =	vld [tilespmem:s19+$0xFFFFFF80];
	v10 =	vmul.f32 v10, v5  }
0x1e4: {  	v17 =	vld [tilespmem:s19+$0x0];
	v13 =	vmul.f32 v13, v7;
	[tilespmem:s23+$0xC0] =	vst v11  }
0x1e5: {  	[tilespmem:s23+$0x30] =	vst v10;
	v10 =	vmul.f32 v12, v6;
	v11 =	vld [tilespmem:s3+$0xD0]  }
0x1e6: {  	v12 =	vmul.f32 v14, v3;
	[tilespmem:s23+$0xFFFFFFC0] =	vst v13;
	v13 =	vld [tilespmem:s3+$0x40]  }
0x1e7: {  	s31 =	simm.s32 $0x11300;
	[tilespmem:s23+$0xFFFFFF40] =	vst v10;
	v10 =	vmul.f32 v15, v1;
	v14 =	vld [tilespmem:s3+$0xFFFFFFD0]  }
0x1e8: {  	v15 =	vmul.f32 v16, v4;
	[tilespmem:s31+$0x80] =	vst v12;
	v12 =	vld [tilespmem:s3+$0xFFFFFF50]  }
0x1e9: {  	[tilespmem:s31+$0xFFFFFF00] =	vst v10;
	v10 =	vmul.f32 v17, v2;
	v16 =	vld [tilespmem:s19+$0x90]  }
0x1ea: {  	[tilespmem:s31+$0xFFFFFF80] =	vst v15;
	v17 =	vld [tilespmem:s19+$0xFFFFFF10];
	v11 =	vmul.f32 v11, v9  }
0x1eb: {  	v15 =	vld [tilespmem:s19+$0xFFFFFF90];
	[tilespmem:s31+$0x0] =	vst v10;
	v10 =	vmul.f32 v13, v5  }
0x1ec: {  	v13 =	vld [tilespmem:s19+$0x10];
	v14 =	vmul.f32 v14, v7;
	[tilespmem:s23+$0xD0] =	vst v11  }
0x1ed: {  	[tilespmem:s23+$0x40] =	vst v10;
	v11 =	vmul.f32 v12, v6;
	v10 =	vld [tilespmem:s3+$0xE0]  }
0x1ee: {  	v12 =	vmul.f32 v16, v3;
	[tilespmem:s23+$0xFFFFFFD0] =	vst v14;
	v14 =	vld [tilespmem:s3+$0x50]  }
0x1ef: {  	v16 =	vmul.f32 v17, v1;
	[tilespmem:s23+$0xFFFFFF50] =	vst v11;
	v11 =	vld [tilespmem:s3+$0xFFFFFFE0]  }
0x1f0: {  	v15 =	vmul.f32 v15, v4;
	[tilespmem:s31+$0x90] =	vst v12;
	v12 =	vld [tilespmem:s3+$0xFFFFFF60]  }
0x1f1: {  	[tilespmem:s31+$0xFFFFFF10] =	vst v16;
	v13 =	vmul.f32 v13, v2;
	v16 =	vld [tilespmem:s19+$0xA0]  }
0x1f2: {  	[tilespmem:s31+$0xFFFFFF90] =	vst v15;
	v17 =	vld [tilespmem:s19+$0xFFFFFF20];
	v10 =	vmul.f32 v10, v9  }
0x1f3: {  	s15 =	simm.s32 $0x8;
	v15 =	vld [tilespmem:s19+$0xFFFFFFA0];
	[tilespmem:s31+$0x10] =	vst v13;
	v13 =	vmul.f32 v14, v5  }
0x1f4: {  	v14 =	vmov s15;
	v18 =	vld [tilespmem:s19+$0x20];
	s15 =	simm.s32 $0xA;
	v11 =	vmul.f32 v11, v7;
	[tilespmem:s23+$0xE0] =	vst v10  }
0x1f5: {  	s7 =	simm.s32 $0x9;
	v20 =	vmov s15;
	[tilespmem:s23+$0x50] =	vst v13;
	v10 =	vand.u32 $0x7C, v14;
	v12 =	vmul.f32 v12, v6;
	v19 =	vld [tilespmem:s3+$0xF0]  }
0x1f6: {  	v14 =	vmov s7;
	v16 =	vmul.f32 v16, v3;
	v13 =	vld [tilespmem:s3+$0x60];
	v10 =	vor.u32 v8, v10;
	[tilespmem:s23+$0xFFFFFFE0] =	vst v11  }
0x1f7: {  	v17 =	vmul.f32 v17, v1;
	v11 =	vand.u32 $0x7D, v14;
	v10 =	vbroadcast v10, $0x0;
	[tilespmem:s23+$0xFFFFFF60] =	vst v12;
	v14 =	vld [tilespmem:s3+$0xFFFFFFF0]  }
0x1f8: {  	v11 =	vor.u32 v8, v11;
	v12 =	vand.u32 $0x7E, v20;
	v20 =	vmul.f32 v15, v4;
	[tilespmem:s31+$0xA0] =	vst v16;
	v15 =	vld [tilespmem:s3+$0xFFFFFF70]  }
0x1f9: {  	[tilespmem:s31+$0xFFFFFF20] =	vst v17;
	v17 =	vmul.f32 v18, v2;
	v11 =	vbroadcast v11, $0x0;
	v12 =	vor.u32 v8, v12;
	v16 =	vld [tilespmem:s19+$0xB0]  }
0x1fa: {  	s6 =	simm.s32 $0xC;
	s15 =	sshll.u32 s26, $0x1;
	s7 =	simm.s32 $0xB;
	v18 =	vbroadcast v12, $0x0;
	v12 =	vld [tilespmem:s19+$0xFFFFFF30];
	[tilespmem:s31+$0xFFFFFFA0] =	vst v20;
	v19 =	vmul.f32 v19, v9  }
.LBB2_9:
0x1fb: {  	p0 =	slt.u32 s6, $0x4C;
	v9 =	vmov s7;
	v20 =	vld [tilespmem:s19+$0xFFFFFFB0];
	[tilespmem:s31+$0x20] =	vst v17;
	v13 =	vmul.f32 v13, v5  }
0x1fc: {  	v9 =	vand.u32 $0x7F, v9;
	v17 =	vld [tilespmem:s19+$0x30];
	v14 =	vmul.f32 v14, v7;
	[tilespmem:s23+$0xF0] =	vst v19;
	v7 =	vmov v4  }
0x1fd: {  	v4 =	vor.u32 v8, v9;
	v9 =	vmul.f32 v15, v6;
	[tilespmem:s23+$0x60] =	vst v13;
	v6 =	vmov v1;
	v1 =	vld.idx.msk [tilespmem:v10+s16+$0x0], $0xffff  }
0x1fe: {  	v10 =	vbroadcast v4, $0x0;
	v13 =	vmul.f32 v16, v3;
	[tilespmem:s23+$0xFFFFFFF0] =	vst v14;
	v14 =	vld [tilespmem:s3+$0x70];
	s3 =	smov.u32 s19  }
0x1ff: {  	v4 =	vld.idx.msk [tilespmem:v11+s16+$0x0], $0xffff;
	v11 =	vmul.f32 v12, v6;
	[tilespmem:s23+$0xFFFFFF70] =	vst v9  }
0x200: {  	v9 =	vld.idx.msk [tilespmem:v18+s16+$0x0], $0xffff;
	v12 =	vmul.f32 v20, v7;
	[tilespmem:s31+$0xB0] =	vst v13  }
0x201: {  	[tilespmem:s31+$0xFFFFFF30] =	vst v11;
	v11 =	vmul.f32 v17, v2;
	v13 =	vld [tilespmem:s19+$0xC0]  }
0x202: {  	v15 =	vld [tilespmem:s19+$0xFFFFFF40];
	[tilespmem:s31+$0xFFFFFFB0] =	vst v12  }
0x203: {  	v12 =	vld [tilespmem:s19+$0xFFFFFFC0];
	[tilespmem:s31+$0x30] =	vst v11;
	v11 =	vmul.f32 v14, v5;
	v5 =	vmov v2  }
0x204: {  	s19 =	sadd.s32 $0x200, s19;
	v20 =	vld.idx.msk [tilespmem:v10+s16+$0x0], $0xffff  }
0x205: {  	v10 =	vld [tilespmem:s19+$0x80];
	[tilespmem:s23+$0x70] =	vst v11;
	s23 =	smov.u32 s31  }
0x206: {  	v2 =	vmov v9;
	v11 =	vld [tilespmem:s19+$0xFFFFFF00];
	v13 =	vmul.f32 v13, v3  }
0x207: {  	v9 =	vld [tilespmem:s19+$0xFFFFFF80];
	v14 =	vmul.f32 v15, v6  }
0x208: {  	v15 =	vld [tilespmem:s19+$0x0];
	v12 =	vmul.f32 v12, v7;
	[tilespmem:s31+$0xC0] =	vst v13  }
0x209: {  	[tilespmem:s31+$0xFFFFFF40] =	vst v14;
	v13 =	vld [tilespmem:s3+$0xD0]  }
0x20a: {  	v10 =	vmul.f32 v10, v20;
	[tilespmem:s31+$0xFFFFFFC0] =	vst v12;
	v12 =	vld [tilespmem:s3+$0x40]  }
0x20b: {  	s31 =	sadd.s32 $0x200, s31;
	v11 =	vmul.f32 v11, v1;
	v14 =	vld [tilespmem:s3+$0xFFFFFFD0]  }
0x20c: {  	v9 =	vmul.f32 v9, v4;
	[tilespmem:s31+$0x80] =	vst v10;
	v10 =	vld [tilespmem:s3+$0xFFFFFF50]  }
0x20d: {  	[tilespmem:s31+$0xFFFFFF00] =	vst v11;
	v11 =	vmul.f32 v15, v2;
	v15 =	vld [tilespmem:s19+$0x90]  }
0x20e: {  	v16 =	vld [tilespmem:s19+$0xFFFFFF10];
	[tilespmem:s31+$0xFFFFFF80] =	vst v9;
	v9 =	vmul.f32 v13, v3  }
0x20f: {  	v13 =	vld [tilespmem:s19+$0xFFFFFF90];
	[tilespmem:s31+$0x0] =	vst v11;
	v11 =	vmul.f32 v12, v5  }
0x210: {  	v12 =	vld [tilespmem:s19+$0x10];
	v14 =	vmul.f32 v14, v7;
	[tilespmem:s23+$0xD0] =	vst v9  }
0x211: {  	v9 =	vmul.f32 v10, v6;
	[tilespmem:s23+$0x40] =	vst v11;
	v10 =	vld [tilespmem:s3+$0xE0]  }
0x212: {  	v11 =	vmul.f32 v15, v20;
	[tilespmem:s23+$0xFFFFFFD0] =	vst v14;
	v14 =	vld [tilespmem:s3+$0x50]  }
0x213: {  	v15 =	vmul.f32 v16, v1;
	[tilespmem:s23+$0xFFFFFF50] =	vst v9;
	v9 =	vld [tilespmem:s3+$0xFFFFFFE0]  }
0x214: {  	v13 =	vmul.f32 v13, v4;
	[tilespmem:s31+$0x90] =	vst v11;
	v11 =	vld [tilespmem:s3+$0xFFFFFF60]  }
0x215: {  	[tilespmem:s31+$0xFFFFFF10] =	vst v15;
	v12 =	vmul.f32 v12, v2;
	v15 =	vld [tilespmem:s19+$0xA0]  }
0x216: {  	v16 =	vld [tilespmem:s19+$0xFFFFFF20];
	[tilespmem:s31+$0xFFFFFF90] =	vst v13;
	v10 =	vmul.f32 v10, v3  }
0x217: {  	v17 =	vld [tilespmem:s19+$0xFFFFFFA0];
	[tilespmem:s31+$0x10] =	vst v12;
	v12 =	vmul.f32 v14, v5  }
0x218: {  	s7 =	sadd.s32 $0x1, s6;
	v13 =	vmov s6;
	v18 =	vld [tilespmem:s19+$0x20];
	v9 =	vmul.f32 v9, v7;
	[tilespmem:s23+$0xE0] =	vst v10  }
0x219: {  	v14 =	vmov s7;
	s7 =	sadd.s32 $0x2, s6;
	v10 =	vand.u32 $0x7C, v13;
	v11 =	vmul.f32 v11, v6;
	[tilespmem:s23+$0x50] =	vst v12;
	v19 =	vld [tilespmem:s3+$0xF0]  }
.Ltmp3:
0x21a: {  	v10 =	vor.u32 v8, v10;
	v12 =	vmov s7;
	v15 =	vmul.f32 v15, v20;
	[tilespmem:s23+$0xFFFFFFE0] =	vst v9;
	v13 =	vld [tilespmem:s3+$0x60];
	(pc) =	sbr.rel @p0 .LBB2_9-.Ltmp3, $4  }
0x21b: {  	v10 =	vbroadcast v10, $0x0;
	v9 =	vand.u32 $0x7D, v14;
	v16 =	vmul.f32 v16, v1;
	[tilespmem:s23+$0xFFFFFF60] =	vst v11;
	v14 =	vld [tilespmem:s3+$0xFFFFFFF0]  }
0x21c: {  	v12 =	vand.u32 $0x7E, v12;
	v9 =	vor.u32 v8, v9;
	v21 =	vmul.f32 v17, v4;
	[tilespmem:s31+$0xA0] =	vst v15;
	v15 =	vld [tilespmem:s3+$0xFFFFFF70]  }
0x21d: {  	v11 =	vbroadcast v9, $0x0;
	v9 =	vor.u32 v8, v12;
	[tilespmem:s31+$0xFFFFFF20] =	vst v16;
	v17 =	vmul.f32 v18, v2;
	v16 =	vld [tilespmem:s19+$0xB0]  }
0x21e: {  	s7 =	sadd.s32 $0x3, s6;
	s6 =	sadd.s32 $0x4, s6;
	v18 =	vbroadcast v9, $0x0;
	v12 =	vld [tilespmem:s19+$0xFFFFFF30];
	[tilespmem:s31+$0xFFFFFFA0] =	vst v21;
	v19 =	vmul.f32 v19, v3;
	v3 =	vmov v20  }
0x21f: {  	v9 =	vmov s7  }
0x220: {  	v9 =	vand.u32 $0x7F, v9  }
0x221: {  	v8 =	vor.u32 v8, v9  }
0x222: {  	v20 =	vbroadcast v8, $0x0;
	_ =	sdelay $0x1  }
0x223: {  	s7 =	sadd.s32 $0x200, s19;
	v9 =	vld.idx.msk [tilespmem:v18+s16+$0x0], $0xffff  }
0x224: {  	v18 =	vld [tilespmem:s7+$0x80]  }
0x225: {  	v8 =	vld.idx.msk [tilespmem:v10+s16+$0x0], $0xffff  }
0x226: {  	v10 =	vld.idx.msk [tilespmem:v11+s16+$0x0], $0xffff  }
0x227: {  	v11 =	vld.idx.msk [tilespmem:v20+s16+$0x0], $0xffff  }
0x228: {  	v20 =	vld [tilespmem:s7+$0xFFFFFF80]  }
0x229: {  	v21 =	vld [tilespmem:s7+$0xFFFFFF00]  }
0x22a: {  	v22 =	vld [tilespmem:s7+$0x0];
	_ =	sdelay $0x1  }
0x22b: {  	v18 =	vmul.f32 v18, v11  }
0x22c: {  	s6 =	sadd.s32 $0x200, s31;
	v20 =	vmul.f32 v20, v10  }
0x22d: {  	v21 =	vmul.f32 v21, v8;
	[tilespmem:s6+$0x80] =	vst v18  }
0x22e: {  	v18 =	vmul.f32 v22, v9;
	[tilespmem:s6+$0xFFFFFF80] =	vst v20;
	v62 =	vld [tilespmem:s7+$0x90]  }
0x22f: {  	[tilespmem:s6+$0xFFFFFF00] =	vst v21;
	v20 =	vld [tilespmem:s7+$0xFFFFFF90]  }
0x230: {  	v21 =	vld [tilespmem:s7+$0xFFFFFF10];
	[tilespmem:s6+$0x0] =	vst v18  }
0x231: {  	v18 =	vld [tilespmem:s7+$0x10];
	_ =	sdelay $0x1  }
0x232: {  	[tilespmem:s31+$0x20] =	vst v17;
	v17 =	vmul.f32 v62, v11  }
0x233: {  	[tilespmem:s23+$0xF0] =	vst v19;
	v19 =	vmul.f32 v20, v10  }
0x234: {  	v20 =	vmul.f32 v21, v8;
	[tilespmem:s6+$0x90] =	vst v17  }
0x235: {  	v17 =	vmul.f32 v18, v9;
	[tilespmem:s6+$0xFFFFFF90] =	vst v19;
	v18 =	vld [tilespmem:s7+$0xA0]  }
0x236: {  	v13 =	vmul.f32 v13, v5;
	[tilespmem:s6+$0xFFFFFF10] =	vst v20;
	v19 =	vld [tilespmem:s7+$0xFFFFFFA0]  }
0x237: {  	v7 =	vmul.f32 v14, v7;
	v14 =	vld [tilespmem:s7+$0xFFFFFF20];
	[tilespmem:s6+$0x10] =	vst v17  }
0x238: {  	v6 =	vmul.f32 v15, v6;
	[tilespmem:s23+$0x60] =	vst v13;
	v13 =	vld [tilespmem:s7+$0x20]  }
0x239: {  	v15 =	vmul.f32 v16, v3;
	[tilespmem:s23+$0xFFFFFFF0] =	vst v7  }
0x23a: {  	v7 =	vld [tilespmem:s19+$0xFFFFFFB0];
	[tilespmem:s23+$0xFFFFFF70] =	vst v6;
	v6 =	vmul.f32 v18, v11  }
0x23b: {  	v16 =	vld [tilespmem:s19+$0x30];
	[tilespmem:s31+$0xB0] =	vst v15;
	v15 =	vmul.f32 v19, v10  }
0x23c: {  	v17 =	vld [tilespmem:s3+$0x70];
	v14 =	vmul.f32 v14, v8;
	[tilespmem:s6+$0xA0] =	vst v6  }
0x23d: {  	v6 =	vmul.f32 v13, v9;
	[tilespmem:s6+$0xFFFFFFA0] =	vst v15;
	v13 =	vld [tilespmem:s7+$0xB0]  }
0x23e: {  	v12 =	vmul.f32 v12, v1;
	[tilespmem:s6+$0xFFFFFF20] =	vst v14;
	v14 =	vld [tilespmem:s7+$0xFFFFFFB0]  }
0x23f: {  	v7 =	vmul.f32 v7, v4;
	v15 =	vld [tilespmem:s7+$0xFFFFFF30];
	[tilespmem:s6+$0x20] =	vst v6  }
0x240: {  	[tilespmem:s31+$0xFFFFFF30] =	vst v12;
	v6 =	vmul.f32 v16, v2;
	v12 =	vld [tilespmem:s7+$0x30]  }
0x241: {  	[tilespmem:s31+$0xFFFFFFB0] =	vst v7;
	v5 =	vmul.f32 v17, v5;
	v16 =	vld [tilespmem:s19+$0xC0]  }
0x242: {  	v7 =	vld [tilespmem:s19+$0xFFFFFFC0];
	[tilespmem:s31+$0x30] =	vst v6;
	v6 =	vmul.f32 v13, v11  }
0x243: {  	[tilespmem:s23+$0x70] =	vst v5;
	v13 =	vld [tilespmem:s19+$0xFFFFFF40];
	v5 =	vmul.f32 v14, v10  }
0x244: {  	v14 =	vld [tilespmem:s19+$0x40];
	v15 =	vmul.f32 v15, v8;
	[tilespmem:s6+$0xB0] =	vst v6  }
0x245: {  	v6 =	vmul.f32 v12, v9;
	[tilespmem:s6+$0xFFFFFFB0] =	vst v5;
	v12 =	vld [tilespmem:s7+$0xC0]  }
0x246: {  	v5 =	vmul.f32 v16, v3;
	[tilespmem:s6+$0xFFFFFF30] =	vst v15;
	v15 =	vld [tilespmem:s7+$0xFFFFFFC0]  }
0x247: {  	v7 =	vmul.f32 v7, v4;
	v16 =	vld [tilespmem:s7+$0xFFFFFF40];
	[tilespmem:s6+$0x30] =	vst v6  }
0x248: {  	[tilespmem:s31+$0xC0] =	vst v5;
	v6 =	vmul.f32 v13, v1;
	v5 =	vld [tilespmem:s7+$0x40]  }
0x249: {  	[tilespmem:s31+$0xFFFFFFC0] =	vst v7;
	v13 =	vld [tilespmem:s19+$0xD0];
	v7 =	vmul.f32 v14, v2  }
0x24a: {  	[tilespmem:s31+$0xFFFFFF40] =	vst v6;
	v6 =	vld [tilespmem:s19+$0xFFFFFFD0];
	v12 =	vmul.f32 v12, v11  }
0x24b: {  	[tilespmem:s31+$0x40] =	vst v7;
	v14 =	vld [tilespmem:s19+$0xFFFFFF50];
	v7 =	vmul.f32 v15, v10  }
0x24c: {  	v15 =	vld [tilespmem:s19+$0x50];
	v16 =	vmul.f32 v16, v8;
	[tilespmem:s6+$0xC0] =	vst v12  }
0x24d: {  	[tilespmem:s6+$0xFFFFFFC0] =	vst v7;
	v5 =	vmul.f32 v5, v9;
	v12 =	vld [tilespmem:s7+$0xD0]  }
0x24e: {  	v7 =	vmul.f32 v13, v3;
	[tilespmem:s6+$0xFFFFFF40] =	vst v16;
	v13 =	vld [tilespmem:s7+$0xFFFFFFD0]  }
0x24f: {  	v16 =	vld [tilespmem:s7+$0xFFFFFF50];
	v6 =	vmul.f32 v6, v4;
	[tilespmem:s6+$0x40] =	vst v5  }
0x250: {  	[tilespmem:s31+$0xD0] =	vst v7;
	v5 =	vmul.f32 v14, v1;
	v7 =	vld [tilespmem:s7+$0x50]  }
0x251: {  	v14 =	vld [tilespmem:s19+$0xE0];
	[tilespmem:s31+$0xFFFFFFD0] =	vst v6;
	v6 =	vmul.f32 v15, v2  }
0x252: {  	[tilespmem:s31+$0xFFFFFF50] =	vst v5;
	v5 =	vld [tilespmem:s19+$0xFFFFFFE0];
	v12 =	vmul.f32 v12, v11  }
0x253: {  	v15 =	vld [tilespmem:s19+$0xFFFFFF60];
	[tilespmem:s31+$0x50] =	vst v6;
	v6 =	vmul.f32 v13, v10  }
0x254: {  	v13 =	vld [tilespmem:s19+$0x60];
	[tilespmem:s6+$0xD0] =	vst v12;
	v12 =	vmul.f32 v16, v8  }
0x255: {  	[tilespmem:s6+$0xFFFFFFD0] =	vst v6;
	v6 =	vmul.f32 v7, v9;
	v16 =	vld [tilespmem:s7+$0xE0]  }
0x256: {  	v7 =	vmul.f32 v14, v3;
	[tilespmem:s6+$0xFFFFFF50] =	vst v12;
	v12 =	vld [tilespmem:s7+$0xFFFFFFE0]  }
0x257: {  	v5 =	vmul.f32 v5, v4;
	[tilespmem:s6+$0x50] =	vst v6;
	v14 =	vld [tilespmem:s7+$0xFFFFFF60]  }
0x258: {  	[tilespmem:s31+$0xE0] =	vst v7;
	v6 =	vmul.f32 v15, v1;
	v7 =	vld [tilespmem:s7+$0x60]  }
0x259: {  	v15 =	vld [tilespmem:s19+$0xF0];
	[tilespmem:s31+$0xFFFFFFE0] =	vst v5;
	v5 =	vmul.f32 v13, v2  }
0x25a: {  	[tilespmem:s31+$0xFFFFFF60] =	vst v6;
	v6 =	vld [tilespmem:s19+$0xFFFFFFF0];
	v13 =	vmul.f32 v16, v11  }
0x25b: {  	v16 =	vld [tilespmem:s19+$0xFFFFFF70];
	[tilespmem:s31+$0x60] =	vst v5;
	v5 =	vmul.f32 v12, v10  }
0x25c: {  	v12 =	vld [tilespmem:s19+$0x70];
	[tilespmem:s6+$0xE0] =	vst v13;
	v13 =	vmul.f32 v14, v8  }
0x25d: {  	v14 =	vld [tilespmem:s7+$0xF0];
	[tilespmem:s6+$0xFFFFFFE0] =	vst v5;
	v5 =	vmul.f32 v7, v9  }
0x25e: {  	v3 =	vmul.f32 v15, v3;
	[tilespmem:s6+$0xFFFFFF60] =	vst v13;
	v7 =	vld [tilespmem:s7+$0xFFFFFFF0]  }
0x25f: {  	v4 =	vmul.f32 v6, v4;
	v6 =	vld [tilespmem:s7+$0xFFFFFF70];
	[tilespmem:s6+$0x60] =	vst v5  }
0x260: {  	[tilespmem:s31+$0xF0] =	vst v3;
	v1 =	vmul.f32 v16, v1;
	v3 =	vld [tilespmem:s7+$0x70]  }
0x261: {  	[tilespmem:s31+$0xFFFFFFF0] =	vst v4;
	v2 =	vmul.f32 v12, v2  }
0x262: {  	[tilespmem:s31+$0xFFFFFF70] =	vst v1;
	v1 =	vmul.f32 v14, v11  }
0x263: {  	[tilespmem:s31+$0x70] =	vst v2;
	v2 =	vmul.f32 v7, v10  }
0x264: {  	[tilespmem:s6+$0xF0] =	vst v1;
	v1 =	vmul.f32 v6, v8  }
0x265: {  	[tilespmem:s6+$0xFFFFFFF0] =	vst v2;
	v2 =	vmul.f32 v3, v9  }
0x266: {  	s31 =	sand.u32 $0x3FFFFF00, s0;
	[tilespmem:s6+$0xFFFFFF70] =	vst v1  }
0x267: {  	s23 =	simm.s32 $0x0;
	s19 =	sor.u32 $0x1, s15;
	s0 =	sadd.s32 $0x100, s31;
	[tilespmem:s6+$0x70] =	vst v2  }
0x268: {  	[tilespmem:s18], [sflag:$0x1] =	stream.indirect.gather [hbm4b:s1+s17], $0x80, s0, s17, $0xb8;
	v63 =	vld [tilespmem:$0x0]  }
0x269: {  	v1 =	vmov s23;
	s6 =	simm.s32 $0x1;
	s0 =	sshll.u32 s19, $0x7  }
0x26a: {  	s15 =	simm.s32 $0x3;
	s7 =	sadd.s32 $0x4000, s31;
	v1 =	vand.u32 $0x7C, v1;
	v2 =	vmov s6;
	v8 =	vmov s0  }
0x26b: {  	v3 =	vmov s15;
	v2 =	vand.u32 $0x7D, v2;
	[spmem:s2] =	stream.indirect.scatter.add.f32 [tilespmem:s21], [sflag:$0x3], $0x80, s7, s17, $0xb8;
	v1 =	vor.u32 v8, v1;
	v63 =	vld [tilespmem:$0x0]  }
0x26c: {  	v3 =	vand.u32 $0x7F, v3;
	v2 =	vor.u32 v8, v2;
	_ =	swait.ge [sflag:s30], $0x2800;
	v1 =	vbroadcast v1, $0x0  }
0x26d: {  	v3 =	vor.u32 v8, v3;
	v2 =	vbroadcast v2, $0x0;
	[sflag:s30] =	ssyncset.done $0x0  }
0x26e: {  	s19 =	simm.s32 $0x2;
	v3 =	vbroadcast v3, $0x0;
	[sflag:s30] =	ssyncadd.s32 $0xFFFFD800  }
0x26f: {  	v4 =	vmov s19;
	_ =	swait.ge [sflag:s24], $0x2800  }
0x270: {  	v4 =	vand.u32 $0x7E, v4;
	[sflag:s24] =	ssyncset.done $0x0  }
0x271: {  	v4 =	vor.u32 v8, v4;
	[sflag:s24] =	ssyncadd.s32 $0xFFFFD800  }
0x272: {  	v4 =	vbroadcast v4, $0x0;
	v6 =	vld.idx.msk [tilespmem:v1+s16+$0x0], $0xffff  }
0x273: {  	v7 =	vld.idx.msk [tilespmem:v2+s16+$0x0], $0xffff  }
0x274: {  	s15 =	simm.s32 $0xE900;
	v9 =	vld.idx.msk [tilespmem:v3+s16+$0x0], $0xffff  }
0x275: {  	v1 =	vld [tilespmem:s15+$0x80]  }
0x276: {  	v2 =	vld [tilespmem:s15+$0xFFFFFF00]  }
0x277: {  	v3 =	vld [tilespmem:s15+$0xFFFFFF80]  }
0x278: {  	v5 =	vld.idx.msk [tilespmem:v4+s16+$0x0], $0xffff  }
0x279: {  	v4 =	vld [tilespmem:s15+$0x0]  }
0x27a: {  	v1 =	vmul.f32 v1, v9  }
0x27b: {  	s3 =	simm.s32 $0x13900;
	v2 =	vmul.f32 v2, v6  }
0x27c: {  	v3 =	vmul.f32 v3, v7;
	[tilespmem:s3+$0x80] =	vst v1  }
0x27d: {  	[tilespmem:s3+$0xFFFFFF00] =	vst v2;
	v1 =	vld [tilespmem:s15+$0x90]  }
0x27e: {  	v2 =	vmul.f32 v4, v5;
	[tilespmem:s3+$0xFFFFFF80] =	vst v3;
	v4 =	vld [tilespmem:s15+$0xFFFFFF10]  }
0x27f: {  	v3 =	vld [tilespmem:s15+$0xFFFFFF90];
	_ =	sdelay $0x1  }
0x280: {  	[tilespmem:s3+$0x0] =	vst v2  }
0x281: {  	v2 =	vld [tilespmem:s15+$0x10];
	v1 =	vmul.f32 v1, v9  }
0x282: {  	v4 =	vmul.f32 v4, v6  }
0x283: {  	v3 =	vmul.f32 v3, v7;
	[tilespmem:s3+$0x90] =	vst v1  }
0x284: {  	[tilespmem:s3+$0xFFFFFF10] =	vst v4;
	v1 =	vld [tilespmem:s15+$0xA0]  }
0x285: {  	[tilespmem:s3+$0xFFFFFF90] =	vst v3;
	v4 =	vld [tilespmem:s15+$0xFFFFFF20]  }
0x286: {  	v2 =	vmul.f32 v2, v5;
	v3 =	vld [tilespmem:s15+$0xFFFFFFA0];
	_ =	sdelay $0x1  }
0x287: {  	s19 =	simm.s32 $0x6;
	s7 =	simm.s32 $0x5;
	[tilespmem:s3+$0x10] =	vst v2  }
0x288: {  	s23 =	simm.s32 $0x4;
	v12 =	vmov s19;
	v11 =	vmov s7;
	v10 =	vld [tilespmem:s15+$0x20];
	v1 =	vmul.f32 v1, v9  }
0x289: {  	v11 =	vand.u32 $0x7D, v11;
	v2 =	vmov s23;
	v4 =	vmul.f32 v4, v6  }
0x28a: {  	v11 =	vor.u32 v8, v11;
	v2 =	vand.u32 $0x7C, v2;
	v3 =	vmul.f32 v3, v7;
	[tilespmem:s3+$0xA0] =	vst v1  }
0x28b: {  	v12 =	vand.u32 $0x7E, v12;
	v11 =	vbroadcast v11, $0x0;
	v2 =	vor.u32 v8, v2;
	[tilespmem:s3+$0xFFFFFF20] =	vst v4;
	v4 =	vld [tilespmem:s15+$0xB0]  }
0x28c: {  	v2 =	vbroadcast v2, $0x0;
	v1 =	vor.u32 v8, v12;
	[tilespmem:s3+$0xFFFFFFA0] =	vst v3;
	v13 =	vld [tilespmem:s15+$0xFFFFFF30]  }
0x28d: {  	v10 =	vmul.f32 v10, v5;
	v12 =	vbroadcast v1, $0x0;
	v3 =	vld [tilespmem:s15+$0xFFFFFFB0]  }
0x28e: {  	s23 =	simm.s32 $0x7  }
0x28f: {  	v1 =	vmov s23;
	[tilespmem:s3+$0x20] =	vst v10  }
0x290: {  	v1 =	vand.u32 $0x7F, v1;
	v10 =	vld [tilespmem:s15+$0x30];
	v15 =	vmul.f32 v4, v9  }
0x291: {  	v14 =	vor.u32 v8, v1;
	v4 =	vld.idx.msk [tilespmem:v11+s16+$0x0], $0xffff;
	v11 =	vmul.f32 v13, v6  }
0x292: {  	v1 =	vld.idx.msk [tilespmem:v2+s16+$0x0], $0xffff;
	v14 =	vbroadcast v14, $0x0;
	v3 =	vmul.f32 v3, v7;
	[tilespmem:s3+$0xB0] =	vst v15  }
0x293: {  	v2 =	vld.idx.msk [tilespmem:v12+s16+$0x0], $0xffff;
	[tilespmem:s3+$0xFFFFFF30] =	vst v11  }
0x294: {  	[tilespmem:s3+$0xFFFFFFB0] =	vst v3;
	v11 =	vld [tilespmem:s15+$0xC0]  }
0x295: {  	v13 =	vld [tilespmem:s15+$0xFFFFFFC0]  }
0x296: {  	s23 =	simm.s32 $0xEB00;
	v12 =	vld [tilespmem:s15+$0xFFFFFF40]  }
0x297: {  	v15 =	vld [tilespmem:s23+$0xFFFFFF00]  }
0x298: {  	v10 =	vmul.f32 v10, v5;
	v3 =	vld.idx.msk [tilespmem:v14+s16+$0x0], $0xffff  }
0x299: {  	v14 =	vld [tilespmem:s23+$0x80];
	v11 =	vmul.f32 v11, v9  }
0x29a: {  	v17 =	vld [tilespmem:s23+$0x0];
	[tilespmem:s3+$0x30] =	vst v10;
	v13 =	vmul.f32 v13, v7  }
0x29b: {  	v16 =	vld [tilespmem:s23+$0xFFFFFF80];
	v10 =	vmul.f32 v12, v6;
	[tilespmem:s3+$0xC0] =	vst v11  }
0x29c: {  	[tilespmem:s3+$0xFFFFFFC0] =	vst v13;
	v13 =	vld [tilespmem:s15+$0x40]  }
0x29d: {  	[tilespmem:s3+$0xFFFFFF40] =	vst v10;
	v10 =	vmul.f32 v15, v1;
	v11 =	vld [tilespmem:s15+$0xD0]  }
0x29e: {  	s19 =	simm.s32 $0x13B00;
	v12 =	vmul.f32 v14, v3;
	v14 =	vld [tilespmem:s15+$0xFFFFFFD0]  }
0x29f: {  	[tilespmem:s19+$0xFFFFFF00] =	vst v10;
	v10 =	vmul.f32 v17, v2  }
0x2a0: {  	v15 =	vmul.f32 v16, v4;
	[tilespmem:s19+$0x80] =	vst v12;
	v12 =	vld [tilespmem:s15+$0xFFFFFF50]  }
0x2a1: {  	v16 =	vld [tilespmem:s23+$0x90];
	[tilespmem:s19+$0x0] =	vst v10;
	v10 =	vmul.f32 v13, v5  }
0x2a2: {  	[tilespmem:s19+$0xFFFFFF80] =	vst v15;
	v17 =	vld [tilespmem:s23+$0xFFFFFF10];
	v11 =	vmul.f32 v11, v9  }
0x2a3: {  	v15 =	vld [tilespmem:s23+$0xFFFFFF90];
	v14 =	vmul.f32 v14, v7;
	[tilespmem:s3+$0x40] =	vst v10  }
0x2a4: {  	v13 =	vld [tilespmem:s23+$0x10];
	[tilespmem:s3+$0xD0] =	vst v11  }
0x2a5: {  	v11 =	vmul.f32 v12, v6;
	[tilespmem:s3+$0xFFFFFFD0] =	vst v14;
	v14 =	vld [tilespmem:s15+$0x50]  }
0x2a6: {  	v12 =	vmul.f32 v16, v3;
	v10 =	vld [tilespmem:s15+$0xE0]  }
0x2a7: {  	v16 =	vmul.f32 v17, v1;
	[tilespmem:s3+$0xFFFFFF50] =	vst v11;
	v11 =	vld [tilespmem:s15+$0xFFFFFFE0]  }
0x2a8: {  	[tilespmem:s19+$0x90] =	vst v12;
	v12 =	vld [tilespmem:s15+$0xFFFFFF60]  }
0x2a9: {  	v15 =	vmul.f32 v15, v4;
	[tilespmem:s19+$0xFFFFFF10] =	vst v16;
	v16 =	vld [tilespmem:s23+$0xA0]  }
0x2aa: {  	v13 =	vmul.f32 v13, v2;
	v17 =	vld [tilespmem:s23+$0xFFFFFF20]  }
0x2ab: {  	[tilespmem:s19+$0xFFFFFF90] =	vst v15;
	v10 =	vmul.f32 v10, v9  }
0x2ac: {  	s7 =	simm.s32 $0x8;
	v15 =	vld [tilespmem:s23+$0xFFFFFFA0];
	[tilespmem:s19+$0x10] =	vst v13;
	v13 =	vmul.f32 v14, v5  }
0x2ad: {  	v14 =	vmov s7;
	s7 =	simm.s32 $0x9;
	v18 =	vld [tilespmem:s23+$0x20];
	v11 =	vmul.f32 v11, v7;
	[tilespmem:s3+$0xE0] =	vst v10  }
0x2ae: {  	[tilespmem:s3+$0x50] =	vst v13;
	v10 =	vand.u32 $0x7C, v14;
	v14 =	vmov s7;
	v12 =	vmul.f32 v12, v6;
	v19 =	vld [tilespmem:s15+$0xF0]  }
0x2af: {  	s7 =	simm.s32 $0xA;
	v16 =	vmul.f32 v16, v3;
	v13 =	vld [tilespmem:s15+$0x60];
	v17 =	vmul.f32 v17, v1;
	v10 =	vor.u32 v8, v10;
	[tilespmem:s3+$0xFFFFFFE0] =	vst v11  }
0x2b0: {  	v20 =	vmov s7;
	v11 =	vand.u32 $0x7D, v14;
	v10 =	vbroadcast v10, $0x0;
	[tilespmem:s3+$0xFFFFFF60] =	vst v12;
	v14 =	vld [tilespmem:s15+$0xFFFFFFF0]  }
0x2b1: {  	v11 =	vor.u32 v8, v11;
	v12 =	vand.u32 $0x7E, v20;
	v20 =	vmul.f32 v15, v4;
	[tilespmem:s19+$0xA0] =	vst v16;
	v15 =	vld [tilespmem:s15+$0xFFFFFF70]  }
0x2b2: {  	[tilespmem:s19+$0xFFFFFF20] =	vst v17;
	v17 =	vmul.f32 v18, v2;
	v11 =	vbroadcast v11, $0x0;
	v12 =	vor.u32 v8, v12;
	v16 =	vld [tilespmem:s23+$0xB0]  }
0x2b3: {  	s6 =	simm.s32 $0xC;
	s7 =	simm.s32 $0xB;
	v18 =	vbroadcast v12, $0x0;
	v12 =	vld [tilespmem:s23+$0xFFFFFF30];
	[tilespmem:s19+$0xFFFFFFA0] =	vst v20;
	v19 =	vmul.f32 v19, v9  }
.LBB2_11:
0x2b4: {  	p0 =	slt.u32 s6, $0x4C;
	v9 =	vmov s7;
	v20 =	vld [tilespmem:s23+$0xFFFFFFB0];
	[tilespmem:s19+$0x20] =	vst v17;
	v13 =	vmul.f32 v13, v5  }
0x2b5: {  	v9 =	vand.u32 $0x7F, v9;
	v17 =	vld [tilespmem:s23+$0x30];
	v14 =	vmul.f32 v14, v7;
	[tilespmem:s3+$0xF0] =	vst v19;
	v7 =	vmov v4  }
0x2b6: {  	v4 =	vor.u32 v8, v9;
	v9 =	vmul.f32 v15, v6;
	[tilespmem:s3+$0x60] =	vst v13;
	v6 =	vmov v1;
	v1 =	vld.idx.msk [tilespmem:v10+s16+$0x0], $0xffff  }
0x2b7: {  	v10 =	vbroadcast v4, $0x0;
	v13 =	vmul.f32 v16, v3;
	[tilespmem:s3+$0xFFFFFFF0] =	vst v14;
	v14 =	vld [tilespmem:s15+$0x70];
	s15 =	smov.u32 s23  }
0x2b8: {  	v4 =	vld.idx.msk [tilespmem:v11+s16+$0x0], $0xffff;
	v11 =	vmul.f32 v12, v6;
	[tilespmem:s3+$0xFFFFFF70] =	vst v9  }
0x2b9: {  	v9 =	vld.idx.msk [tilespmem:v18+s16+$0x0], $0xffff;
	v12 =	vmul.f32 v20, v7;
	[tilespmem:s19+$0xB0] =	vst v13  }
0x2ba: {  	[tilespmem:s19+$0xFFFFFF30] =	vst v11;
	v11 =	vmul.f32 v17, v2;
	v13 =	vld [tilespmem:s23+$0xC0]  }
0x2bb: {  	v15 =	vld [tilespmem:s23+$0xFFFFFF40];
	[tilespmem:s19+$0xFFFFFFB0] =	vst v12  }
0x2bc: {  	v12 =	vld [tilespmem:s23+$0xFFFFFFC0];
	[tilespmem:s19+$0x30] =	vst v11;
	v11 =	vmul.f32 v14, v5;
	v5 =	vmov v2  }
0x2bd: {  	s23 =	sadd.s32 $0x200, s23;
	v20 =	vld.idx.msk [tilespmem:v10+s16+$0x0], $0xffff  }
0x2be: {  	v10 =	vld [tilespmem:s23+$0x80];
	[tilespmem:s3+$0x70] =	vst v11;
	s3 =	smov.u32 s19  }
0x2bf: {  	v2 =	vmov v9;
	v11 =	vld [tilespmem:s23+$0xFFFFFF00];
	v13 =	vmul.f32 v13, v3  }
0x2c0: {  	v9 =	vld [tilespmem:s23+$0xFFFFFF80];
	v14 =	vmul.f32 v15, v6  }
0x2c1: {  	v15 =	vld [tilespmem:s23+$0x0];
	v12 =	vmul.f32 v12, v7;
	[tilespmem:s19+$0xC0] =	vst v13  }
0x2c2: {  	[tilespmem:s19+$0xFFFFFF40] =	vst v14;
	v13 =	vld [tilespmem:s15+$0xD0]  }
0x2c3: {  	v10 =	vmul.f32 v10, v20;
	[tilespmem:s19+$0xFFFFFFC0] =	vst v12;
	v12 =	vld [tilespmem:s15+$0x40]  }
0x2c4: {  	s19 =	sadd.s32 $0x200, s19;
	v11 =	vmul.f32 v11, v1;
	v14 =	vld [tilespmem:s15+$0xFFFFFFD0]  }
0x2c5: {  	v9 =	vmul.f32 v9, v4;
	[tilespmem:s19+$0x80] =	vst v10;
	v10 =	vld [tilespmem:s15+$0xFFFFFF50]  }
0x2c6: {  	[tilespmem:s19+$0xFFFFFF00] =	vst v11;
	v11 =	vmul.f32 v15, v2;
	v15 =	vld [tilespmem:s23+$0x90]  }
0x2c7: {  	v16 =	vld [tilespmem:s23+$0xFFFFFF10];
	[tilespmem:s19+$0xFFFFFF80] =	vst v9;
	v9 =	vmul.f32 v13, v3  }
0x2c8: {  	v13 =	vld [tilespmem:s23+$0xFFFFFF90];
	[tilespmem:s19+$0x0] =	vst v11;
	v11 =	vmul.f32 v12, v5  }
0x2c9: {  	v12 =	vld [tilespmem:s23+$0x10];
	v14 =	vmul.f32 v14, v7;
	[tilespmem:s3+$0xD0] =	vst v9  }
0x2ca: {  	v9 =	vmul.f32 v10, v6;
	[tilespmem:s3+$0x40] =	vst v11;
	v10 =	vld [tilespmem:s15+$0xE0]  }
0x2cb: {  	v11 =	vmul.f32 v15, v20;
	[tilespmem:s3+$0xFFFFFFD0] =	vst v14;
	v14 =	vld [tilespmem:s15+$0x50]  }
0x2cc: {  	v15 =	vmul.f32 v16, v1;
	[tilespmem:s3+$0xFFFFFF50] =	vst v9;
	v9 =	vld [tilespmem:s15+$0xFFFFFFE0]  }
0x2cd: {  	v13 =	vmul.f32 v13, v4;
	[tilespmem:s19+$0x90] =	vst v11;
	v11 =	vld [tilespmem:s15+$0xFFFFFF60]  }
0x2ce: {  	[tilespmem:s19+$0xFFFFFF10] =	vst v15;
	v12 =	vmul.f32 v12, v2;
	v15 =	vld [tilespmem:s23+$0xA0]  }
0x2cf: {  	v16 =	vld [tilespmem:s23+$0xFFFFFF20];
	[tilespmem:s19+$0xFFFFFF90] =	vst v13;
	v10 =	vmul.f32 v10, v3  }
0x2d0: {  	v17 =	vld [tilespmem:s23+$0xFFFFFFA0];
	[tilespmem:s19+$0x10] =	vst v12;
	v12 =	vmul.f32 v14, v5  }
0x2d1: {  	s7 =	sadd.s32 $0x1, s6;
	v13 =	vmov s6;
	v18 =	vld [tilespmem:s23+$0x20];
	v9 =	vmul.f32 v9, v7;
	[tilespmem:s3+$0xE0] =	vst v10  }
0x2d2: {  	v14 =	vmov s7;
	s7 =	sadd.s32 $0x2, s6;
	v10 =	vand.u32 $0x7C, v13;
	v11 =	vmul.f32 v11, v6;
	[tilespmem:s3+$0x50] =	vst v12;
	v19 =	vld [tilespmem:s15+$0xF0]  }
.Ltmp4:
0x2d3: {  	v10 =	vor.u32 v8, v10;
	v12 =	vmov s7;
	v15 =	vmul.f32 v15, v20;
	[tilespmem:s3+$0xFFFFFFE0] =	vst v9;
	v13 =	vld [tilespmem:s15+$0x60];
	(pc) =	sbr.rel @p0 .LBB2_11-.Ltmp4, $4  }
0x2d4: {  	v10 =	vbroadcast v10, $0x0;
	v9 =	vand.u32 $0x7D, v14;
	v16 =	vmul.f32 v16, v1;
	[tilespmem:s3+$0xFFFFFF60] =	vst v11;
	v14 =	vld [tilespmem:s15+$0xFFFFFFF0]  }
0x2d5: {  	v12 =	vand.u32 $0x7E, v12;
	v9 =	vor.u32 v8, v9;
	v21 =	vmul.f32 v17, v4;
	[tilespmem:s19+$0xA0] =	vst v15;
	v15 =	vld [tilespmem:s15+$0xFFFFFF70]  }
0x2d6: {  	v11 =	vbroadcast v9, $0x0;
	v9 =	vor.u32 v8, v12;
	[tilespmem:s19+$0xFFFFFF20] =	vst v16;
	v17 =	vmul.f32 v18, v2;
	v16 =	vld [tilespmem:s23+$0xB0]  }
0x2d7: {  	s7 =	sadd.s32 $0x3, s6;
	s6 =	sadd.s32 $0x4, s6;
	v18 =	vbroadcast v9, $0x0;
	v12 =	vld [tilespmem:s23+$0xFFFFFF30];
	[tilespmem:s19+$0xFFFFFFA0] =	vst v21;
	v19 =	vmul.f32 v19, v3;
	v3 =	vmov v20  }
0x2d8: {  	v9 =	vmov s7  }
0x2d9: {  	v9 =	vand.u32 $0x7F, v9  }
0x2da: {  	v8 =	vor.u32 v8, v9  }
0x2db: {  	s7 =	sadd.s32 $0x200, s23;
	v20 =	vbroadcast v8, $0x0  }
0x2dc: {  	v33 =	vld [tilespmem:s7+$0x80]  }
0x2dd: {  	v34 =	vld [tilespmem:s7+$0xFFFFFF80]  }
0x2de: {  	v22 =	vld [tilespmem:s7+$0x0]  }
0x2df: {  	v8 =	vld.idx.msk [tilespmem:v10+s16+$0x0], $0xffff  }
0x2e0: {  	v10 =	vld.idx.msk [tilespmem:v11+s16+$0x0], $0xffff  }
0x2e1: {  	v11 =	vld.idx.msk [tilespmem:v20+s16+$0x0], $0xffff  }
0x2e2: {  	v9 =	vld.idx.msk [tilespmem:v18+s16+$0x0], $0xffff  }
0x2e3: {  	v21 =	vld [tilespmem:s7+$0xFFFFFF00];
	_ =	sdelay $0x1  }
0x2e4: {  	v20 =	vmul.f32 v34, v10  }
0x2e5: {  	s6 =	sadd.s32 $0x200, s19;
	v18 =	vmul.f32 v33, v11  }
0x2e6: {  	v35 =	vmul.f32 v22, v9;
	[tilespmem:s6+$0xFFFFFF80] =	vst v20  }
0x2e7: {  	v21 =	vmul.f32 v21, v8;
	v20 =	vld [tilespmem:s7+$0xFFFFFF90];
	[tilespmem:s6+$0x80] =	vst v18  }
0x2e8: {  	[tilespmem:s6+$0x0] =	vst v35;
	v36 =	vld [tilespmem:s7+$0x90]  }
0x2e9: {  	[tilespmem:s6+$0xFFFFFF00] =	vst v21;
	v18 =	vld [tilespmem:s7+$0x10]  }
0x2ea: {  	v21 =	vld [tilespmem:s7+$0xFFFFFF10]  }
0x2eb: {  	[tilespmem:s19+$0x20] =	vst v17;
	v13 =	vmul.f32 v13, v5  }
0x2ec: {  	[tilespmem:s3+$0xF0] =	vst v19;
	v38 =	vmul.f32 v20, v10  }
0x2ed: {  	[tilespmem:s3+$0x60] =	vst v13;
	v37 =	vmul.f32 v36, v11  }
0x2ee: {  	[tilespmem:s6+$0xFFFFFF90] =	vst v38;
	v40 =	vmul.f32 v18, v9  }
0x2ef: {  	v39 =	vmul.f32 v21, v8;
	v19 =	vld [tilespmem:s7+$0xFFFFFFA0];
	[tilespmem:s6+$0x90] =	vst v37  }
0x2f0: {  	v7 =	vmul.f32 v14, v7;
	[tilespmem:s6+$0x10] =	vst v40;
	v41 =	vld [tilespmem:s7+$0xA0]  }
0x2f1: {  	v6 =	vmul.f32 v15, v6;
	[tilespmem:s6+$0xFFFFFF10] =	vst v39;
	v43 =	vld [tilespmem:s7+$0x20]  }
0x2f2: {  	v44 =	vmul.f32 v16, v3;
	[tilespmem:s3+$0xFFFFFFF0] =	vst v7;
	v42 =	vld [tilespmem:s7+$0xFFFFFF20]  }
0x2f3: {  	v45 =	vld [tilespmem:s23+$0xFFFFFFB0];
	[tilespmem:s3+$0xFFFFFF70] =	vst v6;
	v12 =	vmul.f32 v12, v1  }
0x2f4: {  	v47 =	vld [tilespmem:s23+$0x30];
	[tilespmem:s19+$0xB0] =	vst v44;
	v48 =	vmul.f32 v19, v10  }
0x2f5: {  	[tilespmem:s19+$0xFFFFFF30] =	vst v12;
	v56 =	vld [tilespmem:s23+$0xC0];
	v46 =	vmul.f32 v41, v11  }
0x2f6: {  	v49 =	vld [tilespmem:s15+$0x70];
	[tilespmem:s6+$0xFFFFFFA0] =	vst v48;
	v50 =	vmul.f32 v43, v9  }
0x2f7: {  	v14 =	vmul.f32 v42, v8;
	v52 =	vld [tilespmem:s7+$0xFFFFFFB0];
	[tilespmem:s6+$0xA0] =	vst v46  }
0x2f8: {  	v7 =	vmul.f32 v45, v4;
	[tilespmem:s6+$0x20] =	vst v50;
	v51 =	vld [tilespmem:s7+$0xB0]  }
0x2f9: {  	v54 =	vmul.f32 v47, v2;
	[tilespmem:s6+$0xFFFFFF20] =	vst v14;
	v55 =	vld [tilespmem:s7+$0x30]  }
0x2fa: {  	[tilespmem:s19+$0xFFFFFFB0] =	vst v7;
	v21 =	vmul.f32 v56, v3;
	v53 =	vld [tilespmem:s7+$0xFFFFFF30]  }
0x2fb: {  	v59 =	vld [tilespmem:s23+$0xFFFFFF40];
	v57 =	vmul.f32 v49, v5;
	[tilespmem:s19+$0x30] =	vst v54  }
0x2fc: {  	v61 =	vld [tilespmem:s23+$0x40];
	[tilespmem:s19+$0xC0] =	vst v21;
	v60 =	vmul.f32 v52, v10  }
0x2fd: {  	[tilespmem:s3+$0x70] =	vst v57;
	v26 =	vld [tilespmem:s23+$0xD0];
	v58 =	vmul.f32 v51, v11  }
0x2fe: {  	v7 =	vld [tilespmem:s23+$0xFFFFFFC0];
	[tilespmem:s6+$0xFFFFFFB0] =	vst v60;
	v62 =	vmul.f32 v55, v9  }
0x2ff: {  	v15 =	vmul.f32 v53, v8;
	v22 =	vld [tilespmem:s7+$0xFFFFFFC0];
	[tilespmem:s6+$0xB0] =	vst v58  }
0x300: {  	v24 =	vmul.f32 v59, v1;
	[tilespmem:s6+$0x30] =	vst v62;
	v20 =	vld [tilespmem:s7+$0xC0]  }
0x301: {  	v27 =	vmul.f32 v61, v2;
	[tilespmem:s6+$0xFFFFFF30] =	vst v15;
	v25 =	vld [tilespmem:s7+$0x40]  }
0x302: {  	[tilespmem:s19+$0xFFFFFF40] =	vst v24;
	v32 =	vmul.f32 v26, v3;
	v23 =	vld [tilespmem:s7+$0xFFFFFF40]  }
0x303: {  	v7 =	vmul.f32 v7, v4;
	v29 =	vld [tilespmem:s23+$0xFFFFFF50];
	[tilespmem:s19+$0x40] =	vst v27  }
0x304: {  	v31 =	vld [tilespmem:s23+$0x50];
	[tilespmem:s19+$0xD0] =	vst v32;
	v30 =	vmul.f32 v22, v10  }
0x305: {  	[tilespmem:s19+$0xFFFFFFC0] =	vst v7;
	v36 =	vld [tilespmem:s23+$0xE0];
	v12 =	vmul.f32 v20, v11  }
0x306: {  	v28 =	vld [tilespmem:s23+$0xFFFFFFD0];
	[tilespmem:s6+$0xFFFFFFC0] =	vst v30;
	v5 =	vmul.f32 v25, v9  }
0x307: {  	v16 =	vmul.f32 v23, v8;
	v33 =	vld [tilespmem:s7+$0xFFFFFFD0];
	[tilespmem:s6+$0xC0] =	vst v12  }
0x308: {  	v34 =	vmul.f32 v29, v1;
	[tilespmem:s6+$0x40] =	vst v5;
	v12 =	vld [tilespmem:s7+$0xD0]  }
0x309: {  	v37 =	vmul.f32 v31, v2;
	[tilespmem:s6+$0xFFFFFF40] =	vst v16;
	v35 =	vld [tilespmem:s7+$0x50]  }
0x30a: {  	[tilespmem:s19+$0xFFFFFF50] =	vst v34;
	v45 =	vmul.f32 v36, v3;
	v16 =	vld [tilespmem:s7+$0xFFFFFF50]  }
0x30b: {  	v6 =	vmul.f32 v28, v4;
	v39 =	vld [tilespmem:s23+$0xFFFFFF60];
	[tilespmem:s19+$0x50] =	vst v37  }
0x30c: {  	v41 =	vld [tilespmem:s23+$0x60];
	[tilespmem:s19+$0xE0] =	vst v45;
	v40 =	vmul.f32 v33, v10  }
0x30d: {  	[tilespmem:s19+$0xFFFFFFD0] =	vst v6;
	v50 =	vld [tilespmem:s23+$0xF0];
	v12 =	vmul.f32 v12, v11  }
0x30e: {  	v38 =	vld [tilespmem:s23+$0xFFFFFFE0];
	[tilespmem:s6+$0xFFFFFFD0] =	vst v40;
	v44 =	vmul.f32 v35, v9  }
0x30f: {  	v42 =	vmul.f32 v16, v8;
	v46 =	vld [tilespmem:s7+$0xFFFFFFE0];
	[tilespmem:s6+$0xD0] =	vst v12  }
0x310: {  	v48 =	vmul.f32 v39, v1;
	[tilespmem:s6+$0x50] =	vst v44;
	v43 =	vld [tilespmem:s7+$0xE0]  }
0x311: {  	v51 =	vmul.f32 v41, v2;
	[tilespmem:s6+$0xFFFFFF50] =	vst v42;
	v49 =	vld [tilespmem:s7+$0x60]  }
0x312: {  	[tilespmem:s19+$0xFFFFFF60] =	vst v48;
	v3 =	vmul.f32 v50, v3;
	v47 =	vld [tilespmem:s7+$0xFFFFFF60]  }
0x313: {  	[tilespmem:s19+$0x60] =	vst v51;
	v5 =	vmul.f32 v38, v4  }
0x314: {  	v54 =	vld [tilespmem:s23+$0xFFFFFF70];
	[tilespmem:s19+$0xF0] =	vst v3;
	v55 =	vmul.f32 v46, v10  }
0x315: {  	v56 =	vld [tilespmem:s23+$0x70];
	[tilespmem:s19+$0xFFFFFFE0] =	vst v5;
	v53 =	vmul.f32 v43, v11  }
0x316: {  	v52 =	vld [tilespmem:s23+$0xFFFFFFF0];
	[tilespmem:s6+$0xFFFFFFE0] =	vst v55;
	v59 =	vmul.f32 v49, v9  }
0x317: {  	v57 =	vmul.f32 v47, v8;
	v60 =	vld [tilespmem:s7+$0xFFFFFFF0];
	[tilespmem:s6+$0xE0] =	vst v53  }
0x318: {  	[tilespmem:s6+$0x60] =	vst v59;
	v58 =	vld [tilespmem:s7+$0xF0]  }
0x319: {  	v1 =	vmul.f32 v54, v1;
	[tilespmem:s6+$0xFFFFFF60] =	vst v57;
	v3 =	vld [tilespmem:s7+$0x70]  }
0x31a: {  	v2 =	vmul.f32 v56, v2;
	v62 =	vld [tilespmem:s7+$0xFFFFFF70]  }
0x31b: {  	[tilespmem:s19+$0xFFFFFF70] =	vst v1;
	v61 =	vmul.f32 v52, v4  }
0x31c: {  	[tilespmem:s19+$0x70] =	vst v2;
	v2 =	vmul.f32 v60, v10  }
0x31d: {  	[tilespmem:s19+$0xFFFFFFF0] =	vst v61;
	v1 =	vmul.f32 v58, v11  }
0x31e: {  	s26 =	sadd.s32 $0x1, s26;
	[tilespmem:s6+$0xFFFFFFF0] =	vst v2;
	v2 =	vmul.f32 v3, v9  }
0x31f: {  	p0 =	sne.s32 s26, $0x3D;
	[tilespmem:s6+$0xF0] =	vst v1;
	v1 =	vmul.f32 v62, v8  }
.Ltmp5:
0x320: {  	[tilespmem:s6+$0x70] =	vst v2;
	(pc) =	sbr.rel @p0 .LBB2_8-.Ltmp5, $4  }
0x321: {  	s31 =	sadd.s32 $0x180, s31;
	s0 =	sand.u32 $0x3FFFFF80, s0;
	[tilespmem:s6+$0xFFFFFF70] =	vst v1  }
0x322: {  	[tilespmem:s20], [sflag:$0x2] =	stream.indirect.gather [hbm4b:s1+s17], $0x80, s31, s17, $0xb8;
	v63 =	vld [tilespmem:$0x0]  }
0x323: {  	s0 =	sadd.s32 $0x4000, s0  }
0x324: {  	[spmem:s2] =	stream.indirect.scatter.add.f32 [tilespmem:s28], [sflag:$0x4], $0x80, s0, s17, $0xb8;
	v63 =	vld [tilespmem:$0x0]  }
0x325: {  	s0 =	simm.s32 $0x0  }
0x326: {  	s26 =	simm.s32 $0x1;
	v1 =	vmov s0  }
0x327: {  	s31 =	simm.s32 $0x3;
	v2 =	vmov s26;
	v1 =	vand.u32 $0x7C, v1  }
0x328: {  	v3 =	vmov s31;
	v2 =	vand.u32 $0x7D, v2;
	v1 =	vor.u32 $0x3D00, v1  }
0x329: {  	_ =	swait.ge [sflag:s29], $0x2800;
	v3 =	vand.u32 $0x7F, v3;
	v2 =	vor.u32 $0x3D00, v2;
	v1 =	vbroadcast v1, $0x0  }
0x32a: {  	[sflag:s29] =	ssyncset.done $0x0;
	v3 =	vor.u32 $0x3D00, v3;
	v2 =	vbroadcast v2, $0x0  }
0x32b: {  	s3 =	simm.s32 $0x2;
	[sflag:s29] =	ssyncadd.s32 $0xFFFFD800;
	v3 =	vbroadcast v3, $0x0  }
0x32c: {  	v4 =	vmov s3;
	_ =	swait.ge [sflag:s22], $0x2800  }
0x32d: {  	v4 =	vand.u32 $0x7E, v4;
	[sflag:s22] =	ssyncset.done $0x0  }
0x32e: {  	v4 =	vor.u32 $0x3D00, v4;
	[sflag:s22] =	ssyncadd.s32 $0xFFFFD800  }
0x32f: {  	v4 =	vbroadcast v4, $0x0;
	v6 =	vld.idx.msk [tilespmem:v1+s16+$0x0], $0xffff  }
0x330: {  	v7 =	vld.idx.msk [tilespmem:v2+s16+$0x0], $0xffff  }
0x331: {  	s15 =	simm.s32 $0xC100;
	v8 =	vld.idx.msk [tilespmem:v3+s16+$0x0], $0xffff  }
0x332: {  	v1 =	vld [tilespmem:s15+$0x80]  }
0x333: {  	v2 =	vld [tilespmem:s15+$0xFFFFFF00]  }
0x334: {  	v3 =	vld [tilespmem:s15+$0xFFFFFF80]  }
0x335: {  	v5 =	vld.idx.msk [tilespmem:v4+s16+$0x0], $0xffff  }
0x336: {  	v4 =	vld [tilespmem:s15+$0x0]  }
0x337: {  	v1 =	vmul.f32 v1, v8  }
0x338: {  	s3 =	simm.s32 $0x11100;
	v2 =	vmul.f32 v2, v6  }
0x339: {  	v3 =	vmul.f32 v3, v7;
	[tilespmem:s3+$0x80] =	vst v1  }
0x33a: {  	[tilespmem:s3+$0xFFFFFF00] =	vst v2;
	v1 =	vld [tilespmem:s15+$0x90]  }
0x33b: {  	v2 =	vmul.f32 v4, v5;
	[tilespmem:s3+$0xFFFFFF80] =	vst v3;
	v4 =	vld [tilespmem:s15+$0xFFFFFF10]  }
0x33c: {  	v3 =	vld [tilespmem:s15+$0xFFFFFF90]  }
0x33d: {  	[tilespmem:s3+$0x0] =	vst v2  }
0x33e: {  	v2 =	vld [tilespmem:s15+$0x10]  }
0x33f: {  	v1 =	vmul.f32 v1, v8  }
0x340: {  	v4 =	vmul.f32 v4, v6  }
0x341: {  	v3 =	vmul.f32 v3, v7;
	[tilespmem:s3+$0x90] =	vst v1  }
0x342: {  	[tilespmem:s3+$0xFFFFFF10] =	vst v4;
	v1 =	vld [tilespmem:s15+$0xA0]  }
0x343: {  	v2 =	vmul.f32 v2, v5;
	[tilespmem:s3+$0xFFFFFF90] =	vst v3;
	v4 =	vld [tilespmem:s15+$0xFFFFFF20]  }
0x344: {  	v3 =	vld [tilespmem:s15+$0xFFFFFFA0]  }
0x345: {  	s6 =	simm.s32 $0x4;
	s7 =	simm.s32 $0x5;
	s19 =	simm.s32 $0x6;
	[tilespmem:s3+$0x10] =	vst v2  }
0x346: {  	v10 =	vmov s7;
	v11 =	vmov s19;
	v2 =	vmov s6;
	v9 =	vld [tilespmem:s15+$0x20]  }
0x347: {  	v10 =	vand.u32 $0x7D, v10;
	v2 =	vand.u32 $0x7C, v2;
	v1 =	vmul.f32 v1, v8  }
0x348: {  	v11 =	vand.u32 $0x7E, v11;
	v2 =	vor.u32 $0x3D00, v2;
	v4 =	vmul.f32 v4, v6  }
0x349: {  	v10 =	vor.u32 $0x3D00, v10;
	v2 =	vbroadcast v2, $0x0;
	v3 =	vmul.f32 v3, v7;
	[tilespmem:s3+$0xA0] =	vst v1  }
0x34a: {  	v10 =	vbroadcast v10, $0x0;
	v1 =	vor.u32 $0x3D00, v11;
	[tilespmem:s3+$0xFFFFFF20] =	vst v4;
	v4 =	vld [tilespmem:s15+$0xB0]  }
0x34b: {  	s23 =	simm.s32 $0x7;
	v9 =	vmul.f32 v9, v5;
	[tilespmem:s3+$0xFFFFFFA0] =	vst v3;
	v11 =	vbroadcast v1, $0x0;
	v12 =	vld [tilespmem:s15+$0xFFFFFF30]  }
0x34c: {  	v1 =	vmov s23;
	v3 =	vld [tilespmem:s15+$0xFFFFFFB0]  }
0x34d: {  	[tilespmem:s3+$0x20] =	vst v9;
	v1 =	vand.u32 $0x7F, v1  }
0x34e: {  	v9 =	vld [tilespmem:s15+$0x30];
	v13 =	vor.u32 $0x3D00, v1  }
0x34f: {  	v1 =	vld.idx.msk [tilespmem:v2+s16+$0x0], $0xffff;
	v13 =	vbroadcast v13, $0x0;
	v14 =	vmul.f32 v4, v8  }
0x350: {  	v4 =	vld.idx.msk [tilespmem:v10+s16+$0x0], $0xffff;
	v10 =	vmul.f32 v12, v6  }
0x351: {  	v3 =	vmul.f32 v3, v7;
	v2 =	vld.idx.msk [tilespmem:v11+s16+$0x0], $0xffff;
	[tilespmem:s3+$0xB0] =	vst v14  }
0x352: {  	[tilespmem:s3+$0xFFFFFF30] =	vst v10;
	v10 =	vld [tilespmem:s15+$0xC0]  }
0x353: {  	[tilespmem:s3+$0xFFFFFFB0] =	vst v3;
	v11 =	vld [tilespmem:s15+$0xFFFFFF40]  }
0x354: {  	v12 =	vld [tilespmem:s15+$0xFFFFFFC0]  }
0x355: {  	s19 =	simm.s32 $0xC300;
	v3 =	vld.idx.msk [tilespmem:v13+s16+$0x0], $0xffff  }
0x356: {  	v13 =	vld [tilespmem:s19+$0x80]  }
0x357: {  	v14 =	vld [tilespmem:s19+$0xFFFFFF00];
	v10 =	vmul.f32 v10, v8  }
0x358: {  	v15 =	vld [tilespmem:s19+$0xFFFFFF80];
	v9 =	vmul.f32 v9, v5  }
0x359: {  	v16 =	vld [tilespmem:s19+$0x0];
	v12 =	vmul.f32 v12, v7;
	[tilespmem:s3+$0xC0] =	vst v10  }
0x35a: {  	[tilespmem:s3+$0x30] =	vst v9;
	v9 =	vmul.f32 v11, v6;
	v10 =	vld [tilespmem:s15+$0xD0]  }
0x35b: {  	v11 =	vmul.f32 v13, v3;
	[tilespmem:s3+$0xFFFFFFC0] =	vst v12;
	v12 =	vld [tilespmem:s15+$0x40]  }
0x35c: {  	s0 =	simm.s32 $0x11300;
	[tilespmem:s3+$0xFFFFFF40] =	vst v9;
	v9 =	vmul.f32 v14, v1;
	v13 =	vld [tilespmem:s15+$0xFFFFFFD0]  }
0x35d: {  	v14 =	vmul.f32 v15, v4;
	[tilespmem:s0+$0x80] =	vst v11;
	v11 =	vld [tilespmem:s15+$0xFFFFFF50]  }
0x35e: {  	[tilespmem:s0+$0xFFFFFF00] =	vst v9;
	v9 =	vmul.f32 v16, v2;
	v15 =	vld [tilespmem:s19+$0x90]  }
0x35f: {  	[tilespmem:s0+$0xFFFFFF80] =	vst v14;
	v16 =	vld [tilespmem:s19+$0xFFFFFF10];
	v10 =	vmul.f32 v10, v8  }
0x360: {  	v14 =	vld [tilespmem:s19+$0xFFFFFF90];
	[tilespmem:s0+$0x0] =	vst v9;
	v9 =	vmul.f32 v12, v5  }
0x361: {  	v12 =	vld [tilespmem:s19+$0x10];
	v13 =	vmul.f32 v13, v7;
	[tilespmem:s3+$0xD0] =	vst v10  }
0x362: {  	[tilespmem:s3+$0x40] =	vst v9;
	v10 =	vmul.f32 v11, v6;
	v9 =	vld [tilespmem:s15+$0xE0]  }
0x363: {  	v11 =	vmul.f32 v15, v3;
	[tilespmem:s3+$0xFFFFFFD0] =	vst v13;
	v13 =	vld [tilespmem:s15+$0x50]  }
0x364: {  	v15 =	vmul.f32 v16, v1;
	[tilespmem:s3+$0xFFFFFF50] =	vst v10;
	v10 =	vld [tilespmem:s15+$0xFFFFFFE0]  }
0x365: {  	v14 =	vmul.f32 v14, v4;
	[tilespmem:s0+$0x90] =	vst v11;
	v11 =	vld [tilespmem:s15+$0xFFFFFF60]  }
0x366: {  	[tilespmem:s0+$0xFFFFFF10] =	vst v15;
	v12 =	vmul.f32 v12, v2;
	v15 =	vld [tilespmem:s19+$0xA0]  }
0x367: {  	[tilespmem:s0+$0xFFFFFF90] =	vst v14;
	v16 =	vld [tilespmem:s19+$0xFFFFFF20];
	v9 =	vmul.f32 v9, v8  }
0x368: {  	s6 =	simm.s32 $0x8;
	v17 =	vld [tilespmem:s19+$0xFFFFFFA0];
	[tilespmem:s0+$0x10] =	vst v12;
	v12 =	vmul.f32 v13, v5  }
0x369: {  	s26 =	simm.s32 $0x9;
	v13 =	vmov s6;
	v18 =	vld [tilespmem:s19+$0x20];
	v10 =	vmul.f32 v10, v7;
	[tilespmem:s3+$0xE0] =	vst v9  }
0x36a: {  	s31 =	simm.s32 $0xA;
	v14 =	vmov s26;
	[tilespmem:s3+$0x50] =	vst v12;
	v9 =	vand.u32 $0x7C, v13;
	v11 =	vmul.f32 v11, v6;
	v19 =	vld [tilespmem:s15+$0xF0]  }
0x36b: {  	v12 =	vmov s31;
	v15 =	vmul.f32 v15, v3;
	v13 =	vld [tilespmem:s15+$0x60];
	v9 =	vor.u32 $0x3D00, v9;
	[tilespmem:s3+$0xFFFFFFE0] =	vst v10  }
0x36c: {  	v16 =	vmul.f32 v16, v1;
	v10 =	vand.u32 $0x7D, v14;
	v9 =	vbroadcast v9, $0x0;
	[tilespmem:s3+$0xFFFFFF60] =	vst v11;
	v14 =	vld [tilespmem:s15+$0xFFFFFFF0]  }
0x36d: {  	v20 =	vmul.f32 v17, v4;
	v10 =	vor.u32 $0x3D00, v10;
	v11 =	vand.u32 $0x7E, v12;
	[tilespmem:s0+$0xA0] =	vst v15;
	v15 =	vld [tilespmem:s15+$0xFFFFFF70]  }
0x36e: {  	[tilespmem:s0+$0xFFFFFF20] =	vst v16;
	v17 =	vmul.f32 v18, v2;
	v10 =	vbroadcast v10, $0x0;
	v11 =	vor.u32 $0x3D00, v11;
	v16 =	vld [tilespmem:s19+$0xB0]  }
0x36f: {  	s7 =	simm.s32 $0xB;
	s6 =	simm.s32 $0xC;
	[tilespmem:s0+$0xFFFFFFA0] =	vst v20;
	v12 =	vld [tilespmem:s19+$0xFFFFFF30];
	v11 =	vbroadcast v11, $0x0;
	v18 =	vmul.f32 v19, v8  }
.LBB2_14:
0x370: {  	p0 =	slt.u32 s6, $0x4C;
	v8 =	vmov s7;
	v19 =	vld [tilespmem:s19+$0xFFFFFFB0];
	[tilespmem:s0+$0x20] =	vst v17;
	v13 =	vmul.f32 v13, v5  }
0x371: {  	v8 =	vand.u32 $0x7F, v8;
	v17 =	vld [tilespmem:s19+$0x30];
	v14 =	vmul.f32 v14, v7;
	[tilespmem:s3+$0xF0] =	vst v18;
	v7 =	vmov v4  }
0x372: {  	v4 =	vor.u32 $0x3D00, v8;
	v8 =	vmul.f32 v15, v6;
	[tilespmem:s3+$0x60] =	vst v13;
	v6 =	vmov v1;
	v1 =	vld.idx.msk [tilespmem:v9+s16+$0x0], $0xffff  }
0x373: {  	v9 =	vbroadcast v4, $0x0;
	v13 =	vmul.f32 v16, v3;
	[tilespmem:s3+$0xFFFFFFF0] =	vst v14;
	v14 =	vld [tilespmem:s15+$0x70];
	s15 =	smov.u32 s19  }
0x374: {  	v4 =	vld.idx.msk [tilespmem:v10+s16+$0x0], $0xffff;
	v10 =	vmul.f32 v12, v6;
	[tilespmem:s3+$0xFFFFFF70] =	vst v8  }
0x375: {  	v8 =	vld.idx.msk [tilespmem:v11+s16+$0x0], $0xffff;
	v11 =	vmul.f32 v19, v7;
	[tilespmem:s0+$0xB0] =	vst v13  }
0x376: {  	[tilespmem:s0+$0xFFFFFF30] =	vst v10;
	v10 =	vmul.f32 v17, v2;
	v12 =	vld [tilespmem:s19+$0xC0]  }
0x377: {  	v13 =	vld [tilespmem:s19+$0xFFFFFF40];
	[tilespmem:s0+$0xFFFFFFB0] =	vst v11  }
0x378: {  	v11 =	vld [tilespmem:s19+$0xFFFFFFC0];
	[tilespmem:s0+$0x30] =	vst v10;
	v10 =	vmul.f32 v14, v5;
	v5 =	vmov v2  }
0x379: {  	s19 =	sadd.s32 $0x200, s19;
	v19 =	vld.idx.msk [tilespmem:v9+s16+$0x0], $0xffff  }
0x37a: {  	v9 =	vld [tilespmem:s19+$0x80];
	[tilespmem:s3+$0x70] =	vst v10;
	s3 =	smov.u32 s0  }
0x37b: {  	v2 =	vmov v8;
	v10 =	vld [tilespmem:s19+$0xFFFFFF00];
	v12 =	vmul.f32 v12, v3  }
0x37c: {  	v8 =	vld [tilespmem:s19+$0xFFFFFF80];
	v13 =	vmul.f32 v13, v6  }
0x37d: {  	v14 =	vld [tilespmem:s19+$0x0];
	v11 =	vmul.f32 v11, v7;
	[tilespmem:s0+$0xC0] =	vst v12  }
0x37e: {  	[tilespmem:s0+$0xFFFFFF40] =	vst v13;
	v12 =	vld [tilespmem:s15+$0xD0]  }
0x37f: {  	v9 =	vmul.f32 v9, v19;
	[tilespmem:s0+$0xFFFFFFC0] =	vst v11;
	v11 =	vld [tilespmem:s15+$0x40]  }
0x380: {  	s0 =	sadd.s32 $0x200, s0;
	v10 =	vmul.f32 v10, v1;
	v13 =	vld [tilespmem:s15+$0xFFFFFFD0]  }
0x381: {  	v8 =	vmul.f32 v8, v4;
	[tilespmem:s0+$0x80] =	vst v9;
	v9 =	vld [tilespmem:s15+$0xFFFFFF50]  }
0x382: {  	[tilespmem:s0+$0xFFFFFF00] =	vst v10;
	v10 =	vmul.f32 v14, v2;
	v14 =	vld [tilespmem:s19+$0x90]  }
0x383: {  	v15 =	vld [tilespmem:s19+$0xFFFFFF10];
	[tilespmem:s0+$0xFFFFFF80] =	vst v8;
	v8 =	vmul.f32 v12, v3  }
0x384: {  	v12 =	vld [tilespmem:s19+$0xFFFFFF90];
	[tilespmem:s0+$0x0] =	vst v10;
	v10 =	vmul.f32 v11, v5  }
0x385: {  	v11 =	vld [tilespmem:s19+$0x10];
	v13 =	vmul.f32 v13, v7;
	[tilespmem:s3+$0xD0] =	vst v8  }
0x386: {  	v8 =	vmul.f32 v9, v6;
	[tilespmem:s3+$0x40] =	vst v10;
	v9 =	vld [tilespmem:s15+$0xE0]  }
0x387: {  	v10 =	vmul.f32 v14, v19;
	[tilespmem:s3+$0xFFFFFFD0] =	vst v13;
	v13 =	vld [tilespmem:s15+$0x50]  }
0x388: {  	v14 =	vmul.f32 v15, v1;
	[tilespmem:s3+$0xFFFFFF50] =	vst v8;
	v8 =	vld [tilespmem:s15+$0xFFFFFFE0]  }
0x389: {  	v12 =	vmul.f32 v12, v4;
	[tilespmem:s0+$0x90] =	vst v10;
	v10 =	vld [tilespmem:s15+$0xFFFFFF60]  }
0x38a: {  	[tilespmem:s0+$0xFFFFFF10] =	vst v14;
	v11 =	vmul.f32 v11, v2;
	v14 =	vld [tilespmem:s19+$0xA0]  }
0x38b: {  	v15 =	vld [tilespmem:s19+$0xFFFFFF20];
	[tilespmem:s0+$0xFFFFFF90] =	vst v12;
	v9 =	vmul.f32 v9, v3  }
0x38c: {  	v12 =	vld [tilespmem:s19+$0xFFFFFFA0];
	[tilespmem:s0+$0x10] =	vst v11;
	v11 =	vmul.f32 v13, v5  }
0x38d: {  	s7 =	sadd.s32 $0x1, s6;
	v13 =	vmov s6;
	v16 =	vld [tilespmem:s19+$0x20];
	v8 =	vmul.f32 v8, v7;
	[tilespmem:s3+$0xE0] =	vst v9  }
0x38e: {  	v17 =	vmov s7;
	s7 =	sadd.s32 $0x2, s6;
	v9 =	vand.u32 $0x7C, v13;
	v10 =	vmul.f32 v10, v6;
	[tilespmem:s3+$0x50] =	vst v11;
	v18 =	vld [tilespmem:s15+$0xF0]  }
.Ltmp6:
0x38f: {  	v9 =	vor.u32 $0x3D00, v9;
	v11 =	vmov s7;
	v20 =	vmul.f32 v14, v19;
	[tilespmem:s3+$0xFFFFFFE0] =	vst v8;
	v13 =	vld [tilespmem:s15+$0x60];
	(pc) =	sbr.rel @p0 .LBB2_14-.Ltmp6, $4  }
0x390: {  	v9 =	vbroadcast v9, $0x0;
	v8 =	vand.u32 $0x7D, v17;
	v17 =	vmul.f32 v15, v1;
	[tilespmem:s3+$0xFFFFFF60] =	vst v10;
	v14 =	vld [tilespmem:s15+$0xFFFFFFF0]  }
0x391: {  	v11 =	vand.u32 $0x7E, v11;
	v8 =	vor.u32 $0x3D00, v8;
	v21 =	vmul.f32 v12, v4;
	[tilespmem:s0+$0xA0] =	vst v20;
	v15 =	vld [tilespmem:s15+$0xFFFFFF70]  }
0x392: {  	v10 =	vbroadcast v8, $0x0;
	v8 =	vor.u32 $0x3D00, v11;
	[tilespmem:s0+$0xFFFFFF20] =	vst v17;
	v17 =	vmul.f32 v16, v2;
	v16 =	vld [tilespmem:s19+$0xB0]  }
0x393: {  	s7 =	sadd.s32 $0x3, s6;
	s6 =	sadd.s32 $0x4, s6;
	v11 =	vbroadcast v8, $0x0;
	v12 =	vld [tilespmem:s19+$0xFFFFFF30];
	[tilespmem:s0+$0xFFFFFFA0] =	vst v21;
	v18 =	vmul.f32 v18, v3;
	v3 =	vmov v19  }
0x394: {  	v8 =	vmov s7  }
0x395: {  	v8 =	vand.u32 $0x7F, v8  }
0x396: {  	v8 =	vor.u32 $0x3D00, v8  }
0x397: {  	v19 =	vbroadcast v8, $0x0;
	_ =	sdelay $0x2  }
0x398: {  	v10 =	vld.idx.msk [tilespmem:v10+s16+$0x0], $0xffff  }
0x399: {  	v8 =	vld.idx.msk [tilespmem:v9+s16+$0x0], $0xffff  }
0x39a: {  	v9 =	vld.idx.msk [tilespmem:v11+s16+$0x0], $0xffff  }
0x39b: {  	s31 =	sadd.s32 $0x200, s19;
	v11 =	vld.idx.msk [tilespmem:v19+s16+$0x0], $0xffff  }
0x39c: {  	v19 =	vld [tilespmem:s31+$0x80]  }
0x39d: {  	v20 =	vld [tilespmem:s31+$0xFFFFFF80]  }
0x39e: {  	v21 =	vld [tilespmem:s31+$0xFFFFFF00]  }
0x39f: {  	v22 =	vld [tilespmem:s31+$0x0];
	_ =	sdelay $0x1  }
0x3a0: {  	v19 =	vmul.f32 v19, v11  }
0x3a1: {  	s6 =	sadd.s32 $0x200, s0;
	v20 =	vmul.f32 v20, v10  }
0x3a2: {  	v21 =	vmul.f32 v21, v8;
	[tilespmem:s6+$0x80] =	vst v19  }
0x3a3: {  	[tilespmem:s6+$0xFFFFFF80] =	vst v20;
	v19 =	vmul.f32 v22, v9;
	v62 =	vld [tilespmem:s31+$0x90]  }
0x3a4: {  	v20 =	vld [tilespmem:s31+$0xFFFFFF90];
	[tilespmem:s6+$0xFFFFFF00] =	vst v21  }
0x3a5: {  	v21 =	vld [tilespmem:s31+$0xFFFFFF10];
	[tilespmem:s6+$0x0] =	vst v19  }
0x3a6: {  	v19 =	vld [tilespmem:s31+$0x10];
	_ =	sdelay $0x1  }
0x3a7: {  	[tilespmem:s0+$0x20] =	vst v17;
	v17 =	vmul.f32 v62, v11  }
0x3a8: {  	[tilespmem:s3+$0xF0] =	vst v18;
	v18 =	vmul.f32 v20, v10  }
0x3a9: {  	[tilespmem:s6+$0x90] =	vst v17;
	v17 =	vmul.f32 v21, v8  }
0x3aa: {  	[tilespmem:s6+$0xFFFFFF90] =	vst v18;
	v19 =	vmul.f32 v19, v9;
	v18 =	vld [tilespmem:s31+$0xA0]  }
0x3ab: {  	v13 =	vmul.f32 v13, v5;
	[tilespmem:s6+$0xFFFFFF10] =	vst v17;
	v17 =	vld [tilespmem:s31+$0xFFFFFFA0]  }
0x3ac: {  	v7 =	vmul.f32 v14, v7;
	[tilespmem:s6+$0x10] =	vst v19;
	v14 =	vld [tilespmem:s31+$0xFFFFFF20]  }
0x3ad: {  	v6 =	vmul.f32 v15, v6;
	[tilespmem:s3+$0x60] =	vst v13;
	v13 =	vld [tilespmem:s31+$0x20]  }
0x3ae: {  	v15 =	vmul.f32 v16, v3;
	[tilespmem:s3+$0xFFFFFFF0] =	vst v7  }
0x3af: {  	v7 =	vld [tilespmem:s19+$0xFFFFFFB0];
	[tilespmem:s3+$0xFFFFFF70] =	vst v6;
	v6 =	vmul.f32 v18, v11  }
0x3b0: {  	v16 =	vld [tilespmem:s19+$0x30];
	[tilespmem:s0+$0xB0] =	vst v15;
	v15 =	vmul.f32 v17, v10  }
0x3b1: {  	v17 =	vld [tilespmem:s15+$0x70];
	v14 =	vmul.f32 v14, v8;
	[tilespmem:s6+$0xA0] =	vst v6  }
0x3b2: {  	v6 =	vmul.f32 v13, v9;
	v13 =	vld [tilespmem:s31+$0xB0];
	[tilespmem:s6+$0xFFFFFFA0] =	vst v15  }
0x3b3: {  	v12 =	vmul.f32 v12, v1;
	[tilespmem:s6+$0xFFFFFF20] =	vst v14;
	v14 =	vld [tilespmem:s31+$0xFFFFFFB0]  }
0x3b4: {  	v7 =	vmul.f32 v7, v4;
	[tilespmem:s6+$0x20] =	vst v6;
	v15 =	vld [tilespmem:s31+$0xFFFFFF30]  }
0x3b5: {  	[tilespmem:s0+$0xFFFFFF30] =	vst v12;
	v6 =	vmul.f32 v16, v2;
	v12 =	vld [tilespmem:s31+$0x30]  }
0x3b6: {  	[tilespmem:s0+$0xFFFFFFB0] =	vst v7;
	v16 =	vld [tilespmem:s19+$0xC0];
	v5 =	vmul.f32 v17, v5  }
0x3b7: {  	v7 =	vld [tilespmem:s19+$0xFFFFFFC0];
	[tilespmem:s0+$0x30] =	vst v6;
	v6 =	vmul.f32 v13, v11  }
0x3b8: {  	v13 =	vld [tilespmem:s19+$0xFFFFFF40];
	[tilespmem:s3+$0x70] =	vst v5;
	v5 =	vmul.f32 v14, v10  }
0x3b9: {  	v14 =	vld [tilespmem:s19+$0x40];
	v15 =	vmul.f32 v15, v8;
	[tilespmem:s6+$0xB0] =	vst v6  }
0x3ba: {  	v6 =	vmul.f32 v12, v9;
	v12 =	vld [tilespmem:s31+$0xC0];
	[tilespmem:s6+$0xFFFFFFB0] =	vst v5  }
0x3bb: {  	v5 =	vmul.f32 v16, v3;
	[tilespmem:s6+$0xFFFFFF30] =	vst v15;
	v15 =	vld [tilespmem:s31+$0xFFFFFFC0]  }
0x3bc: {  	v7 =	vmul.f32 v7, v4;
	[tilespmem:s6+$0x30] =	vst v6;
	v16 =	vld [tilespmem:s31+$0xFFFFFF40]  }
0x3bd: {  	v6 =	vmul.f32 v13, v1;
	[tilespmem:s0+$0xC0] =	vst v5;
	v5 =	vld [tilespmem:s31+$0x40]  }
0x3be: {  	[tilespmem:s0+$0xFFFFFFC0] =	vst v7;
	v13 =	vld [tilespmem:s19+$0xD0];
	v7 =	vmul.f32 v14, v2  }
0x3bf: {  	[tilespmem:s0+$0xFFFFFF40] =	vst v6;
	v6 =	vld [tilespmem:s19+$0xFFFFFFD0];
	v12 =	vmul.f32 v12, v11  }
0x3c0: {  	v14 =	vld [tilespmem:s19+$0xFFFFFF50];
	[tilespmem:s0+$0x40] =	vst v7;
	v7 =	vmul.f32 v15, v10  }
0x3c1: {  	v15 =	vld [tilespmem:s19+$0x50];
	v16 =	vmul.f32 v16, v8;
	[tilespmem:s6+$0xC0] =	vst v12  }
0x3c2: {  	v5 =	vmul.f32 v5, v9;
	v12 =	vld [tilespmem:s31+$0xD0];
	[tilespmem:s6+$0xFFFFFFC0] =	vst v7  }
0x3c3: {  	v7 =	vmul.f32 v13, v3;
	[tilespmem:s6+$0xFFFFFF40] =	vst v16;
	v13 =	vld [tilespmem:s31+$0xFFFFFFD0]  }
0x3c4: {  	v6 =	vmul.f32 v6, v4;
	[tilespmem:s6+$0x40] =	vst v5;
	v16 =	vld [tilespmem:s31+$0xFFFFFF50]  }
0x3c5: {  	[tilespmem:s0+$0xD0] =	vst v7;
	v5 =	vmul.f32 v14, v1;
	v7 =	vld [tilespmem:s31+$0x50]  }
0x3c6: {  	v14 =	vld [tilespmem:s19+$0xE0];
	[tilespmem:s0+$0xFFFFFFD0] =	vst v6;
	v6 =	vmul.f32 v15, v2  }
0x3c7: {  	[tilespmem:s0+$0xFFFFFF50] =	vst v5;
	v5 =	vld [tilespmem:s19+$0xFFFFFFE0];
	v12 =	vmul.f32 v12, v11  }
0x3c8: {  	v15 =	vld [tilespmem:s19+$0xFFFFFF60];
	[tilespmem:s0+$0x50] =	vst v6;
	v6 =	vmul.f32 v13, v10  }
0x3c9: {  	v13 =	vld [tilespmem:s19+$0x60];
	[tilespmem:s6+$0xD0] =	vst v12;
	v12 =	vmul.f32 v16, v8  }
0x3ca: {  	v16 =	vld [tilespmem:s31+$0xE0];
	[tilespmem:s6+$0xFFFFFFD0] =	vst v6;
	v6 =	vmul.f32 v7, v9  }
0x3cb: {  	v7 =	vmul.f32 v14, v3;
	[tilespmem:s6+$0xFFFFFF50] =	vst v12;
	v12 =	vld [tilespmem:s31+$0xFFFFFFE0]  }
0x3cc: {  	v5 =	vmul.f32 v5, v4;
	v14 =	vld [tilespmem:s31+$0xFFFFFF60];
	[tilespmem:s6+$0x50] =	vst v6  }
0x3cd: {  	[tilespmem:s0+$0xE0] =	vst v7;
	v6 =	vmul.f32 v15, v1;
	v7 =	vld [tilespmem:s31+$0x60]  }
0x3ce: {  	v15 =	vld [tilespmem:s19+$0xF0];
	[tilespmem:s0+$0xFFFFFFE0] =	vst v5;
	v5 =	vmul.f32 v13, v2  }
0x3cf: {  	[tilespmem:s0+$0xFFFFFF60] =	vst v6;
	v6 =	vld [tilespmem:s19+$0xFFFFFFF0];
	v13 =	vmul.f32 v16, v11  }
0x3d0: {  	v16 =	vld [tilespmem:s19+$0xFFFFFF70];
	[tilespmem:s0+$0x60] =	vst v5;
	v5 =	vmul.f32 v12, v10  }
0x3d1: {  	v12 =	vld [tilespmem:s19+$0x70];
	[tilespmem:s6+$0xE0] =	vst v13;
	v13 =	vmul.f32 v14, v8  }
0x3d2: {  	v14 =	vld [tilespmem:s31+$0xF0];
	[tilespmem:s6+$0xFFFFFFE0] =	vst v5;
	v5 =	vmul.f32 v7, v9  }
0x3d3: {  	v3 =	vmul.f32 v15, v3;
	[tilespmem:s6+$0xFFFFFF60] =	vst v13;
	v7 =	vld [tilespmem:s31+$0xFFFFFFF0]  }
0x3d4: {  	v4 =	vmul.f32 v6, v4;
	v6 =	vld [tilespmem:s31+$0xFFFFFF70];
	[tilespmem:s6+$0x60] =	vst v5  }
0x3d5: {  	[tilespmem:s0+$0xF0] =	vst v3;
	v1 =	vmul.f32 v16, v1;
	v3 =	vld [tilespmem:s31+$0x70]  }
0x3d6: {  	[tilespmem:s0+$0xFFFFFFF0] =	vst v4;
	v2 =	vmul.f32 v12, v2  }
0x3d7: {  	[tilespmem:s0+$0xFFFFFF70] =	vst v1;
	v1 =	vmul.f32 v14, v11  }
0x3d8: {  	[tilespmem:s0+$0x70] =	vst v2;
	v2 =	vmul.f32 v7, v10  }
0x3d9: {  	[tilespmem:s6+$0xF0] =	vst v1;
	v1 =	vmul.f32 v6, v8  }
0x3da: {  	[tilespmem:s6+$0xFFFFFFF0] =	vst v2;
	v2 =	vmul.f32 v3, v9  }
0x3db: {  	[tilespmem:s6+$0xFFFFFF70] =	vst v1  }
0x3dc: {  	s7 =	simm.s32 $0x0;
	s15 =	simm.s32 $0x1;
	[tilespmem:s6+$0x70] =	vst v2;
	s6 =	simm.s32 $0x3E00  }
0x3dd: {  	v1 =	vmov s7;
	[tilespmem:s18], [sflag:$0x1] =	stream.indirect.gather [hbm4b:s1+s17], $0x80, s6, s17, $0xb8;
	v63 =	vld [tilespmem:$0x0]  }
0x3de: {  	s23 =	simm.s32 $0x7D00;
	s19 =	simm.s32 $0x3;
	v1 =	vand.u32 $0x7C, v1;
	v2 =	vmov s15  }
0x3df: {  	v3 =	vmov s19;
	v1 =	vor.u32 $0x3D80, v1;
	v2 =	vand.u32 $0x7D, v2;
	[spmem:s2] =	stream.indirect.scatter.add.f32 [tilespmem:s21], [sflag:$0x3], $0x80, s23, s17, $0xb8;
	v63 =	vld [tilespmem:$0x0]  }
0x3e0: {  	v3 =	vand.u32 $0x7F, v3;
	v1 =	vbroadcast v1, $0x0;
	v2 =	vor.u32 $0x3D80, v2;
	_ =	swait.ge [sflag:s30], $0x2800  }
0x3e1: {  	v3 =	vor.u32 $0x3D80, v3;
	v2 =	vbroadcast v2, $0x0;
	[sflag:s30] =	ssyncset.done $0x0  }
0x3e2: {  	s26 =	simm.s32 $0x2;
	v3 =	vbroadcast v3, $0x0;
	[sflag:s30] =	ssyncadd.s32 $0xFFFFD800  }
0x3e3: {  	v4 =	vmov s26;
	_ =	swait.ge [sflag:s24], $0x2800  }
0x3e4: {  	v4 =	vand.u32 $0x7E, v4;
	[sflag:s24] =	ssyncset.done $0x0  }
0x3e5: {  	v4 =	vor.u32 $0x3D80, v4;
	[sflag:s24] =	ssyncadd.s32 $0xFFFFD800  }
0x3e6: {  	v4 =	vbroadcast v4, $0x0;
	v6 =	vld.idx.msk [tilespmem:v1+s16+$0x0], $0xffff  }
0x3e7: {  	v7 =	vld.idx.msk [tilespmem:v2+s16+$0x0], $0xffff  }
0x3e8: {  	s15 =	simm.s32 $0xE900;
	v8 =	vld.idx.msk [tilespmem:v3+s16+$0x0], $0xffff  }
0x3e9: {  	v1 =	vld [tilespmem:s15+$0x80]  }
0x3ea: {  	v2 =	vld [tilespmem:s15+$0xFFFFFF00]  }
0x3eb: {  	v3 =	vld [tilespmem:s15+$0xFFFFFF80]  }
0x3ec: {  	v5 =	vld.idx.msk [tilespmem:v4+s16+$0x0], $0xffff  }
0x3ed: {  	v4 =	vld [tilespmem:s15+$0x0]  }
0x3ee: {  	v1 =	vmul.f32 v1, v8  }
0x3ef: {  	s3 =	simm.s32 $0x13900;
	v2 =	vmul.f32 v2, v6  }
0x3f0: {  	v3 =	vmul.f32 v3, v7;
	[tilespmem:s3+$0x80] =	vst v1  }
0x3f1: {  	[tilespmem:s3+$0xFFFFFF00] =	vst v2;
	v1 =	vld [tilespmem:s15+$0x90]  }
0x3f2: {  	v2 =	vmul.f32 v4, v5;
	[tilespmem:s3+$0xFFFFFF80] =	vst v3;
	v4 =	vld [tilespmem:s15+$0xFFFFFF10]  }
0x3f3: {  	v3 =	vld [tilespmem:s15+$0xFFFFFF90]  }
0x3f4: {  	[tilespmem:s3+$0x0] =	vst v2  }
0x3f5: {  	v2 =	vld [tilespmem:s15+$0x10]  }
0x3f6: {  	v1 =	vmul.f32 v1, v8  }
0x3f7: {  	v4 =	vmul.f32 v4, v6  }
0x3f8: {  	v3 =	vmul.f32 v3, v7;
	[tilespmem:s3+$0x90] =	vst v1  }
0x3f9: {  	[tilespmem:s3+$0xFFFFFF10] =	vst v4;
	v1 =	vld [tilespmem:s15+$0xA0]  }
0x3fa: {  	v2 =	vmul.f32 v2, v5;
	[tilespmem:s3+$0xFFFFFF90] =	vst v3;
	v4 =	vld [tilespmem:s15+$0xFFFFFF20]  }
0x3fb: {  	s7 =	simm.s32 $0x6;
	v3 =	vld [tilespmem:s15+$0xFFFFFFA0]  }
0x3fc: {  	s31 =	simm.s32 $0x4;
	v11 =	vmov s7;
	[tilespmem:s3+$0x10] =	vst v2  }
0x3fd: {  	s6 =	simm.s32 $0x5;
	v11 =	vand.u32 $0x7E, v11;
	v2 =	vmov s31;
	v9 =	vld [tilespmem:s15+$0x20]  }
0x3fe: {  	v10 =	vmov s6;
	v2 =	vand.u32 $0x7C, v2;
	v1 =	vmul.f32 v1, v8  }
0x3ff: {  	v10 =	vand.u32 $0x7D, v10;
	v2 =	vor.u32 $0x3D80, v2;
	v4 =	vmul.f32 v4, v6  }
0x400: {  	v10 =	vor.u32 $0x3D80, v10;
	v2 =	vbroadcast v2, $0x0;
	v3 =	vmul.f32 v3, v7;
	[tilespmem:s3+$0xA0] =	vst v1  }
0x401: {  	v10 =	vbroadcast v10, $0x0;
	v1 =	vor.u32 $0x3D80, v11;
	[tilespmem:s3+$0xFFFFFF20] =	vst v4;
	v4 =	vld [tilespmem:s15+$0xB0]  }
0x402: {  	s19 =	simm.s32 $0x7;
	v9 =	vmul.f32 v9, v5;
	[tilespmem:s3+$0xFFFFFFA0] =	vst v3;
	v11 =	vbroadcast v1, $0x0;
	v12 =	vld [tilespmem:s15+$0xFFFFFF30]  }
0x403: {  	v1 =	vmov s19;
	v3 =	vld [tilespmem:s15+$0xFFFFFFB0]  }
0x404: {  	[tilespmem:s3+$0x20] =	vst v9;
	v1 =	vand.u32 $0x7F, v1  }
0x405: {  	v9 =	vld [tilespmem:s15+$0x30];
	v13 =	vor.u32 $0x3D80, v1  }
0x406: {  	v1 =	vld.idx.msk [tilespmem:v2+s16+$0x0], $0xffff;
	v13 =	vbroadcast v13, $0x0;
	v14 =	vmul.f32 v4, v8  }
0x407: {  	v4 =	vld.idx.msk [tilespmem:v10+s16+$0x0], $0xffff;
	v10 =	vmul.f32 v12, v6  }
0x408: {  	v3 =	vmul.f32 v3, v7;
	v2 =	vld.idx.msk [tilespmem:v11+s16+$0x0], $0xffff;
	[tilespmem:s3+$0xB0] =	vst v14  }
0x409: {  	[tilespmem:s3+$0xFFFFFF30] =	vst v10;
	v10 =	vld [tilespmem:s15+$0xC0]  }
0x40a: {  	[tilespmem:s3+$0xFFFFFFB0] =	vst v3;
	v11 =	vld [tilespmem:s15+$0xFFFFFF40]  }
0x40b: {  	v12 =	vld [tilespmem:s15+$0xFFFFFFC0]  }
0x40c: {  	s19 =	simm.s32 $0xEB00;
	v3 =	vld.idx.msk [tilespmem:v13+s16+$0x0], $0xffff  }
0x40d: {  	v13 =	vld [tilespmem:s19+$0x80]  }
0x40e: {  	v14 =	vld [tilespmem:s19+$0xFFFFFF00];
	v10 =	vmul.f32 v10, v8  }
0x40f: {  	v15 =	vld [tilespmem:s19+$0xFFFFFF80];
	v9 =	vmul.f32 v9, v5  }
0x410: {  	v16 =	vld [tilespmem:s19+$0x0];
	v12 =	vmul.f32 v12, v7;
	[tilespmem:s3+$0xC0] =	vst v10  }
0x411: {  	[tilespmem:s3+$0x30] =	vst v9;
	v9 =	vmul.f32 v11, v6;
	v10 =	vld [tilespmem:s15+$0xD0]  }
0x412: {  	v11 =	vmul.f32 v13, v3;
	[tilespmem:s3+$0xFFFFFFC0] =	vst v12;
	v12 =	vld [tilespmem:s15+$0x40]  }
0x413: {  	s0 =	simm.s32 $0x13B00;
	[tilespmem:s3+$0xFFFFFF40] =	vst v9;
	v9 =	vmul.f32 v14, v1;
	v13 =	vld [tilespmem:s15+$0xFFFFFFD0]  }
0x414: {  	v14 =	vmul.f32 v15, v4;
	[tilespmem:s0+$0x80] =	vst v11;
	v11 =	vld [tilespmem:s15+$0xFFFFFF50]  }
0x415: {  	[tilespmem:s0+$0xFFFFFF00] =	vst v9;
	v9 =	vmul.f32 v16, v2;
	v15 =	vld [tilespmem:s19+$0x90]  }
0x416: {  	[tilespmem:s0+$0xFFFFFF80] =	vst v14;
	v16 =	vld [tilespmem:s19+$0xFFFFFF10];
	v10 =	vmul.f32 v10, v8  }
0x417: {  	v14 =	vld [tilespmem:s19+$0xFFFFFF90];
	[tilespmem:s0+$0x0] =	vst v9;
	v9 =	vmul.f32 v12, v5  }
0x418: {  	v12 =	vld [tilespmem:s19+$0x10];
	v13 =	vmul.f32 v13, v7;
	[tilespmem:s3+$0xD0] =	vst v10  }
0x419: {  	[tilespmem:s3+$0x40] =	vst v9;
	v10 =	vmul.f32 v11, v6;
	v9 =	vld [tilespmem:s15+$0xE0]  }
0x41a: {  	v11 =	vmul.f32 v15, v3;
	[tilespmem:s3+$0xFFFFFFD0] =	vst v13;
	v13 =	vld [tilespmem:s15+$0x50]  }
0x41b: {  	v15 =	vmul.f32 v16, v1;
	[tilespmem:s3+$0xFFFFFF50] =	vst v10;
	v10 =	vld [tilespmem:s15+$0xFFFFFFE0]  }
0x41c: {  	v14 =	vmul.f32 v14, v4;
	[tilespmem:s0+$0x90] =	vst v11;
	v11 =	vld [tilespmem:s15+$0xFFFFFF60]  }
0x41d: {  	[tilespmem:s0+$0xFFFFFF10] =	vst v15;
	v12 =	vmul.f32 v12, v2;
	v15 =	vld [tilespmem:s19+$0xA0]  }
0x41e: {  	[tilespmem:s0+$0xFFFFFF90] =	vst v14;
	v16 =	vld [tilespmem:s19+$0xFFFFFF20];
	v9 =	vmul.f32 v9, v8  }
0x41f: {  	s23 =	simm.s32 $0x8;
	v17 =	vld [tilespmem:s19+$0xFFFFFFA0];
	[tilespmem:s0+$0x10] =	vst v12;
	v12 =	vmul.f32 v13, v5  }
0x420: {  	s26 =	simm.s32 $0x9;
	v13 =	vmov s23;
	v18 =	vld [tilespmem:s19+$0x20];
	v10 =	vmul.f32 v10, v7;
	[tilespmem:s3+$0xE0] =	vst v9  }
0x421: {  	s31 =	simm.s32 $0xA;
	v14 =	vmov s26;
	[tilespmem:s3+$0x50] =	vst v12;
	v9 =	vand.u32 $0x7C, v13;
	v11 =	vmul.f32 v11, v6;
	v19 =	vld [tilespmem:s15+$0xF0]  }
0x422: {  	v12 =	vmov s31;
	v15 =	vmul.f32 v15, v3;
	v13 =	vld [tilespmem:s15+$0x60];
	v9 =	vor.u32 $0x3D80, v9;
	[tilespmem:s3+$0xFFFFFFE0] =	vst v10  }
0x423: {  	v16 =	vmul.f32 v16, v1;
	v10 =	vand.u32 $0x7D, v14;
	v9 =	vbroadcast v9, $0x0;
	[tilespmem:s3+$0xFFFFFF60] =	vst v11;
	v14 =	vld [tilespmem:s15+$0xFFFFFFF0]  }
0x424: {  	v20 =	vmul.f32 v17, v4;
	v10 =	vor.u32 $0x3D80, v10;
	v11 =	vand.u32 $0x7E, v12;
	[tilespmem:s0+$0xA0] =	vst v15;
	v15 =	vld [tilespmem:s15+$0xFFFFFF70]  }
0x425: {  	[tilespmem:s0+$0xFFFFFF20] =	vst v16;
	v17 =	vmul.f32 v18, v2;
	v10 =	vbroadcast v10, $0x0;
	v11 =	vor.u32 $0x3D80, v11;
	v16 =	vld [tilespmem:s19+$0xB0]  }
0x426: {  	s7 =	simm.s32 $0xB;
	s6 =	simm.s32 $0xC;
	s26 =	simm.s32 $0x4000;
	[tilespmem:s0+$0xFFFFFFA0] =	vst v20;
	v12 =	vld [tilespmem:s19+$0xFFFFFF30];
	v11 =	vbroadcast v11, $0x0;
	v18 =	vmul.f32 v19, v8  }
.LBB2_16:
0x427: {  	p0 =	slt.u32 s6, $0x4C;
	v8 =	vmov s7;
	v19 =	vld [tilespmem:s19+$0xFFFFFFB0];
	[tilespmem:s0+$0x20] =	vst v17;
	v13 =	vmul.f32 v13, v5  }
0x428: {  	v8 =	vand.u32 $0x7F, v8;
	v17 =	vld [tilespmem:s19+$0x30];
	v14 =	vmul.f32 v14, v7;
	[tilespmem:s3+$0xF0] =	vst v18;
	v7 =	vmov v4  }
0x429: {  	v4 =	vor.u32 $0x3D80, v8;
	v8 =	vmul.f32 v15, v6;
	[tilespmem:s3+$0x60] =	vst v13;
	v6 =	vmov v1;
	v1 =	vld.idx.msk [tilespmem:v9+s16+$0x0], $0xffff  }
0x42a: {  	v9 =	vbroadcast v4, $0x0;
	v13 =	vmul.f32 v16, v3;
	[tilespmem:s3+$0xFFFFFFF0] =	vst v14;
	v14 =	vld [tilespmem:s15+$0x70];
	s15 =	smov.u32 s19  }
0x42b: {  	v4 =	vld.idx.msk [tilespmem:v10+s16+$0x0], $0xffff;
	v10 =	vmul.f32 v12, v6;
	[tilespmem:s3+$0xFFFFFF70] =	vst v8  }
0x42c: {  	v8 =	vld.idx.msk [tilespmem:v11+s16+$0x0], $0xffff;
	v11 =	vmul.f32 v19, v7;
	[tilespmem:s0+$0xB0] =	vst v13  }
0x42d: {  	[tilespmem:s0+$0xFFFFFF30] =	vst v10;
	v10 =	vmul.f32 v17, v2;
	v12 =	vld [tilespmem:s19+$0xC0]  }
0x42e: {  	v13 =	vld [tilespmem:s19+$0xFFFFFF40];
	[tilespmem:s0+$0xFFFFFFB0] =	vst v11  }
0x42f: {  	v11 =	vld [tilespmem:s19+$0xFFFFFFC0];
	[tilespmem:s0+$0x30] =	vst v10;
	v10 =	vmul.f32 v14, v5;
	v5 =	vmov v2  }
0x430: {  	s19 =	sadd.s32 $0x200, s19;
	v19 =	vld.idx.msk [tilespmem:v9+s16+$0x0], $0xffff  }
0x431: {  	v9 =	vld [tilespmem:s19+$0x80];
	[tilespmem:s3+$0x70] =	vst v10;
	s3 =	smov.u32 s0  }
0x432: {  	v2 =	vmov v8;
	v10 =	vld [tilespmem:s19+$0xFFFFFF00];
	v12 =	vmul.f32 v12, v3  }
0x433: {  	v8 =	vld [tilespmem:s19+$0xFFFFFF80];
	v13 =	vmul.f32 v13, v6  }
0x434: {  	v14 =	vld [tilespmem:s19+$0x0];
	v11 =	vmul.f32 v11, v7;
	[tilespmem:s0+$0xC0] =	vst v12  }
0x435: {  	[tilespmem:s0+$0xFFFFFF40] =	vst v13;
	v12 =	vld [tilespmem:s15+$0xD0]  }
0x436: {  	v9 =	vmul.f32 v9, v19;
	[tilespmem:s0+$0xFFFFFFC0] =	vst v11;
	v11 =	vld [tilespmem:s15+$0x40]  }
0x437: {  	s0 =	sadd.s32 $0x200, s0;
	v10 =	vmul.f32 v10, v1;
	v13 =	vld [tilespmem:s15+$0xFFFFFFD0]  }
0x438: {  	v8 =	vmul.f32 v8, v4;
	[tilespmem:s0+$0x80] =	vst v9;
	v9 =	vld [tilespmem:s15+$0xFFFFFF50]  }
0x439: {  	[tilespmem:s0+$0xFFFFFF00] =	vst v10;
	v10 =	vmul.f32 v14, v2;
	v14 =	vld [tilespmem:s19+$0x90]  }
0x43a: {  	v15 =	vld [tilespmem:s19+$0xFFFFFF10];
	[tilespmem:s0+$0xFFFFFF80] =	vst v8;
	v8 =	vmul.f32 v12, v3  }
0x43b: {  	v12 =	vld [tilespmem:s19+$0xFFFFFF90];
	[tilespmem:s0+$0x0] =	vst v10;
	v10 =	vmul.f32 v11, v5  }
0x43c: {  	v11 =	vld [tilespmem:s19+$0x10];
	v13 =	vmul.f32 v13, v7;
	[tilespmem:s3+$0xD0] =	vst v8  }
0x43d: {  	v8 =	vmul.f32 v9, v6;
	[tilespmem:s3+$0x40] =	vst v10;
	v9 =	vld [tilespmem:s15+$0xE0]  }
0x43e: {  	v10 =	vmul.f32 v14, v19;
	[tilespmem:s3+$0xFFFFFFD0] =	vst v13;
	v13 =	vld [tilespmem:s15+$0x50]  }
0x43f: {  	v14 =	vmul.f32 v15, v1;
	[tilespmem:s3+$0xFFFFFF50] =	vst v8;
	v8 =	vld [tilespmem:s15+$0xFFFFFFE0]  }
0x440: {  	v12 =	vmul.f32 v12, v4;
	[tilespmem:s0+$0x90] =	vst v10;
	v10 =	vld [tilespmem:s15+$0xFFFFFF60]  }
0x441: {  	[tilespmem:s0+$0xFFFFFF10] =	vst v14;
	v11 =	vmul.f32 v11, v2;
	v14 =	vld [tilespmem:s19+$0xA0]  }
0x442: {  	v15 =	vld [tilespmem:s19+$0xFFFFFF20];
	[tilespmem:s0+$0xFFFFFF90] =	vst v12;
	v9 =	vmul.f32 v9, v3  }
0x443: {  	v12 =	vld [tilespmem:s19+$0xFFFFFFA0];
	[tilespmem:s0+$0x10] =	vst v11;
	v11 =	vmul.f32 v13, v5  }
0x444: {  	s7 =	sadd.s32 $0x1, s6;
	v13 =	vmov s6;
	v16 =	vld [tilespmem:s19+$0x20];
	v8 =	vmul.f32 v8, v7;
	[tilespmem:s3+$0xE0] =	vst v9  }
0x445: {  	v17 =	vmov s7;
	s7 =	sadd.s32 $0x2, s6;
	v9 =	vand.u32 $0x7C, v13;
	v10 =	vmul.f32 v10, v6;
	[tilespmem:s3+$0x50] =	vst v11;
	v18 =	vld [tilespmem:s15+$0xF0]  }
.Ltmp7:
0x446: {  	v9 =	vor.u32 $0x3D80, v9;
	v11 =	vmov s7;
	v20 =	vmul.f32 v14, v19;
	[tilespmem:s3+$0xFFFFFFE0] =	vst v8;
	v13 =	vld [tilespmem:s15+$0x60];
	(pc) =	sbr.rel @p0 .LBB2_16-.Ltmp7, $4  }
0x447: {  	v9 =	vbroadcast v9, $0x0;
	v8 =	vand.u32 $0x7D, v17;
	v17 =	vmul.f32 v15, v1;
	[tilespmem:s3+$0xFFFFFF60] =	vst v10;
	v14 =	vld [tilespmem:s15+$0xFFFFFFF0]  }
0x448: {  	v11 =	vand.u32 $0x7E, v11;
	v8 =	vor.u32 $0x3D80, v8;
	v21 =	vmul.f32 v12, v4;
	[tilespmem:s0+$0xA0] =	vst v20;
	v15 =	vld [tilespmem:s15+$0xFFFFFF70]  }
0x449: {  	v10 =	vbroadcast v8, $0x0;
	v8 =	vor.u32 $0x3D80, v11;
	[tilespmem:s0+$0xFFFFFF20] =	vst v17;
	v17 =	vmul.f32 v16, v2;
	v16 =	vld [tilespmem:s19+$0xB0]  }
0x44a: {  	s7 =	sadd.s32 $0x3, s6;
	s6 =	sadd.s32 $0x4, s6;
	v11 =	vbroadcast v8, $0x0;
	v12 =	vld [tilespmem:s19+$0xFFFFFF30];
	[tilespmem:s0+$0xFFFFFFA0] =	vst v21;
	v18 =	vmul.f32 v18, v3;
	v3 =	vmov v19  }
0x44b: {  	v8 =	vmov s7  }
0x44c: {  	v8 =	vand.u32 $0x7F, v8  }
0x44d: {  	v8 =	vor.u32 $0x3D80, v8  }
0x44e: {  	v19 =	vbroadcast v8, $0x0;
	_ =	sdelay $0x2  }
0x44f: {  	v10 =	vld.idx.msk [tilespmem:v10+s16+$0x0], $0xffff  }
0x450: {  	v8 =	vld.idx.msk [tilespmem:v9+s16+$0x0], $0xffff  }
0x451: {  	v9 =	vld.idx.msk [tilespmem:v11+s16+$0x0], $0xffff  }
0x452: {  	s23 =	sadd.s32 $0x200, s19;
	v11 =	vld.idx.msk [tilespmem:v19+s16+$0x0], $0xffff  }
0x453: {  	v19 =	vld [tilespmem:s23+$0x80]  }
0x454: {  	v20 =	vld [tilespmem:s23+$0xFFFFFF80]  }
0x455: {  	v21 =	vld [tilespmem:s23+$0xFFFFFF00]  }
0x456: {  	v22 =	vld [tilespmem:s23+$0x0];
	_ =	sdelay $0x1  }
0x457: {  	v19 =	vmul.f32 v19, v11  }
0x458: {  	s6 =	sadd.s32 $0x200, s0;
	v20 =	vmul.f32 v20, v10  }
0x459: {  	v21 =	vmul.f32 v21, v8;
	[tilespmem:s6+$0x80] =	vst v19  }
0x45a: {  	[tilespmem:s6+$0xFFFFFF80] =	vst v20;
	v19 =	vmul.f32 v22, v9;
	v62 =	vld [tilespmem:s23+$0x90]  }
0x45b: {  	v20 =	vld [tilespmem:s23+$0xFFFFFF90];
	[tilespmem:s6+$0xFFFFFF00] =	vst v21  }
0x45c: {  	v21 =	vld [tilespmem:s23+$0xFFFFFF10];
	[tilespmem:s6+$0x0] =	vst v19  }
0x45d: {  	v19 =	vld [tilespmem:s23+$0x10];
	_ =	sdelay $0x1  }
0x45e: {  	[tilespmem:s0+$0x20] =	vst v17;
	v17 =	vmul.f32 v62, v11  }
0x45f: {  	[tilespmem:s3+$0xF0] =	vst v18;
	v18 =	vmul.f32 v20, v10  }
0x460: {  	[tilespmem:s6+$0x90] =	vst v17;
	v17 =	vmul.f32 v21, v8  }
0x461: {  	[tilespmem:s6+$0xFFFFFF90] =	vst v18;
	v19 =	vmul.f32 v19, v9;
	v18 =	vld [tilespmem:s23+$0xA0]  }
0x462: {  	v13 =	vmul.f32 v13, v5;
	[tilespmem:s6+$0xFFFFFF10] =	vst v17;
	v17 =	vld [tilespmem:s23+$0xFFFFFFA0]  }
0x463: {  	v7 =	vmul.f32 v14, v7;
	[tilespmem:s6+$0x10] =	vst v19;
	v14 =	vld [tilespmem:s23+$0xFFFFFF20]  }
0x464: {  	v6 =	vmul.f32 v15, v6;
	[tilespmem:s3+$0x60] =	vst v13;
	v13 =	vld [tilespmem:s23+$0x20]  }
0x465: {  	v15 =	vmul.f32 v16, v3;
	[tilespmem:s3+$0xFFFFFFF0] =	vst v7  }
0x466: {  	v7 =	vld [tilespmem:s19+$0xFFFFFFB0];
	[tilespmem:s3+$0xFFFFFF70] =	vst v6;
	v6 =	vmul.f32 v18, v11  }
0x467: {  	v16 =	vld [tilespmem:s19+$0x30];
	[tilespmem:s0+$0xB0] =	vst v15;
	v15 =	vmul.f32 v17, v10  }
0x468: {  	v17 =	vld [tilespmem:s15+$0x70];
	v14 =	vmul.f32 v14, v8;
	[tilespmem:s6+$0xA0] =	vst v6  }
0x469: {  	v6 =	vmul.f32 v13, v9;
	v13 =	vld [tilespmem:s23+$0xB0];
	[tilespmem:s6+$0xFFFFFFA0] =	vst v15  }
0x46a: {  	v12 =	vmul.f32 v12, v1;
	[tilespmem:s6+$0xFFFFFF20] =	vst v14;
	v14 =	vld [tilespmem:s23+$0xFFFFFFB0]  }
0x46b: {  	v7 =	vmul.f32 v7, v4;
	[tilespmem:s6+$0x20] =	vst v6;
	v15 =	vld [tilespmem:s23+$0xFFFFFF30]  }
0x46c: {  	[tilespmem:s0+$0xFFFFFF30] =	vst v12;
	v6 =	vmul.f32 v16, v2;
	v12 =	vld [tilespmem:s23+$0x30]  }
0x46d: {  	[tilespmem:s0+$0xFFFFFFB0] =	vst v7;
	v16 =	vld [tilespmem:s19+$0xC0];
	v5 =	vmul.f32 v17, v5  }
0x46e: {  	v7 =	vld [tilespmem:s19+$0xFFFFFFC0];
	[tilespmem:s0+$0x30] =	vst v6;
	v6 =	vmul.f32 v13, v11  }
0x46f: {  	v13 =	vld [tilespmem:s19+$0xFFFFFF40];
	[tilespmem:s3+$0x70] =	vst v5;
	v5 =	vmul.f32 v14, v10  }
0x470: {  	v14 =	vld [tilespmem:s19+$0x40];
	v15 =	vmul.f32 v15, v8;
	[tilespmem:s6+$0xB0] =	vst v6  }
0x471: {  	v6 =	vmul.f32 v12, v9;
	v12 =	vld [tilespmem:s23+$0xC0];
	[tilespmem:s6+$0xFFFFFFB0] =	vst v5  }
0x472: {  	v5 =	vmul.f32 v16, v3;
	[tilespmem:s6+$0xFFFFFF30] =	vst v15;
	v15 =	vld [tilespmem:s23+$0xFFFFFFC0]  }
0x473: {  	v7 =	vmul.f32 v7, v4;
	[tilespmem:s6+$0x30] =	vst v6;
	v16 =	vld [tilespmem:s23+$0xFFFFFF40]  }
0x474: {  	v6 =	vmul.f32 v13, v1;
	[tilespmem:s0+$0xC0] =	vst v5;
	v5 =	vld [tilespmem:s23+$0x40]  }
0x475: {  	[tilespmem:s0+$0xFFFFFFC0] =	vst v7;
	v13 =	vld [tilespmem:s19+$0xD0];
	v7 =	vmul.f32 v14, v2  }
0x476: {  	[tilespmem:s0+$0xFFFFFF40] =	vst v6;
	v6 =	vld [tilespmem:s19+$0xFFFFFFD0];
	v12 =	vmul.f32 v12, v11  }
0x477: {  	v14 =	vld [tilespmem:s19+$0xFFFFFF50];
	[tilespmem:s0+$0x40] =	vst v7;
	v7 =	vmul.f32 v15, v10  }
0x478: {  	v15 =	vld [tilespmem:s19+$0x50];
	v16 =	vmul.f32 v16, v8;
	[tilespmem:s6+$0xC0] =	vst v12  }
0x479: {  	v5 =	vmul.f32 v5, v9;
	v12 =	vld [tilespmem:s23+$0xD0];
	[tilespmem:s6+$0xFFFFFFC0] =	vst v7  }
0x47a: {  	v7 =	vmul.f32 v13, v3;
	[tilespmem:s6+$0xFFFFFF40] =	vst v16;
	v13 =	vld [tilespmem:s23+$0xFFFFFFD0]  }
0x47b: {  	v6 =	vmul.f32 v6, v4;
	[tilespmem:s6+$0x40] =	vst v5;
	v16 =	vld [tilespmem:s23+$0xFFFFFF50]  }
0x47c: {  	[tilespmem:s0+$0xD0] =	vst v7;
	v5 =	vmul.f32 v14, v1;
	v7 =	vld [tilespmem:s23+$0x50]  }
0x47d: {  	v14 =	vld [tilespmem:s19+$0xE0];
	[tilespmem:s0+$0xFFFFFFD0] =	vst v6;
	v6 =	vmul.f32 v15, v2  }
0x47e: {  	[tilespmem:s0+$0xFFFFFF50] =	vst v5;
	v5 =	vld [tilespmem:s19+$0xFFFFFFE0];
	v12 =	vmul.f32 v12, v11  }
0x47f: {  	v15 =	vld [tilespmem:s19+$0xFFFFFF60];
	[tilespmem:s0+$0x50] =	vst v6;
	v6 =	vmul.f32 v13, v10  }
0x480: {  	v13 =	vld [tilespmem:s19+$0x60];
	[tilespmem:s6+$0xD0] =	vst v12;
	v12 =	vmul.f32 v16, v8  }
0x481: {  	v16 =	vld [tilespmem:s23+$0xE0];
	[tilespmem:s6+$0xFFFFFFD0] =	vst v6;
	v6 =	vmul.f32 v7, v9  }
0x482: {  	v7 =	vmul.f32 v14, v3;
	[tilespmem:s6+$0xFFFFFF50] =	vst v12;
	v12 =	vld [tilespmem:s23+$0xFFFFFFE0]  }
0x483: {  	v5 =	vmul.f32 v5, v4;
	v14 =	vld [tilespmem:s23+$0xFFFFFF60];
	[tilespmem:s6+$0x50] =	vst v6  }
0x484: {  	[tilespmem:s0+$0xE0] =	vst v7;
	v6 =	vmul.f32 v15, v1;
	v7 =	vld [tilespmem:s23+$0x60]  }
0x485: {  	v15 =	vld [tilespmem:s19+$0xF0];
	[tilespmem:s0+$0xFFFFFFE0] =	vst v5;
	v5 =	vmul.f32 v13, v2  }
0x486: {  	[tilespmem:s0+$0xFFFFFF60] =	vst v6;
	v6 =	vld [tilespmem:s19+$0xFFFFFFF0];
	v13 =	vmul.f32 v16, v11  }
0x487: {  	v16 =	vld [tilespmem:s19+$0xFFFFFF70];
	[tilespmem:s0+$0x60] =	vst v5;
	v5 =	vmul.f32 v12, v10  }
0x488: {  	v12 =	vld [tilespmem:s19+$0x70];
	[tilespmem:s6+$0xE0] =	vst v13;
	v13 =	vmul.f32 v14, v8  }
0x489: {  	v14 =	vld [tilespmem:s23+$0xF0];
	[tilespmem:s6+$0xFFFFFFE0] =	vst v5;
	v5 =	vmul.f32 v7, v9  }
0x48a: {  	v3 =	vmul.f32 v15, v3;
	[tilespmem:s6+$0xFFFFFF60] =	vst v13;
	v7 =	vld [tilespmem:s23+$0xFFFFFFF0]  }
0x48b: {  	v4 =	vmul.f32 v6, v4;
	v6 =	vld [tilespmem:s23+$0xFFFFFF70];
	[tilespmem:s6+$0x60] =	vst v5  }
0x48c: {  	[tilespmem:s0+$0xF0] =	vst v3;
	v1 =	vmul.f32 v16, v1;
	v3 =	vld [tilespmem:s23+$0x70]  }
0x48d: {  	[tilespmem:s0+$0xFFFFFFF0] =	vst v4;
	v2 =	vmul.f32 v12, v2  }
0x48e: {  	[tilespmem:s0+$0xFFFFFF70] =	vst v1;
	v1 =	vmul.f32 v14, v11  }
0x48f: {  	[tilespmem:s0+$0x70] =	vst v2;
	v2 =	vmul.f32 v7, v10  }
0x490: {  	[tilespmem:s6+$0xF0] =	vst v1;
	v1 =	vmul.f32 v6, v8  }
0x491: {  	s31 =	simm.s32 $0x0;
	[tilespmem:s6+$0xFFFFFFF0] =	vst v2;
	v2 =	vmul.f32 v3, v9  }
0x492: {  	[tilespmem:s6+$0xFFFFFF70] =	vst v1;
	v1 =	vmov s31  }
0x493: {  	s7 =	simm.s32 $0x7D80;
	s3 =	simm.s32 $0x1;
	[tilespmem:s6+$0x70] =	vst v2;
	v1 =	vand.u32 $0x7C, v1;
	s6 =	simm.s32 $0x3  }
0x494: {  	v2 =	vmov s3;
	[spmem:s2] =	stream.indirect.scatter.add.f32 [tilespmem:s28], [sflag:$0x4], $0x80, s7, s17, $0xb8;
	v1 =	vor.u32 $0x3E00, v1;
	v63 =	vld [tilespmem:$0x0]  }
0x495: {  	v2 =	vand.u32 $0x7D, v2;
	v3 =	vmov s6;
	_ =	swait.ge [sflag:s29], $0x2800;
	v1 =	vbroadcast v1, $0x0  }
0x496: {  	v2 =	vor.u32 $0x3E00, v2;
	v3 =	vand.u32 $0x7F, v3;
	[sflag:s29] =	ssyncset.done $0x0  }
0x497: {  	s15 =	simm.s32 $0x2;
	v2 =	vbroadcast v2, $0x0;
	v3 =	vor.u32 $0x3E00, v3;
	[sflag:s29] =	ssyncadd.s32 $0xFFFFD800  }
0x498: {  	v4 =	vmov s15;
	v3 =	vbroadcast v3, $0x0;
	_ =	swait.ge [sflag:s22], $0x2800  }
0x499: {  	v4 =	vand.u32 $0x7E, v4;
	[sflag:s22] =	ssyncset.done $0x0  }
0x49a: {  	v4 =	vor.u32 $0x3E00, v4;
	[sflag:s22] =	ssyncadd.s32 $0xFFFFD800  }
0x49b: {  	s15 =	simm.s32 $0xC100;
	v4 =	vbroadcast v4, $0x0;
	v6 =	vld.idx.msk [tilespmem:v1+s16+$0x0], $0xffff  }
0x49c: {  	v1 =	vld [tilespmem:s15+$0x80]  }
0x49d: {  	v7 =	vld.idx.msk [tilespmem:v2+s16+$0x0], $0xffff  }
0x49e: {  	v8 =	vld.idx.msk [tilespmem:v3+s16+$0x0], $0xffff  }
0x49f: {  	v2 =	vld [tilespmem:s15+$0xFFFFFF00]  }
0x4a0: {  	v3 =	vld [tilespmem:s15+$0xFFFFFF80]  }
0x4a1: {  	v5 =	vld.idx.msk [tilespmem:v4+s16+$0x0], $0xffff  }
0x4a2: {  	v4 =	vld [tilespmem:s15+$0x0]  }
0x4a3: {  	v1 =	vmul.f32 v1, v8  }
0x4a4: {  	s3 =	simm.s32 $0x11100;
	v2 =	vmul.f32 v2, v6  }
0x4a5: {  	v3 =	vmul.f32 v3, v7;
	[tilespmem:s3+$0x80] =	vst v1  }
0x4a6: {  	[tilespmem:s3+$0xFFFFFF00] =	vst v2;
	v1 =	vld [tilespmem:s15+$0x90]  }
0x4a7: {  	v2 =	vmul.f32 v4, v5;
	v4 =	vld [tilespmem:s15+$0xFFFFFF10];
	[tilespmem:s3+$0xFFFFFF80] =	vst v3  }
0x4a8: {  	v3 =	vld [tilespmem:s15+$0xFFFFFF90]  }
0x4a9: {  	[tilespmem:s3+$0x0] =	vst v2  }
0x4aa: {  	v2 =	vld [tilespmem:s15+$0x10]  }
0x4ab: {  	v1 =	vmul.f32 v1, v8  }
0x4ac: {  	v4 =	vmul.f32 v4, v6  }
0x4ad: {  	v3 =	vmul.f32 v3, v7;
	[tilespmem:s3+$0x90] =	vst v1  }
0x4ae: {  	[tilespmem:s3+$0xFFFFFF10] =	vst v4;
	v1 =	vld [tilespmem:s15+$0xA0]  }
0x4af: {  	v2 =	vmul.f32 v2, v5;
	v4 =	vld [tilespmem:s15+$0xFFFFFF20];
	[tilespmem:s3+$0xFFFFFF90] =	vst v3  }
0x4b0: {  	s23 =	simm.s32 $0x5;
	v3 =	vld [tilespmem:s15+$0xFFFFFFA0]  }
0x4b1: {  	s19 =	simm.s32 $0x4;
	v10 =	vmov s23;
	[tilespmem:s3+$0x10] =	vst v2  }
0x4b2: {  	v10 =	vand.u32 $0x7D, v10;
	v2 =	vmov s19;
	v9 =	vld [tilespmem:s15+$0x20]  }
0x4b3: {  	v10 =	vor.u32 $0x3E00, v10;
	s31 =	simm.s32 $0x6;
	v2 =	vand.u32 $0x7C, v2;
	v1 =	vmul.f32 v1, v8  }
0x4b4: {  	v11 =	vmov s31;
	v2 =	vor.u32 $0x3E00, v2;
	v4 =	vmul.f32 v4, v6  }
0x4b5: {  	v11 =	vand.u32 $0x7E, v11;
	v2 =	vbroadcast v2, $0x0;
	v3 =	vmul.f32 v3, v7;
	[tilespmem:s3+$0xA0] =	vst v1  }
0x4b6: {  	v10 =	vbroadcast v10, $0x0;
	[tilespmem:s3+$0xFFFFFF20] =	vst v4;
	v1 =	vor.u32 $0x3E00, v11;
	v4 =	vld [tilespmem:s15+$0xB0]  }
0x4b7: {  	s6 =	simm.s32 $0x7;
	v9 =	vmul.f32 v9, v5;
	v12 =	vld [tilespmem:s15+$0xFFFFFF30];
	[tilespmem:s3+$0xFFFFFFA0] =	vst v3;
	v11 =	vbroadcast v1, $0x0  }
0x4b8: {  	v1 =	vmov s6;
	v3 =	vld [tilespmem:s15+$0xFFFFFFB0]  }
0x4b9: {  	[tilespmem:s3+$0x20] =	vst v9;
	v1 =	vand.u32 $0x7F, v1  }
0x4ba: {  	v9 =	vld [tilespmem:s15+$0x30];
	v13 =	vor.u32 $0x3E00, v1  }
0x4bb: {  	v1 =	vld.idx.msk [tilespmem:v2+s16+$0x0], $0xffff;
	v13 =	vbroadcast v13, $0x0;
	v14 =	vmul.f32 v4, v8  }
0x4bc: {  	v4 =	vld.idx.msk [tilespmem:v10+s16+$0x0], $0xffff;
	v10 =	vmul.f32 v12, v6  }
0x4bd: {  	v3 =	vmul.f32 v3, v7;
	v2 =	vld.idx.msk [tilespmem:v11+s16+$0x0], $0xffff;
	[tilespmem:s3+$0xB0] =	vst v14  }
0x4be: {  	[tilespmem:s3+$0xFFFFFF30] =	vst v10;
	v10 =	vld [tilespmem:s15+$0xC0]  }
0x4bf: {  	[tilespmem:s3+$0xFFFFFFB0] =	vst v3;
	v11 =	vld [tilespmem:s15+$0xFFFFFF40]  }
0x4c0: {  	v12 =	vld [tilespmem:s15+$0xFFFFFFC0]  }
0x4c1: {  	s19 =	simm.s32 $0xC300;
	v3 =	vld.idx.msk [tilespmem:v13+s16+$0x0], $0xffff  }
0x4c2: {  	v13 =	vld [tilespmem:s19+$0x80]  }
0x4c3: {  	v14 =	vld [tilespmem:s19+$0xFFFFFF00];
	v10 =	vmul.f32 v10, v8  }
0x4c4: {  	v15 =	vld [tilespmem:s19+$0xFFFFFF80];
	v9 =	vmul.f32 v9, v5  }
0x4c5: {  	v16 =	vld [tilespmem:s19+$0x0];
	v12 =	vmul.f32 v12, v7;
	[tilespmem:s3+$0xC0] =	vst v10  }
0x4c6: {  	[tilespmem:s3+$0x30] =	vst v9;
	v9 =	vmul.f32 v11, v6;
	v10 =	vld [tilespmem:s15+$0xD0]  }
0x4c7: {  	v11 =	vmul.f32 v13, v3;
	[tilespmem:s3+$0xFFFFFFC0] =	vst v12;
	v12 =	vld [tilespmem:s15+$0x40]  }
0x4c8: {  	s0 =	simm.s32 $0x11300;
	[tilespmem:s3+$0xFFFFFF40] =	vst v9;
	v9 =	vmul.f32 v14, v1;
	v13 =	vld [tilespmem:s15+$0xFFFFFFD0]  }
0x4c9: {  	v14 =	vmul.f32 v15, v4;
	[tilespmem:s0+$0x80] =	vst v11;
	v11 =	vld [tilespmem:s15+$0xFFFFFF50]  }
0x4ca: {  	[tilespmem:s0+$0xFFFFFF00] =	vst v9;
	v9 =	vmul.f32 v16, v2;
	v15 =	vld [tilespmem:s19+$0x90]  }
0x4cb: {  	[tilespmem:s0+$0xFFFFFF80] =	vst v14;
	v16 =	vld [tilespmem:s19+$0xFFFFFF10];
	v10 =	vmul.f32 v10, v8  }
0x4cc: {  	v14 =	vld [tilespmem:s19+$0xFFFFFF90];
	[tilespmem:s0+$0x0] =	vst v9;
	v9 =	vmul.f32 v12, v5  }
0x4cd: {  	v12 =	vld [tilespmem:s19+$0x10];
	v13 =	vmul.f32 v13, v7;
	[tilespmem:s3+$0xD0] =	vst v10  }
0x4ce: {  	[tilespmem:s3+$0x40] =	vst v9;
	v10 =	vmul.f32 v11, v6;
	v9 =	vld [tilespmem:s15+$0xE0]  }
0x4cf: {  	v11 =	vmul.f32 v15, v3;
	[tilespmem:s3+$0xFFFFFFD0] =	vst v13;
	v13 =	vld [tilespmem:s15+$0x50]  }
0x4d0: {  	v15 =	vmul.f32 v16, v1;
	[tilespmem:s3+$0xFFFFFF50] =	vst v10;
	v10 =	vld [tilespmem:s15+$0xFFFFFFE0]  }
0x4d1: {  	v14 =	vmul.f32 v14, v4;
	[tilespmem:s0+$0x90] =	vst v11;
	v11 =	vld [tilespmem:s15+$0xFFFFFF60]  }
0x4d2: {  	[tilespmem:s0+$0xFFFFFF10] =	vst v15;
	v12 =	vmul.f32 v12, v2;
	v15 =	vld [tilespmem:s19+$0xA0]  }
0x4d3: {  	[tilespmem:s0+$0xFFFFFF90] =	vst v14;
	v16 =	vld [tilespmem:s19+$0xFFFFFF20];
	v9 =	vmul.f32 v9, v8  }
0x4d4: {  	s7 =	simm.s32 $0x8;
	v17 =	vld [tilespmem:s19+$0xFFFFFFA0];
	[tilespmem:s0+$0x10] =	vst v12;
	v12 =	vmul.f32 v13, v5  }
0x4d5: {  	s23 =	simm.s32 $0x9;
	v13 =	vmov s7;
	v18 =	vld [tilespmem:s19+$0x20];
	v10 =	vmul.f32 v10, v7;
	[tilespmem:s3+$0xE0] =	vst v9  }
0x4d6: {  	s31 =	simm.s32 $0xA;
	v14 =	vmov s23;
	[tilespmem:s3+$0x50] =	vst v12;
	v9 =	vand.u32 $0x7C, v13;
	v11 =	vmul.f32 v11, v6;
	v19 =	vld [tilespmem:s15+$0xF0]  }
0x4d7: {  	v12 =	vmov s31;
	v15 =	vmul.f32 v15, v3;
	v13 =	vld [tilespmem:s15+$0x60];
	v9 =	vor.u32 $0x3E00, v9;
	[tilespmem:s3+$0xFFFFFFE0] =	vst v10  }
0x4d8: {  	v16 =	vmul.f32 v16, v1;
	v10 =	vand.u32 $0x7D, v14;
	v9 =	vbroadcast v9, $0x0;
	[tilespmem:s3+$0xFFFFFF60] =	vst v11;
	v14 =	vld [tilespmem:s15+$0xFFFFFFF0]  }
0x4d9: {  	v20 =	vmul.f32 v17, v4;
	v10 =	vor.u32 $0x3E00, v10;
	v11 =	vand.u32 $0x7E, v12;
	[tilespmem:s0+$0xA0] =	vst v15;
	v15 =	vld [tilespmem:s15+$0xFFFFFF70]  }
0x4da: {  	[tilespmem:s0+$0xFFFFFF20] =	vst v16;
	v17 =	vmul.f32 v18, v2;
	v10 =	vbroadcast v10, $0x0;
	v11 =	vor.u32 $0x3E00, v11;
	v16 =	vld [tilespmem:s19+$0xB0]  }
0x4db: {  	s6 =	simm.s32 $0xC;
	s7 =	simm.s32 $0xB;
	[tilespmem:s0+$0xFFFFFFA0] =	vst v20;
	v12 =	vld [tilespmem:s19+$0xFFFFFF30];
	v11 =	vbroadcast v11, $0x0;
	v18 =	vmul.f32 v19, v8  }
.LBB2_18:
0x4dc: {  	p0 =	slt.u32 s6, $0x4C;
	v8 =	vmov s7;
	v19 =	vld [tilespmem:s19+$0xFFFFFFB0];
	[tilespmem:s0+$0x20] =	vst v17;
	v13 =	vmul.f32 v13, v5  }
0x4dd: {  	v8 =	vand.u32 $0x7F, v8;
	v17 =	vld [tilespmem:s19+$0x30];
	v14 =	vmul.f32 v14, v7;
	[tilespmem:s3+$0xF0] =	vst v18;
	v7 =	vmov v4  }
0x4de: {  	v4 =	vor.u32 $0x3E00, v8;
	v8 =	vmul.f32 v15, v6;
	[tilespmem:s3+$0x60] =	vst v13;
	v6 =	vmov v1;
	v1 =	vld.idx.msk [tilespmem:v9+s16+$0x0], $0xffff  }
0x4df: {  	v9 =	vbroadcast v4, $0x0;
	v13 =	vmul.f32 v16, v3;
	[tilespmem:s3+$0xFFFFFFF0] =	vst v14;
	v14 =	vld [tilespmem:s15+$0x70];
	s15 =	smov.u32 s19  }
0x4e0: {  	v4 =	vld.idx.msk [tilespmem:v10+s16+$0x0], $0xffff;
	v10 =	vmul.f32 v12, v6;
	[tilespmem:s3+$0xFFFFFF70] =	vst v8  }
0x4e1: {  	v8 =	vld.idx.msk [tilespmem:v11+s16+$0x0], $0xffff;
	v11 =	vmul.f32 v19, v7;
	[tilespmem:s0+$0xB0] =	vst v13  }
0x4e2: {  	[tilespmem:s0+$0xFFFFFF30] =	vst v10;
	v10 =	vmul.f32 v17, v2;
	v12 =	vld [tilespmem:s19+$0xC0]  }
0x4e3: {  	v13 =	vld [tilespmem:s19+$0xFFFFFF40];
	[tilespmem:s0+$0xFFFFFFB0] =	vst v11  }
0x4e4: {  	v11 =	vld [tilespmem:s19+$0xFFFFFFC0];
	[tilespmem:s0+$0x30] =	vst v10;
	v10 =	vmul.f32 v14, v5;
	v5 =	vmov v2  }
0x4e5: {  	s19 =	sadd.s32 $0x200, s19;
	v19 =	vld.idx.msk [tilespmem:v9+s16+$0x0], $0xffff  }
0x4e6: {  	v9 =	vld [tilespmem:s19+$0x80];
	[tilespmem:s3+$0x70] =	vst v10;
	s3 =	smov.u32 s0  }
0x4e7: {  	v2 =	vmov v8;
	v10 =	vld [tilespmem:s19+$0xFFFFFF00];
	v12 =	vmul.f32 v12, v3  }
0x4e8: {  	v8 =	vld [tilespmem:s19+$0xFFFFFF80];
	v13 =	vmul.f32 v13, v6  }
0x4e9: {  	v14 =	vld [tilespmem:s19+$0x0];
	v11 =	vmul.f32 v11, v7;
	[tilespmem:s0+$0xC0] =	vst v12  }
0x4ea: {  	[tilespmem:s0+$0xFFFFFF40] =	vst v13;
	v12 =	vld [tilespmem:s15+$0xD0]  }
0x4eb: {  	v9 =	vmul.f32 v9, v19;
	[tilespmem:s0+$0xFFFFFFC0] =	vst v11;
	v11 =	vld [tilespmem:s15+$0x40]  }
0x4ec: {  	s0 =	sadd.s32 $0x200, s0;
	v10 =	vmul.f32 v10, v1;
	v13 =	vld [tilespmem:s15+$0xFFFFFFD0]  }
0x4ed: {  	v8 =	vmul.f32 v8, v4;
	[tilespmem:s0+$0x80] =	vst v9;
	v9 =	vld [tilespmem:s15+$0xFFFFFF50]  }
0x4ee: {  	[tilespmem:s0+$0xFFFFFF00] =	vst v10;
	v10 =	vmul.f32 v14, v2;
	v14 =	vld [tilespmem:s19+$0x90]  }
0x4ef: {  	v15 =	vld [tilespmem:s19+$0xFFFFFF10];
	[tilespmem:s0+$0xFFFFFF80] =	vst v8;
	v8 =	vmul.f32 v12, v3  }
0x4f0: {  	v12 =	vld [tilespmem:s19+$0xFFFFFF90];
	[tilespmem:s0+$0x0] =	vst v10;
	v10 =	vmul.f32 v11, v5  }
0x4f1: {  	v11 =	vld [tilespmem:s19+$0x10];
	v13 =	vmul.f32 v13, v7;
	[tilespmem:s3+$0xD0] =	vst v8  }
0x4f2: {  	v8 =	vmul.f32 v9, v6;
	[tilespmem:s3+$0x40] =	vst v10;
	v9 =	vld [tilespmem:s15+$0xE0]  }
0x4f3: {  	v10 =	vmul.f32 v14, v19;
	[tilespmem:s3+$0xFFFFFFD0] =	vst v13;
	v13 =	vld [tilespmem:s15+$0x50]  }
0x4f4: {  	v14 =	vmul.f32 v15, v1;
	[tilespmem:s3+$0xFFFFFF50] =	vst v8;
	v8 =	vld [tilespmem:s15+$0xFFFFFFE0]  }
0x4f5: {  	v12 =	vmul.f32 v12, v4;
	[tilespmem:s0+$0x90] =	vst v10;
	v10 =	vld [tilespmem:s15+$0xFFFFFF60]  }
0x4f6: {  	[tilespmem:s0+$0xFFFFFF10] =	vst v14;
	v11 =	vmul.f32 v11, v2;
	v14 =	vld [tilespmem:s19+$0xA0]  }
0x4f7: {  	v15 =	vld [tilespmem:s19+$0xFFFFFF20];
	[tilespmem:s0+$0xFFFFFF90] =	vst v12;
	v9 =	vmul.f32 v9, v3  }
0x4f8: {  	v12 =	vld [tilespmem:s19+$0xFFFFFFA0];
	[tilespmem:s0+$0x10] =	vst v11;
	v11 =	vmul.f32 v13, v5  }
0x4f9: {  	s7 =	sadd.s32 $0x1, s6;
	v13 =	vmov s6;
	v16 =	vld [tilespmem:s19+$0x20];
	v8 =	vmul.f32 v8, v7;
	[tilespmem:s3+$0xE0] =	vst v9  }
0x4fa: {  	v17 =	vmov s7;
	s7 =	sadd.s32 $0x2, s6;
	v9 =	vand.u32 $0x7C, v13;
	v10 =	vmul.f32 v10, v6;
	[tilespmem:s3+$0x50] =	vst v11;
	v18 =	vld [tilespmem:s15+$0xF0]  }
.Ltmp8:
0x4fb: {  	v9 =	vor.u32 $0x3E00, v9;
	v11 =	vmov s7;
	v20 =	vmul.f32 v14, v19;
	[tilespmem:s3+$0xFFFFFFE0] =	vst v8;
	v13 =	vld [tilespmem:s15+$0x60];
	(pc) =	sbr.rel @p0 .LBB2_18-.Ltmp8, $4  }
0x4fc: {  	v9 =	vbroadcast v9, $0x0;
	v8 =	vand.u32 $0x7D, v17;
	v17 =	vmul.f32 v15, v1;
	[tilespmem:s3+$0xFFFFFF60] =	vst v10;
	v14 =	vld [tilespmem:s15+$0xFFFFFFF0]  }
0x4fd: {  	v11 =	vand.u32 $0x7E, v11;
	v8 =	vor.u32 $0x3E00, v8;
	v21 =	vmul.f32 v12, v4;
	[tilespmem:s0+$0xA0] =	vst v20;
	v15 =	vld [tilespmem:s15+$0xFFFFFF70]  }
0x4fe: {  	v10 =	vbroadcast v8, $0x0;
	v8 =	vor.u32 $0x3E00, v11;
	[tilespmem:s0+$0xFFFFFF20] =	vst v17;
	v17 =	vmul.f32 v16, v2;
	v16 =	vld [tilespmem:s19+$0xB0]  }
0x4ff: {  	s7 =	sadd.s32 $0x3, s6;
	s6 =	sadd.s32 $0x4, s6;
	v11 =	vbroadcast v8, $0x0;
	v12 =	vld [tilespmem:s19+$0xFFFFFF30];
	[tilespmem:s0+$0xFFFFFFA0] =	vst v21;
	v18 =	vmul.f32 v18, v3;
	v3 =	vmov v19  }
0x500: {  	v8 =	vmov s7  }
0x501: {  	v8 =	vand.u32 $0x7F, v8  }
0x502: {  	v8 =	vor.u32 $0x3E00, v8  }
0x503: {  	v19 =	vbroadcast v8, $0x0  }
0x504: {  	v10 =	vld.idx.msk [tilespmem:v10+s16+$0x0], $0xffff;
	s31 =	sadd.s32 $0x200, s19  }
0x505: {  	v34 =	vld [tilespmem:s31+$0x80]  }
0x506: {  	v20 =	vld [tilespmem:s31+$0xFFFFFF80]  }
0x507: {  	v8 =	vld.idx.msk [tilespmem:v9+s16+$0x0], $0xffff  }
0x508: {  	v9 =	vld.idx.msk [tilespmem:v11+s16+$0x0], $0xffff  }
0x509: {  	v11 =	vld.idx.msk [tilespmem:v19+s16+$0x0], $0xffff  }
0x50a: {  	v22 =	vld [tilespmem:s31+$0x0]  }
0x50b: {  	v21 =	vld [tilespmem:s31+$0xFFFFFF00];
	_ =	sdelay $0x1  }
0x50c: {  	v20 =	vmul.f32 v20, v10  }
0x50d: {  	s6 =	sadd.s32 $0x200, s0;
	v19 =	vmul.f32 v34, v11  }
0x50e: {  	v35 =	vmul.f32 v22, v9;
	[tilespmem:s6+$0xFFFFFF80] =	vst v20  }
0x50f: {  	v21 =	vmul.f32 v21, v8;
	v20 =	vld [tilespmem:s31+$0xFFFFFF90];
	[tilespmem:s6+$0x80] =	vst v19  }
0x510: {  	[tilespmem:s6+$0x0] =	vst v35;
	v36 =	vld [tilespmem:s31+$0x90]  }
0x511: {  	[tilespmem:s6+$0xFFFFFF00] =	vst v21;
	v19 =	vld [tilespmem:s31+$0x10]  }
0x512: {  	v21 =	vld [tilespmem:s31+$0xFFFFFF10]  }
0x513: {  	v13 =	vmul.f32 v13, v5  }
0x514: {  	[tilespmem:s0+$0x20] =	vst v17;
	v38 =	vmul.f32 v20, v10  }
0x515: {  	[tilespmem:s3+$0x60] =	vst v13;
	v37 =	vmul.f32 v36, v11  }
0x516: {  	[tilespmem:s6+$0xFFFFFF90] =	vst v38;
	v19 =	vmul.f32 v19, v9  }
0x517: {  	v39 =	vmul.f32 v21, v8;
	v41 =	vld [tilespmem:s31+$0xFFFFFFA0];
	[tilespmem:s6+$0x90] =	vst v37  }
0x518: {  	v7 =	vmul.f32 v14, v7;
	[tilespmem:s6+$0x10] =	vst v19;
	v40 =	vld [tilespmem:s31+$0xA0]  }
0x519: {  	v6 =	vmul.f32 v15, v6;
	[tilespmem:s6+$0xFFFFFF10] =	vst v39;
	v43 =	vld [tilespmem:s31+$0x20]  }
0x51a: {  	v44 =	vmul.f32 v16, v3;
	[tilespmem:s3+$0xFFFFFFF0] =	vst v7;
	v42 =	vld [tilespmem:s31+$0xFFFFFF20]  }
0x51b: {  	v45 =	vld [tilespmem:s19+$0xFFFFFFB0];
	[tilespmem:s3+$0xFFFFFF70] =	vst v6;
	v12 =	vmul.f32 v12, v1  }
0x51c: {  	v47 =	vld [tilespmem:s19+$0x30];
	[tilespmem:s0+$0xB0] =	vst v44;
	v48 =	vmul.f32 v41, v10  }
0x51d: {  	[tilespmem:s0+$0xFFFFFF30] =	vst v12;
	v56 =	vld [tilespmem:s19+$0xC0];
	v46 =	vmul.f32 v40, v11  }
0x51e: {  	v49 =	vld [tilespmem:s15+$0x70];
	[tilespmem:s6+$0xFFFFFFA0] =	vst v48;
	v50 =	vmul.f32 v43, v9  }
0x51f: {  	v14 =	vmul.f32 v42, v8;
	v52 =	vld [tilespmem:s31+$0xFFFFFFB0];
	[tilespmem:s6+$0xA0] =	vst v46  }
0x520: {  	v7 =	vmul.f32 v45, v4;
	[tilespmem:s6+$0x20] =	vst v50;
	v51 =	vld [tilespmem:s31+$0xB0]  }
0x521: {  	v54 =	vmul.f32 v47, v2;
	[tilespmem:s6+$0xFFFFFF20] =	vst v14;
	v55 =	vld [tilespmem:s31+$0x30]  }
0x522: {  	[tilespmem:s0+$0xFFFFFFB0] =	vst v7;
	v21 =	vmul.f32 v56, v3;
	v53 =	vld [tilespmem:s31+$0xFFFFFF30]  }
0x523: {  	v59 =	vld [tilespmem:s19+$0xFFFFFF40];
	v57 =	vmul.f32 v49, v5;
	[tilespmem:s0+$0x30] =	vst v54  }
0x524: {  	v61 =	vld [tilespmem:s19+$0x40];
	[tilespmem:s0+$0xC0] =	vst v21;
	v60 =	vmul.f32 v52, v10  }
0x525: {  	[tilespmem:s3+$0x70] =	vst v57;
	v26 =	vld [tilespmem:s19+$0xD0];
	v58 =	vmul.f32 v51, v11  }
0x526: {  	v7 =	vld [tilespmem:s19+$0xFFFFFFC0];
	[tilespmem:s6+$0xFFFFFFB0] =	vst v60;
	v62 =	vmul.f32 v55, v9  }
0x527: {  	v15 =	vmul.f32 v53, v8;
	v22 =	vld [tilespmem:s31+$0xFFFFFFC0];
	[tilespmem:s6+$0xB0] =	vst v58  }
0x528: {  	v24 =	vmul.f32 v59, v1;
	[tilespmem:s6+$0x30] =	vst v62;
	v20 =	vld [tilespmem:s31+$0xC0]  }
0x529: {  	v27 =	vmul.f32 v61, v2;
	[tilespmem:s6+$0xFFFFFF30] =	vst v15;
	v25 =	vld [tilespmem:s31+$0x40]  }
0x52a: {  	[tilespmem:s0+$0xFFFFFF40] =	vst v24;
	v32 =	vmul.f32 v26, v3;
	v23 =	vld [tilespmem:s31+$0xFFFFFF40]  }
0x52b: {  	v7 =	vmul.f32 v7, v4;
	v29 =	vld [tilespmem:s19+$0xFFFFFF50];
	[tilespmem:s0+$0x40] =	vst v27  }
0x52c: {  	v31 =	vld [tilespmem:s19+$0x50];
	[tilespmem:s0+$0xD0] =	vst v32;
	v30 =	vmul.f32 v22, v10  }
0x52d: {  	[tilespmem:s0+$0xFFFFFFC0] =	vst v7;
	v36 =	vld [tilespmem:s19+$0xE0];
	v12 =	vmul.f32 v20, v11  }
0x52e: {  	v28 =	vld [tilespmem:s19+$0xFFFFFFD0];
	[tilespmem:s6+$0xFFFFFFC0] =	vst v30;
	v5 =	vmul.f32 v25, v9  }
0x52f: {  	v16 =	vmul.f32 v23, v8;
	v33 =	vld [tilespmem:s31+$0xFFFFFFD0];
	[tilespmem:s6+$0xC0] =	vst v12  }
0x530: {  	v34 =	vmul.f32 v29, v1;
	[tilespmem:s6+$0x40] =	vst v5;
	v12 =	vld [tilespmem:s31+$0xD0]  }
0x531: {  	v37 =	vmul.f32 v31, v2;
	[tilespmem:s6+$0xFFFFFF40] =	vst v16;
	v35 =	vld [tilespmem:s31+$0x50]  }
0x532: {  	[tilespmem:s0+$0xFFFFFF50] =	vst v34;
	v45 =	vmul.f32 v36, v3;
	v16 =	vld [tilespmem:s31+$0xFFFFFF50]  }
0x533: {  	v6 =	vmul.f32 v28, v4;
	v39 =	vld [tilespmem:s19+$0xFFFFFF60];
	[tilespmem:s0+$0x50] =	vst v37  }
0x534: {  	v41 =	vld [tilespmem:s19+$0x60];
	[tilespmem:s0+$0xE0] =	vst v45;
	v40 =	vmul.f32 v33, v10  }
0x535: {  	[tilespmem:s0+$0xFFFFFFD0] =	vst v6;
	v50 =	vld [tilespmem:s19+$0xF0];
	v12 =	vmul.f32 v12, v11  }
0x536: {  	v38 =	vld [tilespmem:s19+$0xFFFFFFE0];
	[tilespmem:s6+$0xFFFFFFD0] =	vst v40;
	v44 =	vmul.f32 v35, v9  }
0x537: {  	v42 =	vmul.f32 v16, v8;
	v46 =	vld [tilespmem:s31+$0xFFFFFFE0];
	[tilespmem:s6+$0xD0] =	vst v12  }
0x538: {  	v48 =	vmul.f32 v39, v1;
	[tilespmem:s6+$0x50] =	vst v44;
	v43 =	vld [tilespmem:s31+$0xE0]  }
0x539: {  	v51 =	vmul.f32 v41, v2;
	[tilespmem:s6+$0xFFFFFF50] =	vst v42;
	v49 =	vld [tilespmem:s31+$0x60]  }
0x53a: {  	[tilespmem:s0+$0xFFFFFF60] =	vst v48;
	v3 =	vmul.f32 v50, v3;
	v47 =	vld [tilespmem:s31+$0xFFFFFF60]  }
0x53b: {  	[tilespmem:s0+$0x60] =	vst v51;
	v5 =	vmul.f32 v38, v4  }
0x53c: {  	v54 =	vld [tilespmem:s19+$0xFFFFFF70];
	[tilespmem:s0+$0xF0] =	vst v3;
	v55 =	vmul.f32 v46, v10  }
0x53d: {  	v56 =	vld [tilespmem:s19+$0x70];
	[tilespmem:s0+$0xFFFFFFE0] =	vst v5;
	v53 =	vmul.f32 v43, v11  }
0x53e: {  	v52 =	vld [tilespmem:s19+$0xFFFFFFF0];
	[tilespmem:s6+$0xFFFFFFE0] =	vst v55;
	v59 =	vmul.f32 v49, v9  }
0x53f: {  	v57 =	vmul.f32 v47, v8;
	v60 =	vld [tilespmem:s31+$0xFFFFFFF0];
	[tilespmem:s6+$0xE0] =	vst v53  }
0x540: {  	[tilespmem:s6+$0x60] =	vst v59;
	v58 =	vld [tilespmem:s31+$0xF0]  }
0x541: {  	v1 =	vmul.f32 v54, v1;
	[tilespmem:s6+$0xFFFFFF60] =	vst v57;
	v3 =	vld [tilespmem:s31+$0x70]  }
0x542: {  	[tilespmem:s3+$0xF0] =	vst v18;
	v2 =	vmul.f32 v56, v2;
	v62 =	vld [tilespmem:s31+$0xFFFFFF70]  }
0x543: {  	[tilespmem:s0+$0xFFFFFF70] =	vst v1;
	v61 =	vmul.f32 v52, v4  }
0x544: {  	[tilespmem:s0+$0x70] =	vst v2;
	v2 =	vmul.f32 v60, v10  }
0x545: {  	[tilespmem:s0+$0xFFFFFFF0] =	vst v61;
	v1 =	vmul.f32 v58, v11  }
0x546: {  	[tilespmem:s6+$0xFFFFFFF0] =	vst v2;
	v2 =	vmul.f32 v3, v9  }
0x547: {  	[tilespmem:s6+$0xF0] =	vst v1;
	v1 =	vmul.f32 v62, v8  }
0x548: {  	[tilespmem:s6+$0x70] =	vst v2  }
0x549: {  	s19 =	simm.s32 $0x7E00;
	[tilespmem:s6+$0xFFFFFF70] =	vst v1  }
0x54a: {  	[spmem:s2] =	stream.indirect.scatter.add.f32 [tilespmem:s21], [sflag:$0x3], $0x80, s19, s17, $0xb8;
	v63 =	vld [tilespmem:$0x0]  }
0x54b: {  	_ =	swait.ge [sflag:s30], $0x2800  }
0x54c: {  	[sflag:s30] =	ssyncset.done $0x0  }
0x54d: {  	[sflag:s30] =	ssyncadd.s32 $0xFFFFD800  }
0x54e: {  	s23 =	stileid.u32;
	_ =	swait.ge [sflag:s29], $0x2800  }
0x54f: {  	s25 =	sadd.s32 $0x1, s25;
	s0 =	sshll.u32 s23, $0x6;
	[sflag:s29] =	ssyncset.done $0x0  }
0x550: {  	p0 =	sne.s32 s25, s10;
	s0 =	sor.u32 $0x1C05, s0;
	[sflag:s29] =	ssyncadd.s32 $0xFFFFD800  }
.Ltmp9:
0x551: {  	s31 =	sshrl.u32 s5, $0x3;
	[bflag:$0x0] =	sbarrier.arrive $0xFFFF;
	(pc) =	sbr.rel @p0 .LBB2_1-.Ltmp9, $4  }
0x552: {  	[hbm:s9], [sflag:s0] =	dma.local [spmem:s31], $0x1400  }
0x553: {  	_ =	swait.ge [sflag:s14], $0x1400  }
0x554: {  	[sflag:s14] =	ssyncset.done $0x0  }
0x555: {  	[sflag:s14] =	ssyncadd.s32 $0xFFFFEC00  }
0x556: {  	_ =	sfence.sel $0x180000  }
0x557: {  	[bflag:$0x0] =	sbarrier.arrive $0xFFFF  }
0x558: {  	_ =	strace $0x90000047  }
0x559: {  	s0 =	stileid.u32;
	[bflag:$0x2] =	sbarrier.arrive $0xFFFF  }
0x55a: {  	p0 =	sne.s32 s0, $0x0;
	s0 =	rddreg [dreg:$0x4]  }
0x55b: {  	s0 =	sadd.s32 @!p0 $0x100000, s0  }
0x55c: {  	[sflag:s0] =	ssyncadd.tile.s32 @!p0 $0x1;
	_ =	shalt  }
.Lfunc_end2:
_tile_overlayer_lowered:
.L_overlay_start_2:
0x55d: {  	(tag) =	ssettag $0x2  }
0x55e: {  	s0 =	rddreg [dreg:$0x0];
	s2 =	stileid.u32  }
0x55f: {  	s1 =	rddreg [dreg:$0x1];
	p0 =	sne.s32 s2, $0x0  }
0x560: {  	s3 =	rddreg [dreg:$0x2];
	[bflag:$0x3] =	sbarrier.arrive $0xFFFF;
	s2 =	simm.s32 @!p0 $0x1C05  }
0x561: {  	[timem:s3], [sflag:s2] =	dma.local @!p0 [hbm:s0], s1  }
0x562: {  	s0 =	simm.s32 @!p0 $0x5  }
0x563: {  	_ =	swait.ge @!p0 [sflag:s0], s1  }
0x564: {  	s1 =	ssub.s32 @!p0 $0x0, s1;
	[sflag:s0] =	ssyncset.done @!p0 $0x0  }
0x565: {  	[sflag:s0] =	ssyncadd.s32 @!p0 s1  }
0x566: {  	[bflag:$0x3] =	sbarrier.arrive $0xFFFF  }
0x567: {  	_ =	shalt  }

</sc_bundles>
